<compile_context>
chip_gen: v7x
topology: tpu7x:2x2x1
jax: 0.10.2.dev20260603
libtpu: 0.0.44.dev20260713+nightly
codegen_flags: <defaults>
</compile_context>

<pallas_src>
import functools

import jax
import jax.numpy as jnp
from jax import lax
from jax.experimental import pallas as pl
from jax.experimental.pallas import tpu as pltpu
from jax.experimental.pallas import tpu_sc as plsc

V = 100000
D = 128
B = 16384
L = 16
NC = 2
NS = 16
NW = NC * NS
BPW = B // NW
CH = 128
NCH = BPW // CH

_mesh = plsc.VectorSubcoreMesh(core_axis_name="c", subcore_axis_name="s")


@functools.partial(
    pl.kernel,
    mesh=_mesh,
    compiler_params=pltpu.CompilerParams(needs_layout_passes=False),
    out_type=jax.ShapeDtypeStruct((B,), jnp.float32),
    scratch_types=(
        [pltpu.VMEM((CH,), jnp.int32) for _ in range(2 * NCH)]
        + [
            pltpu.VMEM((BPW,), jnp.int32),
            pltpu.VMEM((BPW,), jnp.int32),
            pltpu.VMEM((BPW,), jnp.float32),
            pltpu.VMEM((BPW,), jnp.float32),
        ]
        + [pltpu.VMEM((CH, D), jnp.float32) for _ in range(4)]
        + [
            pltpu.VMEM((CH * L,), jnp.float32),
            pltpu.VMEM((BPW,), jnp.float32),
            pltpu.SemaphoreType.DMA,
            pltpu.SemaphoreType.DMA,
            pltpu.SemaphoreType.DMA,
        ]
    ),
)
def _sc_dot(t_emb, c_emb, t_bias, c_bias, t_ind, c_ind, out_hbm, *scratch):
    t_idx = scratch[0:NCH]
    c_idx = scratch[NCH:2 * NCH]
    t_ia, c_ia, t_ba, c_ba = scratch[2 * NCH:2 * NCH + 4]
    t_rows = scratch[2 * NCH + 4:2 * NCH + 6]
    c_rows = scratch[2 * NCH + 6:2 * NCH + 8]
    pp, p_v, sem0, sem1, sem_b = scratch[2 * NCH + 8:]
    sems = (sem0, sem1)
    wid = lax.axis_index("s") * NC + lax.axis_index("c")
    base = wid * BPW

    for ch in range(NCH):
        pltpu.async_copy(t_ind.at[pl.ds(base + ch * CH, CH)], t_idx[ch], sem_b)
        pltpu.async_copy(c_ind.at[pl.ds(base + ch * CH, CH)], c_idx[ch], sem_b)
    pltpu.async_copy(t_ind.at[pl.ds(base, BPW)], t_ia, sem_b)
    pltpu.async_copy(c_ind.at[pl.ds(base, BPW)], c_ia, sem_b)
    pltpu.make_async_copy(t_ind.at[pl.ds(base, CH)], t_idx[0], sem_b).wait()
    pltpu.make_async_copy(c_ind.at[pl.ds(base, CH)], c_idx[0], sem_b).wait()
    pltpu.async_copy(t_emb.at[t_idx[0]], t_rows[0], sems[0])
    pltpu.async_copy(c_emb.at[c_idx[0]], c_rows[0], sems[0])
    for ch in range(1, NCH):
        pltpu.make_async_copy(t_ind.at[pl.ds(base + ch * CH, CH)], t_idx[ch], sem_b).wait()
        pltpu.make_async_copy(c_ind.at[pl.ds(base + ch * CH, CH)], c_idx[ch], sem_b).wait()
    pltpu.make_async_copy(t_ind.at[pl.ds(base, BPW)], t_ia, sem_b).wait()
    pltpu.make_async_copy(c_ind.at[pl.ds(base, BPW)], c_ia, sem_b).wait()
    pltpu.async_copy(t_bias.at[t_ia], t_ba, sem_b)
    pltpu.async_copy(c_bias.at[c_ia], c_ba, sem_b)

    lane_ch = lax.iota(jnp.int32, 16) * CH

    for ch in range(NCH):
        bi = ch % 2
        nxt = ch + 1
        if nxt < NCH:
            pltpu.async_copy(t_emb.at[t_idx[nxt]], t_rows[nxt % 2], sems[nxt % 2])
            pltpu.async_copy(c_emb.at[c_idx[nxt]], c_rows[nxt % 2], sems[nxt % 2])
        pltpu.make_async_copy(t_emb.at[t_idx[ch]], t_rows[bi], sems[bi]).wait()
        pltpu.make_async_copy(c_emb.at[c_idx[ch]], c_rows[bi], sems[bi]).wait()
        tr = t_rows[bi]
        cr = c_rows[bi]

        @plsc.parallel_loop(0, CH, unroll=4)
        def s1(e, tr=tr, cr=cr):
            ps = [tr[e, pl.ds(j * L, L)] * cr[e, pl.ds(j * L, L)]
                  for j in range(D // L)]
            while len(ps) > 1:
                ps = [a + b for a, b in zip(ps[::2], ps[1::2])]
            plsc.store_scatter(pp, [lane_ch + e], ps[0])

        if ch == 0:
            pltpu.make_async_copy(t_bias.at[t_ia], t_ba, sem_b).wait()
            pltpu.make_async_copy(c_bias.at[c_ia], c_ba, sem_b).wait()

        @plsc.parallel_loop(0, CH // L, unroll=2)
        def s2(g, ch=ch):
            acc = (t_ba[pl.ds(ch * CH + g * L, L)]
                   + c_ba[pl.ds(ch * CH + g * L, L)])
            for l in range(L):
                acc = acc + pp[pl.ds(l * CH + g * L, L)]
            p_v[pl.ds(ch * CH + g * L, L)] = acc

    pltpu.sync_copy(p_v, out_hbm.at[pl.ds(base, BPW)])


def _tc_weighted_loss(p_ref, co_ref, out_ref):
    p = p_ref[...]
    co = co_ref[...]
    w = jnp.minimum(1.0, jnp.power(co * (1.0 / 100.0), 0.75))
    dist = p - jnp.log(co + 1.0)
    out_ref[...] = jnp.sum(w * dist * dist).reshape(1, 1)


def kernel(target_embeddings, context_embeddings, target_biases, context_biases,
           co_occurs, target_ind, context_ind):
    p = _sc_dot(target_embeddings, context_embeddings, target_biases,
                context_biases, target_ind, context_ind)
    out = pl.pallas_call(
        _tc_weighted_loss,
        out_shape=jax.ShapeDtypeStruct((1, 1), jnp.float32),
    )(p.reshape(128, 128), co_occurs.reshape(128, 128))
    return out[0, 0]

# --- scband reference (transcript-rebuilt; emitter-appended) ---
"""Pipeline reference for scband-glo-ve-84774064488556 (READ-ONLY COPY).

The authoritative reference and input builder live on the scoring server;
editing this copy changes nothing except your own understanding.
"""

import jax, jax.numpy as jnp
import numpy as np

V = 100000      # vocab_size (set from data in the original via buildCoMatrix)
D = 128         # embedding_dim
B = 16384       # batch_size
X_MAX = 100.0   # max_vocab_size used as weighting denominator
ALPHA = 0.75    # scaling_factor


def setup_inputs(seed: int = 0) -> dict:
    key = jax.random.key(seed)
    k1, k2, k3, k4, k5, k6, k7 = jax.random.split(key, 7)
    target_embeddings = jax.random.uniform(k1, (V, D), minval=-0.1, maxval=0.1, dtype=jnp.float32)
    context_embeddings = jax.random.uniform(k2, (V, D), minval=-0.1, maxval=0.1, dtype=jnp.float32)
    target_biases = jax.random.uniform(k3, (V,), minval=-0.1, maxval=0.1, dtype=jnp.float32)
    context_biases = jax.random.uniform(k4, (V,), minval=-0.1, maxval=0.1, dtype=jnp.float32)
    target_ind = jax.random.randint(k5, (B,), 0, V, dtype=jnp.int32)
    context_ind = jax.random.randint(k6, (B,), 0, V, dtype=jnp.int32)
    co_occurs = jax.random.uniform(k7, (B,), minval=0.0, maxval=500.0, dtype=jnp.float32)
    return {
        "target_embeddings": target_embeddings,
        "context_embeddings": context_embeddings,
        "target_biases": target_biases,
        "context_biases": context_biases,
        "co_occurs": co_occurs,
        "target_ind": target_ind,
        "context_ind": context_ind,
    }


def reference(target_embeddings, context_embeddings, target_biases, context_biases, co_occurs, target_ind, context_ind):
    # tf.nn.embedding_lookup -> jnp.take (gather rows)
    target_emb = jnp.take(target_embeddings, target_ind, axis=0)
    context_emb = jnp.take(context_embeddings, context_ind, axis=0)
    target_bias = jnp.take(target_biases, target_ind, axis=0)
    context_bias = jnp.take(context_biases, context_ind, axis=0)
    # weight = min(1, (x / max_vocab_size) ** scaling_factor)
    weight = jnp.minimum(1.0, jnp.power(co_occurs / jnp.float32(X_MAX), ALPHA))
    emb_product = jnp.sum(target_emb * context_emb, axis=1)
    log_cooccurrence = jnp.log(co_occurs.astype(jnp.float32) + 1.0)
    distance_cost = jnp.square(emb_product + target_bias + context_bias - log_cooccurrence)
    batch_cost = jnp.sum(weight * distance_cost)
    return batch_cost

if __name__ == "__main__":
    import jax
    _d = setup_inputs()
    print(jax.jit(kernel)(*tuple(_d.values())))

</pallas_src>

<mosaic_0001>
#map = affine_map<(d0, d1) -> (0, 0)>
#map1 = affine_map<(d0, d1) -> (0)>
module attributes {stable_mosaic.version = 14 : i64} {
  func.func @_sc_dot(%arg0: i32, %arg1: i32, %arg2: memref<100000x128xf32, #tpu.memory_space<hbm>>, %arg3: memref<100000x128xf32, #tpu.memory_space<hbm>>, %arg4: memref<100000xf32, #tpu.memory_space<hbm>>, %arg5: memref<100000xf32, #tpu.memory_space<hbm>>, %arg6: memref<16384xi32, #tpu.memory_space<hbm>>, %arg7: memref<16384xi32, #tpu.memory_space<hbm>>, %arg8: memref<16384xf32, #tpu.memory_space<hbm>>, %arg9: memref<128xi32, #tpu.memory_space<vmem>>, %arg10: memref<128xi32, #tpu.memory_space<vmem>>, %arg11: memref<128xi32, #tpu.memory_space<vmem>>, %arg12: memref<128xi32, #tpu.memory_space<vmem>>, %arg13: memref<128xi32, #tpu.memory_space<vmem>>, %arg14: memref<128xi32, #tpu.memory_space<vmem>>, %arg15: memref<128xi32, #tpu.memory_space<vmem>>, %arg16: memref<128xi32, #tpu.memory_space<vmem>>, %arg17: memref<512xi32, #tpu.memory_space<vmem>>, %arg18: memref<512xi32, #tpu.memory_space<vmem>>, %arg19: memref<512xf32, #tpu.memory_space<vmem>>, %arg20: memref<512xf32, #tpu.memory_space<vmem>>, %arg21: memref<128x128xf32, #tpu.memory_space<vmem>>, %arg22: memref<128x128xf32, #tpu.memory_space<vmem>>, %arg23: memref<128x128xf32, #tpu.memory_space<vmem>>, %arg24: memref<128x128xf32, #tpu.memory_space<vmem>>, %arg25: memref<2048xf32, #tpu.memory_space<vmem>>, %arg26: memref<512xf32, #tpu.memory_space<vmem>>, %arg27: memref<!tpu.dma_semaphore, #tpu.memory_space<semaphore_mem>>, %arg28: memref<!tpu.dma_semaphore, #tpu.memory_space<semaphore_mem>>, %arg29: memref<!tpu.dma_semaphore, #tpu.memory_space<semaphore_mem>>) attributes {dimension_semantics = [#tpu.dimension_semantics<core_parallel>, #tpu.dimension_semantics<subcore_parallel>], iteration_bounds = array<i64: 2, 16>, scalar_prefetch = 0 : i64, scratch_operands = 21 : i64, tpu.core_type = #tpu.core_type<sc_vector_subcore>, window_params = [{transform_indices = #map}, {transform_indices = #map}, {transform_indices = #map1}, {transform_indices = #map1}, {transform_indices = #map1}, {transform_indices = #map1}, {transform_indices = #map1}]} {
    %mul3A = arith.constant 2 : i32
    %mul3A_0 = arith.muli %arg1, %mul3A : i32
    %add3A = arith.addi %mul3A_0, %arg0 : i32
    %mul3A_1 = arith.constant 512 : i32
    %mul3A_2 = arith.muli %add3A, %mul3A_1 : i32
    %add3A_3 = arith.constant 0 : i32
    %add3A_4 = arith.addi %mul3A_2, %add3A_3 : i32
    %dma_start3A = tpu.memref_slice %arg6[%add3A_4] : memref<16384xi32, #tpu.memory_space<hbm>> -> memref<128xi32, #tpu.memory_space<hbm>>
    %dma_start3A_5 = tpu.memref_slice %arg6[%add3A_4] : memref<16384xi32, #tpu.memory_space<hbm>> -> memref<128xi32, #tpu.memory_space<hbm>>
    tpu.enqueue_dma source(%dma_start3A_5 : memref<128xi32, #tpu.memory_space<hbm>>) target(%arg9 : memref<128xi32, #tpu.memory_space<vmem>>) target_semaphore(%arg29 : memref<!tpu.dma_semaphore, #tpu.memory_space<semaphore_mem>>)
    %add3A_6 = arith.constant 0 : i32
    %add3A_7 = arith.addi %mul3A_2, %add3A_6 : i32
    %dma_start3A_8 = tpu.memref_slice %arg7[%add3A_7] : memref<16384xi32, #tpu.memory_space<hbm>> -> memref<128xi32, #tpu.memory_space<hbm>>
    %dma_start3A_9 = tpu.memref_slice %arg7[%add3A_7] : memref<16384xi32, #tpu.memory_space<hbm>> -> memref<128xi32, #tpu.memory_space<hbm>>
    tpu.enqueue_dma source(%dma_start3A_9 : memref<128xi32, #tpu.memory_space<hbm>>) target(%arg13 : memref<128xi32, #tpu.memory_space<vmem>>) target_semaphore(%arg29 : memref<!tpu.dma_semaphore, #tpu.memory_space<semaphore_mem>>)
    %add3A_10 = arith.constant 128 : i32
    %add3A_11 = arith.addi %mul3A_2, %add3A_10 : i32
    %dma_start3A_12 = tpu.memref_slice %arg6[%add3A_11] : memref<16384xi32, #tpu.memory_space<hbm>> -> memref<128xi32, #tpu.memory_space<hbm>>
    %dma_start3A_13 = tpu.memref_slice %arg6[%add3A_11] : memref<16384xi32, #tpu.memory_space<hbm>> -> memref<128xi32, #tpu.memory_space<hbm>>
    tpu.enqueue_dma source(%dma_start3A_13 : memref<128xi32, #tpu.memory_space<hbm>>) target(%arg10 : memref<128xi32, #tpu.memory_space<vmem>>) target_semaphore(%arg29 : memref<!tpu.dma_semaphore, #tpu.memory_space<semaphore_mem>>)
    %add3A_14 = arith.constant 128 : i32
    %add3A_15 = arith.addi %mul3A_2, %add3A_14 : i32
    %dma_start3A_16 = tpu.memref_slice %arg7[%add3A_15] : memref<16384xi32, #tpu.memory_space<hbm>> -> memref<128xi32, #tpu.memory_space<hbm>>
    %dma_start3A_17 = tpu.memref_slice %arg7[%add3A_15] : memref<16384xi32, #tpu.memory_space<hbm>> -> memref<128xi32, #tpu.memory_space<hbm>>
    tpu.enqueue_dma source(%dma_start3A_17 : memref<128xi32, #tpu.memory_space<hbm>>) target(%arg14 : memref<128xi32, #tpu.memory_space<vmem>>) target_semaphore(%arg29 : memref<!tpu.dma_semaphore, #tpu.memory_space<semaphore_mem>>)
    %add3A_18 = arith.constant 256 : i32
    %add3A_19 = arith.addi %mul3A_2, %add3A_18 : i32
    %dma_start3A_20 = tpu.memref_slice %arg6[%add3A_19] : memref<16384xi32, #tpu.memory_space<hbm>> -> memref<128xi32, #tpu.memory_space<hbm>>
    %dma_start3A_21 = tpu.memref_slice %arg6[%add3A_19] : memref<16384xi32, #tpu.memory_space<hbm>> -> memref<128xi32, #tpu.memory_space<hbm>>
    tpu.enqueue_dma source(%dma_start3A_21 : memref<128xi32, #tpu.memory_space<hbm>>) target(%arg11 : memref<128xi32, #tpu.memory_space<vmem>>) target_semaphore(%arg29 : memref<!tpu.dma_semaphore, #tpu.memory_space<semaphore_mem>>)
    %add3A_22 = arith.constant 256 : i32
    %add3A_23 = arith.addi %mul3A_2, %add3A_22 : i32
    %dma_start3A_24 = tpu.memref_slice %arg7[%add3A_23] : memref<16384xi32, #tpu.memory_space<hbm>> -> memref<128xi32, #tpu.memory_space<hbm>>
    %dma_start3A_25 = tpu.memref_slice %arg7[%add3A_23] : memref<16384xi32, #tpu.memory_space<hbm>> -> memref<128xi32, #tpu.memory_space<hbm>>
    tpu.enqueue_dma source(%dma_start3A_25 : memref<128xi32, #tpu.memory_space<hbm>>) target(%arg15 : memref<128xi32, #tpu.memory_space<vmem>>) target_semaphore(%arg29 : memref<!tpu.dma_semaphore, #tpu.memory_space<semaphore_mem>>)
    %add3A_26 = arith.constant 384 : i32
    %add3A_27 = arith.addi %mul3A_2, %add3A_26 : i32
    %dma_start3A_28 = tpu.memref_slice %arg6[%add3A_27] : memref<16384xi32, #tpu.memory_space<hbm>> -> memref<128xi32, #tpu.memory_space<hbm>>
    %dma_start3A_29 = tpu.memref_slice %arg6[%add3A_27] : memref<16384xi32, #tpu.memory_space<hbm>> -> memref<128xi32, #tpu.memory_space<hbm>>
    tpu.enqueue_dma source(%dma_start3A_29 : memref<128xi32, #tpu.memory_space<hbm>>) target(%arg12 : memref<128xi32, #tpu.memory_space<vmem>>) target_semaphore(%arg29 : memref<!tpu.dma_semaphore, #tpu.memory_space<semaphore_mem>>)
    %add3A_30 = arith.constant 384 : i32
    %add3A_31 = arith.addi %mul3A_2, %add3A_30 : i32
    %dma_start3A_32 = tpu.memref_slice %arg7[%add3A_31] : memref<16384xi32, #tpu.memory_space<hbm>> -> memref<128xi32, #tpu.memory_space<hbm>>
    %dma_start3A_33 = tpu.memref_slice %arg7[%add3A_31] : memref<16384xi32, #tpu.memory_space<hbm>> -> memref<128xi32, #tpu.memory_space<hbm>>
    tpu.enqueue_dma source(%dma_start3A_33 : memref<128xi32, #tpu.memory_space<hbm>>) target(%arg16 : memref<128xi32, #tpu.memory_space<vmem>>) target_semaphore(%arg29 : memref<!tpu.dma_semaphore, #tpu.memory_space<semaphore_mem>>)
    %dma_start3A_34 = tpu.memref_slice %arg6[%mul3A_2] : memref<16384xi32, #tpu.memory_space<hbm>> -> memref<512xi32, #tpu.memory_space<hbm>>
    %dma_start3A_35 = tpu.memref_slice %arg6[%mul3A_2] : memref<16384xi32, #tpu.memory_space<hbm>> -> memref<512xi32, #tpu.memory_space<hbm>>
    tpu.enqueue_dma source(%dma_start3A_35 : memref<512xi32, #tpu.memory_space<hbm>>) target(%arg17 : memref<512xi32, #tpu.memory_space<vmem>>) target_semaphore(%arg29 : memref<!tpu.dma_semaphore, #tpu.memory_space<semaphore_mem>>)
    %dma_start3A_36 = tpu.memref_slice %arg7[%mul3A_2] : memref<16384xi32, #tpu.memory_space<hbm>> -> memref<512xi32, #tpu.memory_space<hbm>>
    %dma_start3A_37 = tpu.memref_slice %arg7[%mul3A_2] : memref<16384xi32, #tpu.memory_space<hbm>> -> memref<512xi32, #tpu.memory_space<hbm>>
    tpu.enqueue_dma source(%dma_start3A_37 : memref<512xi32, #tpu.memory_space<hbm>>) target(%arg18 : memref<512xi32, #tpu.memory_space<vmem>>) target_semaphore(%arg29 : memref<!tpu.dma_semaphore, #tpu.memory_space<semaphore_mem>>)
    %dma_wait3A = tpu.memref_slice %arg6[%mul3A_2] : memref<16384xi32, #tpu.memory_space<hbm>> -> memref<128xi32, #tpu.memory_space<hbm>>
    %dma_wait3A_38 = tpu.memref_slice %arg6[%mul3A_2] : memref<16384xi32, #tpu.memory_space<hbm>> -> memref<128xi32, #tpu.memory_space<hbm>>
    tpu.wait_dma2 semaphore(%arg29 : memref<!tpu.dma_semaphore, #tpu.memory_space<semaphore_mem>>) src(%dma_wait3A_38 : memref<128xi32, #tpu.memory_space<hbm>>) dst(%arg9 : memref<128xi32, #tpu.memory_space<vmem>>)
    %dma_wait3A_39 = tpu.memref_slice %arg7[%mul3A_2] : memref<16384xi32, #tpu.memory_space<hbm>> -> memref<128xi32, #tpu.memory_space<hbm>>
    %dma_wait3A_40 = tpu.memref_slice %arg7[%mul3A_2] : memref<16384xi32, #tpu.memory_space<hbm>> -> memref<128xi32, #tpu.memory_space<hbm>>
    tpu.wait_dma2 semaphore(%arg29 : memref<!tpu.dma_semaphore, #tpu.memory_space<semaphore_mem>>) src(%dma_wait3A_40 : memref<128xi32, #tpu.memory_space<hbm>>) dst(%arg13 : memref<128xi32, #tpu.memory_space<vmem>>)
    %dma_start3A_41 = arith.constant 0 : i32
    %dma_start3A_42 = arith.constant 0 : i32
    %dma_start3A_43 = tpu.memref_slice %arg2[%dma_start3A_41, %dma_start3A_42] : memref<100000x128xf32, #tpu.memory_space<hbm>> -> memref<100000x128xf32, #tpu.memory_space<hbm>>
    tpu.enqueue_indirect_dma source(%dma_start3A_43 : memref<100000x128xf32, #tpu.memory_space<hbm>>) target(%arg21 : memref<128x128xf32, #tpu.memory_space<vmem>>) offsets(%arg9 : memref<128xi32, #tpu.memory_space<vmem>>) semaphore(%arg27 : memref<!tpu.dma_semaphore, #tpu.memory_space<semaphore_mem>>)
    %dma_start3A_44 = arith.constant 0 : i32
    %dma_start3A_45 = arith.constant 0 : i32
    %dma_start3A_46 = tpu.memref_slice %arg3[%dma_start3A_44, %dma_start3A_45] : memref<100000x128xf32, #tpu.memory_space<hbm>> -> memref<100000x128xf32, #tpu.memory_space<hbm>>
    tpu.enqueue_indirect_dma source(%dma_start3A_46 : memref<100000x128xf32, #tpu.memory_space<hbm>>) target(%arg23 : memref<128x128xf32, #tpu.memory_space<vmem>>) offsets(%arg13 : memref<128xi32, #tpu.memory_space<vmem>>) semaphore(%arg27 : memref<!tpu.dma_semaphore, #tpu.memory_space<semaphore_mem>>)
    %add3A_47 = arith.constant 128 : i32
    %add3A_48 = arith.addi %mul3A_2, %add3A_47 : i32
    %dma_wait3A_49 = tpu.memref_slice %arg6[%add3A_48] : memref<16384xi32, #tpu.memory_space<hbm>> -> memref<128xi32, #tpu.memory_space<hbm>>
    %dma_wait3A_50 = tpu.memref_slice %arg6[%add3A_48] : memref<16384xi32, #tpu.memory_space<hbm>> -> memref<128xi32, #tpu.memory_space<hbm>>
    tpu.wait_dma2 semaphore(%arg29 : memref<!tpu.dma_semaphore, #tpu.memory_space<semaphore_mem>>) src(%dma_wait3A_50 : memref<128xi32, #tpu.memory_space<hbm>>) dst(%arg10 : memref<128xi32, #tpu.memory_space<vmem>>)
    %add3A_51 = arith.constant 128 : i32
    %add3A_52 = arith.addi %mul3A_2, %add3A_51 : i32
    %dma_wait3A_53 = tpu.memref_slice %arg7[%add3A_52] : memref<16384xi32, #tpu.memory_space<hbm>> -> memref<128xi32, #tpu.memory_space<hbm>>
    %dma_wait3A_54 = tpu.memref_slice %arg7[%add3A_52] : memref<16384xi32, #tpu.memory_space<hbm>> -> memref<128xi32, #tpu.memory_space<hbm>>
    tpu.wait_dma2 semaphore(%arg29 : memref<!tpu.dma_semaphore, #tpu.memory_space<semaphore_mem>>) src(%dma_wait3A_54 : memref<128xi32, #tpu.memory_space<hbm>>) dst(%arg14 : memref<128xi32, #tpu.memory_space<vmem>>)
    %add3A_55 = arith.constant 256 : i32
    %add3A_56 = arith.addi %mul3A_2, %add3A_55 : i32
    %dma_wait3A_57 = tpu.memref_slice %arg6[%add3A_56] : memref<16384xi32, #tpu.memory_space<hbm>> -> memref<128xi32, #tpu.memory_space<hbm>>
    %dma_wait3A_58 = tpu.memref_slice %arg6[%add3A_56] : memref<16384xi32, #tpu.memory_space<hbm>> -> memref<128xi32, #tpu.memory_space<hbm>>
    tpu.wait_dma2 semaphore(%arg29 : memref<!tpu.dma_semaphore, #tpu.memory_space<semaphore_mem>>) src(%dma_wait3A_58 : memref<128xi32, #tpu.memory_space<hbm>>) dst(%arg11 : memref<128xi32, #tpu.memory_space<vmem>>)
    %add3A_59 = arith.constant 256 : i32
    %add3A_60 = arith.addi %mul3A_2, %add3A_59 : i32
    %dma_wait3A_61 = tpu.memref_slice %arg7[%add3A_60] : memref<16384xi32, #tpu.memory_space<hbm>> -> memref<128xi32, #tpu.memory_space<hbm>>
    %dma_wait3A_62 = tpu.memref_slice %arg7[%add3A_60] : memref<16384xi32, #tpu.memory_space<hbm>> -> memref<128xi32, #tpu.memory_space<hbm>>
    tpu.wait_dma2 semaphore(%arg29 : memref<!tpu.dma_semaphore, #tpu.memory_space<semaphore_mem>>) src(%dma_wait3A_62 : memref<128xi32, #tpu.memory_space<hbm>>) dst(%arg15 : memref<128xi32, #tpu.memory_space<vmem>>)
    %add3A_63 = arith.constant 384 : i32
    %add3A_64 = arith.addi %mul3A_2, %add3A_63 : i32
    %dma_wait3A_65 = tpu.memref_slice %arg6[%add3A_64] : memref<16384xi32, #tpu.memory_space<hbm>> -> memref<128xi32, #tpu.memory_space<hbm>>
    %dma_wait3A_66 = tpu.memref_slice %arg6[%add3A_64] : memref<16384xi32, #tpu.memory_space<hbm>> -> memref<128xi32, #tpu.memory_space<hbm>>
    tpu.wait_dma2 semaphore(%arg29 : memref<!tpu.dma_semaphore, #tpu.memory_space<semaphore_mem>>) src(%dma_wait3A_66 : memref<128xi32, #tpu.memory_space<hbm>>) dst(%arg12 : memref<128xi32, #tpu.memory_space<vmem>>)
    %add3A_67 = arith.constant 384 : i32
    %add3A_68 = arith.addi %mul3A_2, %add3A_67 : i32
    %dma_wait3A_69 = tpu.memref_slice %arg7[%add3A_68] : memref<16384xi32, #tpu.memory_space<hbm>> -> memref<128xi32, #tpu.memory_space<hbm>>
    %dma_wait3A_70 = tpu.memref_slice %arg7[%add3A_68] : memref<16384xi32, #tpu.memory_space<hbm>> -> memref<128xi32, #tpu.memory_space<hbm>>
    tpu.wait_dma2 semaphore(%arg29 : memref<!tpu.dma_semaphore, #tpu.memory_space<semaphore_mem>>) src(%dma_wait3A_70 : memref<128xi32, #tpu.memory_space<hbm>>) dst(%arg16 : memref<128xi32, #tpu.memory_space<vmem>>)
    %dma_wait3A_71 = tpu.memref_slice %arg6[%mul3A_2] : memref<16384xi32, #tpu.memory_space<hbm>> -> memref<512xi32, #tpu.memory_space<hbm>>
    %dma_wait3A_72 = tpu.memref_slice %arg6[%mul3A_2] : memref<16384xi32, #tpu.memory_space<hbm>> -> memref<512xi32, #tpu.memory_space<hbm>>
    tpu.wait_dma2 semaphore(%arg29 : memref<!tpu.dma_semaphore, #tpu.memory_space<semaphore_mem>>) src(%dma_wait3A_72 : memref<512xi32, #tpu.memory_space<hbm>>) dst(%arg17 : memref<512xi32, #tpu.memory_space<vmem>>)
    %dma_wait3A_73 = tpu.memref_slice %arg7[%mul3A_2] : memref<16384xi32, #tpu.memory_space<hbm>> -> memref<512xi32, #tpu.memory_space<hbm>>
    %dma_wait3A_74 = tpu.memref_slice %arg7[%mul3A_2] : memref<16384xi32, #tpu.memory_space<hbm>> -> memref<512xi32, #tpu.memory_space<hbm>>
    tpu.wait_dma2 semaphore(%arg29 : memref<!tpu.dma_semaphore, #tpu.memory_space<semaphore_mem>>) src(%dma_wait3A_74 : memref<512xi32, #tpu.memory_space<hbm>>) dst(%arg18 : memref<512xi32, #tpu.memory_space<vmem>>)
    %dma_start3A_75 = arith.constant 0 : i32
    %dma_start3A_76 = tpu.memref_slice %arg4[%dma_start3A_75] : memref<100000xf32, #tpu.memory_space<hbm>> -> memref<100000xf32, #tpu.memory_space<hbm>>
    tpu.enqueue_indirect_dma source(%dma_start3A_76 : memref<100000xf32, #tpu.memory_space<hbm>>) target(%arg19 : memref<512xf32, #tpu.memory_space<vmem>>) offsets(%arg17 : memref<512xi32, #tpu.memory_space<vmem>>) semaphore(%arg29 : memref<!tpu.dma_semaphore, #tpu.memory_space<semaphore_mem>>)
    %dma_start3A_77 = arith.constant 0 : i32
    %dma_start3A_78 = tpu.memref_slice %arg5[%dma_start3A_77] : memref<100000xf32, #tpu.memory_space<hbm>> -> memref<100000xf32, #tpu.memory_space<hbm>>
    tpu.enqueue_indirect_dma source(%dma_start3A_78 : memref<100000xf32, #tpu.memory_space<hbm>>) target(%arg20 : memref<512xf32, #tpu.memory_space<vmem>>) offsets(%arg18 : memref<512xi32, #tpu.memory_space<vmem>>) semaphore(%arg29 : memref<!tpu.dma_semaphore, #tpu.memory_space<semaphore_mem>>)
    %iota3A = tpu.iota {dimensions = array<i32: 0>} : vector<16xi32>
    %mul3A_79 = arith.constant 128 : i32
    %mul3A_80 = vector.broadcast %mul3A_79 : i32 to vector<16xi32>
    %mul3A_81 = arith.muli %iota3A, %mul3A_80 : vector<16xi32>
    %dma_start3A_82 = arith.constant 0 : i32
    %dma_start3A_83 = arith.constant 0 : i32
    %dma_start3A_84 = tpu.memref_slice %arg2[%dma_start3A_82, %dma_start3A_83] : memref<100000x128xf32, #tpu.memory_space<hbm>> -> memref<100000x128xf32, #tpu.memory_space<hbm>>
    tpu.enqueue_indirect_dma source(%dma_start3A_84 : memref<100000x128xf32, #tpu.memory_space<hbm>>) target(%arg22 : memref<128x128xf32, #tpu.memory_space<vmem>>) offsets(%arg10 : memref<128xi32, #tpu.memory_space<vmem>>) semaphore(%arg28 : memref<!tpu.dma_semaphore, #tpu.memory_space<semaphore_mem>>)
    %dma_start3A_85 = arith.constant 0 : i32
    %dma_start3A_86 = arith.constant 0 : i32
    %dma_start3A_87 = tpu.memref_slice %arg3[%dma_start3A_85, %dma_start3A_86] : memref<100000x128xf32, #tpu.memory_space<hbm>> -> memref<100000x128xf32, #tpu.memory_space<hbm>>
    tpu.enqueue_indirect_dma source(%dma_start3A_87 : memref<100000x128xf32, #tpu.memory_space<hbm>>) target(%arg24 : memref<128x128xf32, #tpu.memory_space<vmem>>) offsets(%arg14 : memref<128xi32, #tpu.memory_space<vmem>>) semaphore(%arg28 : memref<!tpu.dma_semaphore, #tpu.memory_space<semaphore_mem>>)
    %dma_wait3A_88 = arith.constant 0 : i32
    %dma_wait3A_89 = arith.constant 0 : i32
    %dma_wait3A_90 = tpu.memref_slice %arg2[%dma_wait3A_88, %dma_wait3A_89] : memref<100000x128xf32, #tpu.memory_space<hbm>> -> memref<100000x128xf32, #tpu.memory_space<hbm>>
    tpu.wait_indirect_dma semaphore(%arg27 : memref<!tpu.dma_semaphore, #tpu.memory_space<semaphore_mem>>) src(%dma_wait3A_90 : memref<100000x128xf32, #tpu.memory_space<hbm>>) dst(%arg21 : memref<128x128xf32, #tpu.memory_space<vmem>>)
    %dma_wait3A_91 = arith.constant 0 : i32
    %dma_wait3A_92 = arith.constant 0 : i32
    %dma_wait3A_93 = tpu.memref_slice %arg3[%dma_wait3A_91, %dma_wait3A_92] : memref<100000x128xf32, #tpu.memory_space<hbm>> -> memref<100000x128xf32, #tpu.memory_space<hbm>>
    tpu.wait_indirect_dma semaphore(%arg27 : memref<!tpu.dma_semaphore, #tpu.memory_space<semaphore_mem>>) src(%dma_wait3A_93 : memref<100000x128xf32, #tpu.memory_space<hbm>>) dst(%arg23 : memref<128x128xf32, #tpu.memory_space<vmem>>)
    %parallel_loop3A = arith.constant 0 : i32
    %parallel_loop3A_94 = arith.constant 128 : i32
    %parallel_loop3A_95 = arith.constant 1 : i32
    scf.for %parallel_loop3A_151 = %parallel_loop3A to %parallel_loop3A_94 step %parallel_loop3A_95  : i32 {
      %parallel_loop3A_152 = arith.index_cast %parallel_loop3A_151 : i32 to index
      %parallel_loop3A_153 = arith.constant 0 : index
      %parallel_loop3A_154 = tpu.vector_load %arg21[%parallel_loop3A_152, %parallel_loop3A_153] {strides = array<i32>} : memref<128x128xf32, #tpu.memory_space<vmem>>, vector<16xf32>,
      %parallel_loop3A_155 = arith.index_cast %parallel_loop3A_151 : i32 to index
      %parallel_loop3A_156 = arith.constant 0 : index
      %parallel_loop3A_157 = tpu.vector_load %arg23[%parallel_loop3A_155, %parallel_loop3A_156] {strides = array<i32>} : memref<128x128xf32, #tpu.memory_space<vmem>>, vector<16xf32>,
      %parallel_loop3A_158 = arith.mulf %parallel_loop3A_154, %parallel_loop3A_157 : vector<16xf32>
      %parallel_loop3A_159 = arith.index_cast %parallel_loop3A_151 : i32 to index
      %parallel_loop3A_160 = arith.constant 16 : index
      %parallel_loop3A_161 = tpu.vector_load %arg21[%parallel_loop3A_159, %parallel_loop3A_160] {strides = array<i32>} : memref<128x128xf32, #tpu.memory_space<vmem>>, vector<16xf32>,
      %parallel_loop3A_162 = arith.index_cast %parallel_loop3A_151 : i32 to index
      %parallel_loop3A_163 = arith.constant 16 : index
      %parallel_loop3A_164 = tpu.vector_load %arg23[%parallel_loop3A_162, %parallel_loop3A_163] {strides = array<i32>} : memref<128x128xf32, #tpu.memory_space<vmem>>, vector<16xf32>,
      %parallel_loop3A_165 = arith.mulf %parallel_loop3A_161, %parallel_loop3A_164 : vector<16xf32>
      %parallel_loop3A_166 = arith.index_cast %parallel_loop3A_151 : i32 to index
      %parallel_loop3A_167 = arith.constant 32 : index
      %parallel_loop3A_168 = tpu.vector_load %arg21[%parallel_loop3A_166, %parallel_loop3A_167] {strides = array<i32>} : memref<128x128xf32, #tpu.memory_space<vmem>>, vector<16xf32>,
      %parallel_loop3A_169 = arith.index_cast %parallel_loop3A_151 : i32 to index
      %parallel_loop3A_170 = arith.constant 32 : index
      %parallel_loop3A_171 = tpu.vector_load %arg23[%parallel_loop3A_169, %parallel_loop3A_170] {strides = array<i32>} : memref<128x128xf32, #tpu.memory_space<vmem>>, vector<16xf32>,
      %parallel_loop3A_172 = arith.mulf %parallel_loop3A_168, %parallel_loop3A_171 : vector<16xf32>
      %parallel_loop3A_173 = arith.index_cast %parallel_loop3A_151 : i32 to index
      %parallel_loop3A_174 = arith.constant 48 : index
      %parallel_loop3A_175 = tpu.vector_load %arg21[%parallel_loop3A_173, %parallel_loop3A_174] {strides = array<i32>} : memref<128x128xf32, #tpu.memory_space<vmem>>, vector<16xf32>,
      %parallel_loop3A_176 = arith.index_cast %parallel_loop3A_151 : i32 to index
      %parallel_loop3A_177 = arith.constant 48 : index
      %parallel_loop3A_178 = tpu.vector_load %arg23[%parallel_loop3A_176, %parallel_loop3A_177] {strides = array<i32>} : memref<128x128xf32, #tpu.memory_space<vmem>>, vector<16xf32>,
      %parallel_loop3A_179 = arith.mulf %parallel_loop3A_175, %parallel_loop3A_178 : vector<16xf32>
      %parallel_loop3A_180 = arith.index_cast %parallel_loop3A_151 : i32 to index
      %parallel_loop3A_181 = arith.constant 64 : index
      %parallel_loop3A_182 = tpu.vector_load %arg21[%parallel_loop3A_180, %parallel_loop3A_181] {strides = array<i32>} : memref<128x128xf32, #tpu.memory_space<vmem>>, vector<16xf32>,
      %parallel_loop3A_183 = arith.index_cast %parallel_loop3A_151 : i32 to index
      %parallel_loop3A_184 = arith.constant 64 : index
      %parallel_loop3A_185 = tpu.vector_load %arg23[%parallel_loop3A_183, %parallel_loop3A_184] {strides = array<i32>} : memref<128x128xf32, #tpu.memory_space<vmem>>, vector<16xf32>,
      %parallel_loop3A_186 = arith.mulf %parallel_loop3A_182, %parallel_loop3A_185 : vector<16xf32>
      %parallel_loop3A_187 = arith.index_cast %parallel_loop3A_151 : i32 to index
      %parallel_loop3A_188 = arith.constant 80 : index
      %parallel_loop3A_189 = tpu.vector_load %arg21[%parallel_loop3A_187, %parallel_loop3A_188] {strides = array<i32>} : memref<128x128xf32, #tpu.memory_space<vmem>>, vector<16xf32>,
      %parallel_loop3A_190 = arith.index_cast %parallel_loop3A_151 : i32 to index
      %parallel_loop3A_191 = arith.constant 80 : index
      %parallel_loop3A_192 = tpu.vector_load %arg23[%parallel_loop3A_190, %parallel_loop3A_191] {strides = array<i32>} : memref<128x128xf32, #tpu.memory_space<vmem>>, vector<16xf32>,
      %parallel_loop3A_193 = arith.mulf %parallel_loop3A_189, %parallel_loop3A_192 : vector<16xf32>
      %parallel_loop3A_194 = arith.index_cast %parallel_loop3A_151 : i32 to index
      %parallel_loop3A_195 = arith.constant 96 : index
      %parallel_loop3A_196 = tpu.vector_load %arg21[%parallel_loop3A_194, %parallel_loop3A_195] {strides = array<i32>} : memref<128x128xf32, #tpu.memory_space<vmem>>, vector<16xf32>,
      %parallel_loop3A_197 = arith.index_cast %parallel_loop3A_151 : i32 to index
      %parallel_loop3A_198 = arith.constant 96 : index
      %parallel_loop3A_199 = tpu.vector_load %arg23[%parallel_loop3A_197, %parallel_loop3A_198] {strides = array<i32>} : memref<128x128xf32, #tpu.memory_space<vmem>>, vector<16xf32>,
      %parallel_loop3A_200 = arith.mulf %parallel_loop3A_196, %parallel_loop3A_199 : vector<16xf32>
      %parallel_loop3A_201 = arith.index_cast %parallel_loop3A_151 : i32 to index
      %parallel_loop3A_202 = arith.constant 112 : index
      %parallel_loop3A_203 = tpu.vector_load %arg21[%parallel_loop3A_201, %parallel_loop3A_202] {strides = array<i32>} : memref<128x128xf32, #tpu.memory_space<vmem>>, vector<16xf32>,
      %parallel_loop3A_204 = arith.index_cast %parallel_loop3A_151 : i32 to index
      %parallel_loop3A_205 = arith.constant 112 : index
      %parallel_loop3A_206 = tpu.vector_load %arg23[%parallel_loop3A_204, %parallel_loop3A_205] {strides = array<i32>} : memref<128x128xf32, #tpu.memory_space<vmem>>, vector<16xf32>,
      %parallel_loop3A_207 = arith.mulf %parallel_loop3A_203, %parallel_loop3A_206 : vector<16xf32>
      %parallel_loop3A_208 = arith.addf %parallel_loop3A_158, %parallel_loop3A_165 : vector<16xf32>
      %parallel_loop3A_209 = arith.addf %parallel_loop3A_172, %parallel_loop3A_179 : vector<16xf32>
      %parallel_loop3A_210 = arith.addf %parallel_loop3A_186, %parallel_loop3A_193 : vector<16xf32>
      %parallel_loop3A_211 = arith.addf %parallel_loop3A_200, %parallel_loop3A_207 : vector<16xf32>
      %parallel_loop3A_212 = arith.addf %parallel_loop3A_208, %parallel_loop3A_209 : vector<16xf32>
      %parallel_loop3A_213 = arith.addf %parallel_loop3A_210, %parallel_loop3A_211 : vector<16xf32>
      %parallel_loop3A_214 = arith.addf %parallel_loop3A_212, %parallel_loop3A_213 : vector<16xf32>
      %parallel_loop3A_215 = vector.broadcast %parallel_loop3A_151 : i32 to vector<16xi32>
      %parallel_loop3A_216 = arith.addi %mul3A_81, %parallel_loop3A_215 : vector<16xi32>
      tpu.vector_store_idx %arg25[%parallel_loop3A_216], %parallel_loop3A_214 : memref<2048xf32, #tpu.memory_space<vmem>>[vector<16xi32>], vector<16xf32>,
    } {sc.loop_unroll_factor = 4 : i64, sc.parallel_access}
    %dma_wait3A_96 = arith.constant 0 : i32
    %dma_wait3A_97 = tpu.memref_slice %arg4[%dma_wait3A_96] : memref<100000xf32, #tpu.memory_space<hbm>> -> memref<100000xf32, #tpu.memory_space<hbm>>
    tpu.wait_indirect_dma semaphore(%arg29 : memref<!tpu.dma_semaphore, #tpu.memory_space<semaphore_mem>>) src(%dma_wait3A_97 : memref<100000xf32, #tpu.memory_space<hbm>>) dst(%arg19 : memref<512xf32, #tpu.memory_space<vmem>>)
    %dma_wait3A_98 = arith.constant 0 : i32
    %dma_wait3A_99 = tpu.memref_slice %arg5[%dma_wait3A_98] : memref<100000xf32, #tpu.memory_space<hbm>> -> memref<100000xf32, #tpu.memory_space<hbm>>
    tpu.wait_indirect_dma semaphore(%arg29 : memref<!tpu.dma_semaphore, #tpu.memory_space<semaphore_mem>>) src(%dma_wait3A_99 : memref<100000xf32, #tpu.memory_space<hbm>>) dst(%arg20 : memref<512xf32, #tpu.memory_space<vmem>>)
    %parallel_loop3A_100 = arith.constant 0 : i32
    %parallel_loop3A_101 = arith.constant 8 : i32
    %parallel_loop3A_102 = arith.constant 1 : i32
    scf.for %parallel_loop3A_151 = %parallel_loop3A_100 to %parallel_loop3A_101 step %parallel_loop3A_102  : i32 {
      %parallel_loop3A_152 = arith.constant 16 : i32
      %parallel_loop3A_153 = arith.muli %parallel_loop3A_151, %parallel_loop3A_152 : i32
      %parallel_loop3A_154 = arith.constant 0 : i32
      %parallel_loop3A_155 = arith.addi %parallel_loop3A_154, %parallel_loop3A_153 : i32
      %parallel_loop3A_156 = arith.index_cast %parallel_loop3A_155 : i32 to index
      %parallel_loop3A_157 = tpu.vector_load %arg19[%parallel_loop3A_156] {strides = array<i32>} : memref<512xf32, #tpu.memory_space<vmem>>, vector<16xf32>,
      %parallel_loop3A_158 = arith.constant 16 : i32
      %parallel_loop3A_159 = arith.muli %parallel_loop3A_151, %parallel_loop3A_158 : i32
      %parallel_loop3A_160 = arith.constant 0 : i32
      %parallel_loop3A_161 = arith.addi %parallel_loop3A_160, %parallel_loop3A_159 : i32
      %parallel_loop3A_162 = arith.index_cast %parallel_loop3A_161 : i32 to index
      %parallel_loop3A_163 = tpu.vector_load %arg20[%parallel_loop3A_162] {strides = array<i32>} : memref<512xf32, #tpu.memory_space<vmem>>, vector<16xf32>,
      %parallel_loop3A_164 = arith.addf %parallel_loop3A_157, %parallel_loop3A_163 : vector<16xf32>
      %parallel_loop3A_165 = arith.constant 16 : i32
      %parallel_loop3A_166 = arith.muli %parallel_loop3A_151, %parallel_loop3A_165 : i32
      %parallel_loop3A_167 = arith.constant 0 : i32
      %parallel_loop3A_168 = arith.addi %parallel_loop3A_167, %parallel_loop3A_166 : i32
      %parallel_loop3A_169 = arith.index_cast %parallel_loop3A_168 : i32 to index
      %parallel_loop3A_170 = tpu.vector_load %arg25[%parallel_loop3A_169] {strides = array<i32>} : memref<2048xf32, #tpu.memory_space<vmem>>, vector<16xf32>,
      %parallel_loop3A_171 = arith.addf %parallel_loop3A_164, %parallel_loop3A_170 : vector<16xf32>
      %parallel_loop3A_172 = arith.constant 16 : i32
      %parallel_loop3A_173 = arith.muli %parallel_loop3A_151, %parallel_loop3A_172 : i32
      %parallel_loop3A_174 = arith.constant 128 : i32
      %parallel_loop3A_175 = arith.addi %parallel_loop3A_174, %parallel_loop3A_173 : i32
      %parallel_loop3A_176 = arith.index_cast %parallel_loop3A_175 : i32 to index
      %parallel_loop3A_177 = tpu.vector_load %arg25[%parallel_loop3A_176] {strides = array<i32>} : memref<2048xf32, #tpu.memory_space<vmem>>, vector<16xf32>,
      %parallel_loop3A_178 = arith.addf %parallel_loop3A_171, %parallel_loop3A_177 : vector<16xf32>
      %parallel_loop3A_179 = arith.constant 16 : i32
      %parallel_loop3A_180 = arith.muli %parallel_loop3A_151, %parallel_loop3A_179 : i32
      %parallel_loop3A_181 = arith.constant 256 : i32
      %parallel_loop3A_182 = arith.addi %parallel_loop3A_181, %parallel_loop3A_180 : i32
      %parallel_loop3A_183 = arith.index_cast %parallel_loop3A_182 : i32 to index
      %parallel_loop3A_184 = tpu.vector_load %arg25[%parallel_loop3A_183] {strides = array<i32>} : memref<2048xf32, #tpu.memory_space<vmem>>, vector<16xf32>,
      %parallel_loop3A_185 = arith.addf %parallel_loop3A_178, %parallel_loop3A_184 : vector<16xf32>
      %parallel_loop3A_186 = arith.constant 16 : i32
      %parallel_loop3A_187 = arith.muli %parallel_loop3A_151, %parallel_loop3A_186 : i32
      %parallel_loop3A_188 = arith.constant 384 : i32
      %parallel_loop3A_189 = arith.addi %parallel_loop3A_188, %parallel_loop3A_187 : i32
      %parallel_loop3A_190 = arith.index_cast %parallel_loop3A_189 : i32 to index
      %parallel_loop3A_191 = tpu.vector_load %arg25[%parallel_loop3A_190] {strides = array<i32>} : memref<2048xf32, #tpu.memory_space<vmem>>, vector<16xf32>,
      %parallel_loop3A_192 = arith.addf %parallel_loop3A_185, %parallel_loop3A_191 : vector<16xf32>
      %parallel_loop3A_193 = arith.constant 16 : i32
      %parallel_loop3A_194 = arith.muli %parallel_loop3A_151, %parallel_loop3A_193 : i32
      %parallel_loop3A_195 = arith.constant 512 : i32
      %parallel_loop3A_196 = arith.addi %parallel_loop3A_195, %parallel_loop3A_194 : i32
      %parallel_loop3A_197 = arith.index_cast %parallel_loop3A_196 : i32 to index
      %parallel_loop3A_198 = tpu.vector_load %arg25[%parallel_loop3A_197] {strides = array<i32>} : memref<2048xf32, #tpu.memory_space<vmem>>, vector<16xf32>,
      %parallel_loop3A_199 = arith.addf %parallel_loop3A_192, %parallel_loop3A_198 : vector<16xf32>
      %parallel_loop3A_200 = arith.constant 16 : i32
      %parallel_loop3A_201 = arith.muli %parallel_loop3A_151, %parallel_loop3A_200 : i32
      %parallel_loop3A_202 = arith.constant 640 : i32
      %parallel_loop3A_203 = arith.addi %parallel_loop3A_202, %parallel_loop3A_201 : i32
      %parallel_loop3A_204 = arith.index_cast %parallel_loop3A_203 : i32 to index
      %parallel_loop3A_205 = tpu.vector_load %arg25[%parallel_loop3A_204] {strides = array<i32>} : memref<2048xf32, #tpu.memory_space<vmem>>, vector<16xf32>,
      %parallel_loop3A_206 = arith.addf %parallel_loop3A_199, %parallel_loop3A_205 : vector<16xf32>
      %parallel_loop3A_207 = arith.constant 16 : i32
      %parallel_loop3A_208 = arith.muli %parallel_loop3A_151, %parallel_loop3A_207 : i32
      %parallel_loop3A_209 = arith.constant 768 : i32
      %parallel_loop3A_210 = arith.addi %parallel_loop3A_209, %parallel_loop3A_208 : i32
      %parallel_loop3A_211 = arith.index_cast %parallel_loop3A_210 : i32 to index
      %parallel_loop3A_212 = tpu.vector_load %arg25[%parallel_loop3A_211] {strides = array<i32>} : memref<2048xf32, #tpu.memory_space<vmem>>, vector<16xf32>,
      %parallel_loop3A_213 = arith.addf %parallel_loop3A_206, %parallel_loop3A_212 : vector<16xf32>
      %parallel_loop3A_214 = arith.constant 16 : i32
      %parallel_loop3A_215 = arith.muli %parallel_loop3A_151, %parallel_loop3A_214 : i32
      %parallel_loop3A_216 = arith.constant 896 : i32
      %parallel_loop3A_217 = arith.addi %parallel_loop3A_216, %parallel_loop3A_215 : i32
      %parallel_loop3A_218 = arith.index_cast %parallel_loop3A_217 : i32 to index
      %parallel_loop3A_219 = tpu.vector_load %arg25[%parallel_loop3A_218] {strides = array<i32>} : memref<2048xf32, #tpu.memory_space<vmem>>, vector<16xf32>,
      %parallel_loop3A_220 = arith.addf %parallel_loop3A_213, %parallel_loop3A_219 : vector<16xf32>
      %parallel_loop3A_221 = arith.constant 16 : i32
      %parallel_loop3A_222 = arith.muli %parallel_loop3A_151, %parallel_loop3A_221 : i32
      %parallel_loop3A_223 = arith.constant 1024 : i32
      %parallel_loop3A_224 = arith.addi %parallel_loop3A_223, %parallel_loop3A_222 : i32
      %parallel_loop3A_225 = arith.index_cast %parallel_loop3A_224 : i32 to index
      %parallel_loop3A_226 = tpu.vector_load %arg25[%parallel_loop3A_225] {strides = array<i32>} : memref<2048xf32, #tpu.memory_space<vmem>>, vector<16xf32>,
      %parallel_loop3A_227 = arith.addf %parallel_loop3A_220, %parallel_loop3A_226 : vector<16xf32>
      %parallel_loop3A_228 = arith.constant 16 : i32
      %parallel_loop3A_229 = arith.muli %parallel_loop3A_151, %parallel_loop3A_228 : i32
      %parallel_loop3A_230 = arith.constant 1152 : i32
      %parallel_loop3A_231 = arith.addi %parallel_loop3A_230, %parallel_loop3A_229 : i32
      %parallel_loop3A_232 = arith.index_cast %parallel_loop3A_231 : i32 to index
      %parallel_loop3A_233 = tpu.vector_load %arg25[%parallel_loop3A_232] {strides = array<i32>} : memref<2048xf32, #tpu.memory_space<vmem>>, vector<16xf32>,
      %parallel_loop3A_234 = arith.addf %parallel_loop3A_227, %parallel_loop3A_233 : vector<16xf32>
      %parallel_loop3A_235 = arith.constant 16 : i32
      %parallel_loop3A_236 = arith.muli %parallel_loop3A_151, %parallel_loop3A_235 : i32
      %parallel_loop3A_237 = arith.constant 1280 : i32
      %parallel_loop3A_238 = arith.addi %parallel_loop3A_237, %parallel_loop3A_236 : i32
      %parallel_loop3A_239 = arith.index_cast %parallel_loop3A_238 : i32 to index
      %parallel_loop3A_240 = tpu.vector_load %arg25[%parallel_loop3A_239] {strides = array<i32>} : memref<2048xf32, #tpu.memory_space<vmem>>, vector<16xf32>,
      %parallel_loop3A_241 = arith.addf %parallel_loop3A_234, %parallel_loop3A_240 : vector<16xf32>
      %parallel_loop3A_242 = arith.constant 16 : i32
      %parallel_loop3A_243 = arith.muli %parallel_loop3A_151, %parallel_loop3A_242 : i32
      %parallel_loop3A_244 = arith.constant 1408 : i32
      %parallel_loop3A_245 = arith.addi %parallel_loop3A_244, %parallel_loop3A_243 : i32
      %parallel_loop3A_246 = arith.index_cast %parallel_loop3A_245 : i32 to index
      %parallel_loop3A_247 = tpu.vector_load %arg25[%parallel_loop3A_246] {strides = array<i32>} : memref<2048xf32, #tpu.memory_space<vmem>>, vector<16xf32>,
      %parallel_loop3A_248 = arith.addf %parallel_loop3A_241, %parallel_loop3A_247 : vector<16xf32>
      %parallel_loop3A_249 = arith.constant 16 : i32
      %parallel_loop3A_250 = arith.muli %parallel_loop3A_151, %parallel_loop3A_249 : i32
      %parallel_loop3A_251 = arith.constant 1536 : i32
      %parallel_loop3A_252 = arith.addi %parallel_loop3A_251, %parallel_loop3A_250 : i32
      %parallel_loop3A_253 = arith.index_cast %parallel_loop3A_252 : i32 to index
      %parallel_loop3A_254 = tpu.vector_load %arg25[%parallel_loop3A_253] {strides = array<i32>} : memref<2048xf32, #tpu.memory_space<vmem>>, vector<16xf32>,
      %parallel_loop3A_255 = arith.addf %parallel_loop3A_248, %parallel_loop3A_254 : vector<16xf32>
      %parallel_loop3A_256 = arith.constant 16 : i32
      %parallel_loop3A_257 = arith.muli %parallel_loop3A_151, %parallel_loop3A_256 : i32
      %parallel_loop3A_258 = arith.constant 1664 : i32
      %parallel_loop3A_259 = arith.addi %parallel_loop3A_258, %parallel_loop3A_257 : i32
      %parallel_loop3A_260 = arith.index_cast %parallel_loop3A_259 : i32 to index
      %parallel_loop3A_261 = tpu.vector_load %arg25[%parallel_loop3A_260] {strides = array<i32>} : memref<2048xf32, #tpu.memory_space<vmem>>, vector<16xf32>,
      %parallel_loop3A_262 = arith.addf %parallel_loop3A_255, %parallel_loop3A_261 : vector<16xf32>
      %parallel_loop3A_263 = arith.constant 16 : i32
      %parallel_loop3A_264 = arith.muli %parallel_loop3A_151, %parallel_loop3A_263 : i32
      %parallel_loop3A_265 = arith.constant 1792 : i32
      %parallel_loop3A_266 = arith.addi %parallel_loop3A_265, %parallel_loop3A_264 : i32
      %parallel_loop3A_267 = arith.index_cast %parallel_loop3A_266 : i32 to index
      %parallel_loop3A_268 = tpu.vector_load %arg25[%parallel_loop3A_267] {strides = array<i32>} : memref<2048xf32, #tpu.memory_space<vmem>>, vector<16xf32>,
      %parallel_loop3A_269 = arith.addf %parallel_loop3A_262, %parallel_loop3A_268 : vector<16xf32>
      %parallel_loop3A_270 = arith.constant 16 : i32
      %parallel_loop3A_271 = arith.muli %parallel_loop3A_151, %parallel_loop3A_270 : i32
      %parallel_loop3A_272 = arith.constant 1920 : i32
      %parallel_loop3A_273 = arith.addi %parallel_loop3A_272, %parallel_loop3A_271 : i32
      %parallel_loop3A_274 = arith.index_cast %parallel_loop3A_273 : i32 to index
      %parallel_loop3A_275 = tpu.vector_load %arg25[%parallel_loop3A_274] {strides = array<i32>} : memref<2048xf32, #tpu.memory_space<vmem>>, vector<16xf32>,
      %parallel_loop3A_276 = arith.addf %parallel_loop3A_269, %parallel_loop3A_275 : vector<16xf32>
      %parallel_loop3A_277 = arith.constant 16 : i32
      %parallel_loop3A_278 = arith.muli %parallel_loop3A_151, %parallel_loop3A_277 : i32
      %parallel_loop3A_279 = arith.constant 0 : i32
      %parallel_loop3A_280 = arith.addi %parallel_loop3A_279, %parallel_loop3A_278 : i32
      %parallel_loop3A_281 = arith.index_cast %parallel_loop3A_280 : i32 to index
      %parallel_loop3A_282 = tpu.vector_load %arg26[%parallel_loop3A_281] {strides = array<i32>} : memref<512xf32, #tpu.memory_space<vmem>>, vector<16xf32>,
      tpu.vector_store %arg26[%parallel_loop3A_281], %parallel_loop3A_276 {strides = array<i32>} : memref<512xf32, #tpu.memory_space<vmem>>, vector<16xf32>,
    } {sc.loop_unroll_factor = 2 : i64, sc.parallel_access}
    %dma_start3A_103 = arith.constant 0 : i32
    %dma_start3A_104 = arith.constant 0 : i32
    %dma_start3A_105 = tpu.memref_slice %arg2[%dma_start3A_103, %dma_start3A_104] : memref<100000x128xf32, #tpu.memory_space<hbm>> -> memref<100000x128xf32, #tpu.memory_space<hbm>>
    tpu.enqueue_indirect_dma source(%dma_start3A_105 : memref<100000x128xf32, #tpu.memory_space<hbm>>) target(%arg21 : memref<128x128xf32, #tpu.memory_space<vmem>>) offsets(%arg11 : memref<128xi32, #tpu.memory_space<vmem>>) semaphore(%arg27 : memref<!tpu.dma_semaphore, #tpu.memory_space<semaphore_mem>>)
    %dma_start3A_106 = arith.constant 0 : i32
    %dma_start3A_107 = arith.constant 0 : i32
    %dma_start3A_108 = tpu.memref_slice %arg3[%dma_start3A_106, %dma_start3A_107] : memref<100000x128xf32, #tpu.memory_space<hbm>> -> memref<100000x128xf32, #tpu.memory_space<hbm>>
    tpu.enqueue_indirect_dma source(%dma_start3A_108 : memref<100000x128xf32, #tpu.memory_space<hbm>>) target(%arg23 : memref<128x128xf32, #tpu.memory_space<vmem>>) offsets(%arg15 : memref<128xi32, #tpu.memory_space<vmem>>) semaphore(%arg27 : memref<!tpu.dma_semaphore, #tpu.memory_space<semaphore_mem>>)
    %dma_wait3A_109 = arith.constant 0 : i32
    %dma_wait3A_110 = arith.constant 0 : i32
    %dma_wait3A_111 = tpu.memref_slice %arg2[%dma_wait3A_109, %dma_wait3A_110] : memref<100000x128xf32, #tpu.memory_space<hbm>> -> memref<100000x128xf32, #tpu.memory_space<hbm>>
    tpu.wait_indirect_dma semaphore(%arg28 : memref<!tpu.dma_semaphore, #tpu.memory_space<semaphore_mem>>) src(%dma_wait3A_111 : memref<100000x128xf32, #tpu.memory_space<hbm>>) dst(%arg22 : memref<128x128xf32, #tpu.memory_space<vmem>>)
    %dma_wait3A_112 = arith.constant 0 : i32
    %dma_wait3A_113 = arith.constant 0 : i32
    %dma_wait3A_114 = tpu.memref_slice %arg3[%dma_wait3A_112, %dma_wait3A_113] : memref<100000x128xf32, #tpu.memory_space<hbm>> -> memref<100000x128xf32, #tpu.memory_space<hbm>>
    tpu.wait_indirect_dma semaphore(%arg28 : memref<!tpu.dma_semaphore, #tpu.memory_space<semaphore_mem>>) src(%dma_wait3A_114 : memref<100000x128xf32, #tpu.memory_space<hbm>>) dst(%arg24 : memref<128x128xf32, #tpu.memory_space<vmem>>)
    %parallel_loop3A_115 = arith.constant 0 : i32
    %parallel_loop3A_116 = arith.constant 128 : i32
    %parallel_loop3A_117 = arith.constant 1 : i32
    scf.for %parallel_loop3A_151 = %parallel_loop3A_115 to %parallel_loop3A_116 step %parallel_loop3A_117  : i32 {
      %parallel_loop3A_152 = arith.index_cast %parallel_loop3A_151 : i32 to index
      %parallel_loop3A_153 = arith.constant 0 : index
      %parallel_loop3A_154 = tpu.vector_load %arg22[%parallel_loop3A_152, %parallel_loop3A_153] {strides = array<i32>} : memref<128x128xf32, #tpu.memory_space<vmem>>, vector<16xf32>,
      %parallel_loop3A_155 = arith.index_cast %parallel_loop3A_151 : i32 to index
      %parallel_loop3A_156 = arith.constant 0 : index
      %parallel_loop3A_157 = tpu.vector_load %arg24[%parallel_loop3A_155, %parallel_loop3A_156] {strides = array<i32>} : memref<128x128xf32, #tpu.memory_space<vmem>>, vector<16xf32>,
      %parallel_loop3A_158 = arith.mulf %parallel_loop3A_154, %parallel_loop3A_157 : vector<16xf32>
      %parallel_loop3A_159 = arith.index_cast %parallel_loop3A_151 : i32 to index
      %parallel_loop3A_160 = arith.constant 16 : index
      %parallel_loop3A_161 = tpu.vector_load %arg22[%parallel_loop3A_159, %parallel_loop3A_160] {strides = array<i32>} : memref<128x128xf32, #tpu.memory_space<vmem>>, vector<16xf32>,
      %parallel_loop3A_162 = arith.index_cast %parallel_loop3A_151 : i32 to index
      %parallel_loop3A_163 = arith.constant 16 : index
      %parallel_loop3A_164 = tpu.vector_load %arg24[%parallel_loop3A_162, %parallel_loop3A_163] {strides = array<i32>} : memref<128x128xf32, #tpu.memory_space<vmem>>, vector<16xf32>,
      %parallel_loop3A_165 = arith.mulf %parallel_loop3A_161, %parallel_loop3A_164 : vector<16xf32>
      %parallel_loop3A_166 = arith.index_cast %parallel_loop3A_151 : i32 to index
      %parallel_loop3A_167 = arith.constant 32 : index
      %parallel_loop3A_168 = tpu.vector_load %arg22[%parallel_loop3A_166, %parallel_loop3A_167] {strides = array<i32>} : memref<128x128xf32, #tpu.memory_space<vmem>>, vector<16xf32>,
      %parallel_loop3A_169 = arith.index_cast %parallel_loop3A_151 : i32 to index
      %parallel_loop3A_170 = arith.constant 32 : index
      %parallel_loop3A_171 = tpu.vector_load %arg24[%parallel_loop3A_169, %parallel_loop3A_170] {strides = array<i32>} : memref<128x128xf32, #tpu.memory_space<vmem>>, vector<16xf32>,
      %parallel_loop3A_172 = arith.mulf %parallel_loop3A_168, %parallel_loop3A_171 : vector<16xf32>
      %parallel_loop3A_173 = arith.index_cast %parallel_loop3A_151 : i32 to index
      %parallel_loop3A_174 = arith.constant 48 : index
      %parallel_loop3A_175 = tpu.vector_load %arg22[%parallel_loop3A_173, %parallel_loop3A_174] {strides = array<i32>} : memref<128x128xf32, #tpu.memory_space<vmem>>, vector<16xf32>,
      %parallel_loop3A_176 = arith.index_cast %parallel_loop3A_151 : i32 to index
      %parallel_loop3A_177 = arith.constant 48 : index
      %parallel_loop3A_178 = tpu.vector_load %arg24[%parallel_loop3A_176, %parallel_loop3A_177] {strides = array<i32>} : memref<128x128xf32, #tpu.memory_space<vmem>>, vector<16xf32>,
      %parallel_loop3A_179 = arith.mulf %parallel_loop3A_175, %parallel_loop3A_178 : vector<16xf32>
      %parallel_loop3A_180 = arith.index_cast %parallel_loop3A_151 : i32 to index
      %parallel_loop3A_181 = arith.constant 64 : index
      %parallel_loop3A_182 = tpu.vector_load %arg22[%parallel_loop3A_180, %parallel_loop3A_181] {strides = array<i32>} : memref<128x128xf32, #tpu.memory_space<vmem>>, vector<16xf32>,
      %parallel_loop3A_183 = arith.index_cast %parallel_loop3A_151 : i32 to index
      %parallel_loop3A_184 = arith.constant 64 : index
      %parallel_loop3A_185 = tpu.vector_load %arg24[%parallel_loop3A_183, %parallel_loop3A_184] {strides = array<i32>} : memref<128x128xf32, #tpu.memory_space<vmem>>, vector<16xf32>,
      %parallel_loop3A_186 = arith.mulf %parallel_loop3A_182, %parallel_loop3A_185 : vector<16xf32>
      %parallel_loop3A_187 = arith.index_cast %parallel_loop3A_151 : i32 to index
      %parallel_loop3A_188 = arith.constant 80 : index
      %parallel_loop3A_189 = tpu.vector_load %arg22[%parallel_loop3A_187, %parallel_loop3A_188] {strides = array<i32>} : memref<128x128xf32, #tpu.memory_space<vmem>>, vector<16xf32>,
      %parallel_loop3A_190 = arith.index_cast %parallel_loop3A_151 : i32 to index
      %parallel_loop3A_191 = arith.constant 80 : index
      %parallel_loop3A_192 = tpu.vector_load %arg24[%parallel_loop3A_190, %parallel_loop3A_191] {strides = array<i32>} : memref<128x128xf32, #tpu.memory_space<vmem>>, vector<16xf32>,
      %parallel_loop3A_193 = arith.mulf %parallel_loop3A_189, %parallel_loop3A_192 : vector<16xf32>
      %parallel_loop3A_194 = arith.index_cast %parallel_loop3A_151 : i32 to index
      %parallel_loop3A_195 = arith.constant 96 : index
      %parallel_loop3A_196 = tpu.vector_load %arg22[%parallel_loop3A_194, %parallel_loop3A_195] {strides = array<i32>} : memref<128x128xf32, #tpu.memory_space<vmem>>, vector<16xf32>,
      %parallel_loop3A_197 = arith.index_cast %parallel_loop3A_151 : i32 to index
      %parallel_loop3A_198 = arith.constant 96 : index
      %parallel_loop3A_199 = tpu.vector_load %arg24[%parallel_loop3A_197, %parallel_loop3A_198] {strides = array<i32>} : memref<128x128xf32, #tpu.memory_space<vmem>>, vector<16xf32>,
      %parallel_loop3A_200 = arith.mulf %parallel_loop3A_196, %parallel_loop3A_199 : vector<16xf32>
      %parallel_loop3A_201 = arith.index_cast %parallel_loop3A_151 : i32 to index
      %parallel_loop3A_202 = arith.constant 112 : index
      %parallel_loop3A_203 = tpu.vector_load %arg22[%parallel_loop3A_201, %parallel_loop3A_202] {strides = array<i32>} : memref<128x128xf32, #tpu.memory_space<vmem>>, vector<16xf32>,
      %parallel_loop3A_204 = arith.index_cast %parallel_loop3A_151 : i32 to index
      %parallel_loop3A_205 = arith.constant 112 : index
      %parallel_loop3A_206 = tpu.vector_load %arg24[%parallel_loop3A_204, %parallel_loop3A_205] {strides = array<i32>} : memref<128x128xf32, #tpu.memory_space<vmem>>, vector<16xf32>,
      %parallel_loop3A_207 = arith.mulf %parallel_loop3A_203, %parallel_loop3A_206 : vector<16xf32>
      %parallel_loop3A_208 = arith.addf %parallel_loop3A_158, %parallel_loop3A_165 : vector<16xf32>
      %parallel_loop3A_209 = arith.addf %parallel_loop3A_172, %parallel_loop3A_179 : vector<16xf32>
      %parallel_loop3A_210 = arith.addf %parallel_loop3A_186, %parallel_loop3A_193 : vector<16xf32>
      %parallel_loop3A_211 = arith.addf %parallel_loop3A_200, %parallel_loop3A_207 : vector<16xf32>
      %parallel_loop3A_212 = arith.addf %parallel_loop3A_208, %parallel_loop3A_209 : vector<16xf32>
      %parallel_loop3A_213 = arith.addf %parallel_loop3A_210, %parallel_loop3A_211 : vector<16xf32>
      %parallel_loop3A_214 = arith.addf %parallel_loop3A_212, %parallel_loop3A_213 : vector<16xf32>
      %parallel_loop3A_215 = vector.broadcast %parallel_loop3A_151 : i32 to vector<16xi32>
      %parallel_loop3A_216 = arith.addi %mul3A_81, %parallel_loop3A_215 : vector<16xi32>
      tpu.vector_store_idx %arg25[%parallel_loop3A_216], %parallel_loop3A_214 : memref<2048xf32, #tpu.memory_space<vmem>>[vector<16xi32>], vector<16xf32>,
    } {sc.loop_unroll_factor = 4 : i64, sc.parallel_access}
    %parallel_loop3A_118 = arith.constant 0 : i32
    %parallel_loop3A_119 = arith.constant 8 : i32
    %parallel_loop3A_120 = arith.constant 1 : i32
    scf.for %parallel_loop3A_151 = %parallel_loop3A_118 to %parallel_loop3A_119 step %parallel_loop3A_120  : i32 {
      %parallel_loop3A_152 = arith.constant 16 : i32
      %parallel_loop3A_153 = arith.muli %parallel_loop3A_151, %parallel_loop3A_152 : i32
      %parallel_loop3A_154 = arith.constant 128 : i32
      %parallel_loop3A_155 = arith.addi %parallel_loop3A_154, %parallel_loop3A_153 : i32
      %parallel_loop3A_156 = arith.index_cast %parallel_loop3A_155 : i32 to index
      %parallel_loop3A_157 = tpu.vector_load %arg19[%parallel_loop3A_156] {strides = array<i32>} : memref<512xf32, #tpu.memory_space<vmem>>, vector<16xf32>,
      %parallel_loop3A_158 = arith.constant 16 : i32
      %parallel_loop3A_159 = arith.muli %parallel_loop3A_151, %parallel_loop3A_158 : i32
      %parallel_loop3A_160 = arith.constant 128 : i32
      %parallel_loop3A_161 = arith.addi %parallel_loop3A_160, %parallel_loop3A_159 : i32
      %parallel_loop3A_162 = arith.index_cast %parallel_loop3A_161 : i32 to index
      %parallel_loop3A_163 = tpu.vector_load %arg20[%parallel_loop3A_162] {strides = array<i32>} : memref<512xf32, #tpu.memory_space<vmem>>, vector<16xf32>,
      %parallel_loop3A_164 = arith.addf %parallel_loop3A_157, %parallel_loop3A_163 : vector<16xf32>
      %parallel_loop3A_165 = arith.constant 16 : i32
      %parallel_loop3A_166 = arith.muli %parallel_loop3A_151, %parallel_loop3A_165 : i32
      %parallel_loop3A_167 = arith.constant 0 : i32
      %parallel_loop3A_168 = arith.addi %parallel_loop3A_167, %parallel_loop3A_166 : i32
      %parallel_loop3A_169 = arith.index_cast %parallel_loop3A_168 : i32 to index
      %parallel_loop3A_170 = tpu.vector_load %arg25[%parallel_loop3A_169] {strides = array<i32>} : memref<2048xf32, #tpu.memory_space<vmem>>, vector<16xf32>,
      %parallel_loop3A_171 = arith.addf %parallel_loop3A_164, %parallel_loop3A_170 : vector<16xf32>
      %parallel_loop3A_172 = arith.constant 16 : i32
      %parallel_loop3A_173 = arith.muli %parallel_loop3A_151, %parallel_loop3A_172 : i32
      %parallel_loop3A_174 = arith.constant 128 : i32
      %parallel_loop3A_175 = arith.addi %parallel_loop3A_174, %parallel_loop3A_173 : i32
      %parallel_loop3A_176 = arith.index_cast %parallel_loop3A_175 : i32 to index
      %parallel_loop3A_177 = tpu.vector_load %arg25[%parallel_loop3A_176] {strides = array<i32>} : memref<2048xf32, #tpu.memory_space<vmem>>, vector<16xf32>,
      %parallel_loop3A_178 = arith.addf %parallel_loop3A_171, %parallel_loop3A_177 : vector<16xf32>
      %parallel_loop3A_179 = arith.constant 16 : i32
      %parallel_loop3A_180 = arith.muli %parallel_loop3A_151, %parallel_loop3A_179 : i32
      %parallel_loop3A_181 = arith.constant 256 : i32
      %parallel_loop3A_182 = arith.addi %parallel_loop3A_181, %parallel_loop3A_180 : i32
      %parallel_loop3A_183 = arith.index_cast %parallel_loop3A_182 : i32 to index
      %parallel_loop3A_184 = tpu.vector_load %arg25[%parallel_loop3A_183] {strides = array<i32>} : memref<2048xf32, #tpu.memory_space<vmem>>, vector<16xf32>,
      %parallel_loop3A_185 = arith.addf %parallel_loop3A_178, %parallel_loop3A_184 : vector<16xf32>
      %parallel_loop3A_186 = arith.constant 16 : i32
      %parallel_loop3A_187 = arith.muli %parallel_loop3A_151, %parallel_loop3A_186 : i32
      %parallel_loop3A_188 = arith.constant 384 : i32
      %parallel_loop3A_189 = arith.addi %parallel_loop3A_188, %parallel_loop3A_187 : i32
      %parallel_loop3A_190 = arith.index_cast %parallel_loop3A_189 : i32 to index
      %parallel_loop3A_191 = tpu.vector_load %arg25[%parallel_loop3A_190] {strides = array<i32>} : memref<2048xf32, #tpu.memory_space<vmem>>, vector<16xf32>,
      %parallel_loop3A_192 = arith.addf %parallel_loop3A_185, %parallel_loop3A_191 : vector<16xf32>
      %parallel_loop3A_193 = arith.constant 16 : i32
      %parallel_loop3A_194 = arith.muli %parallel_loop3A_151, %parallel_loop3A_193 : i32
      %parallel_loop3A_195 = arith.constant 512 : i32
      %parallel_loop3A_196 = arith.addi %parallel_loop3A_195, %parallel_loop3A_194 : i32
      %parallel_loop3A_197 = arith.index_cast %parallel_loop3A_196 : i32 to index
      %parallel_loop3A_198 = tpu.vector_load %arg25[%parallel_loop3A_197] {strides = array<i32>} : memref<2048xf32, #tpu.memory_space<vmem>>, vector<16xf32>,
      %parallel_loop3A_199 = arith.addf %parallel_loop3A_192, %parallel_loop3A_198 : vector<16xf32>
      %parallel_loop3A_200 = arith.constant 16 : i32
      %parallel_loop3A_201 = arith.muli %parallel_loop3A_151, %parallel_loop3A_200 : i32
      %parallel_loop3A_202 = arith.constant 640 : i32
      %parallel_loop3A_203 = arith.addi %parallel_loop3A_202, %parallel_loop3A_201 : i32
      %parallel_loop3A_204 = arith.index_cast %parallel_loop3A_203 : i32 to index
      %parallel_loop3A_205 = tpu.vector_load %arg25[%parallel_loop3A_204] {strides = array<i32>} : memref<2048xf32, #tpu.memory_space<vmem>>, vector<16xf32>,
      %parallel_loop3A_206 = arith.addf %parallel_loop3A_199, %parallel_loop3A_205 : vector<16xf32>
      %parallel_loop3A_207 = arith.constant 16 : i32
      %parallel_loop3A_208 = arith.muli %parallel_loop3A_151, %parallel_loop3A_207 : i32
      %parallel_loop3A_209 = arith.constant 768 : i32
      %parallel_loop3A_210 = arith.addi %parallel_loop3A_209, %parallel_loop3A_208 : i32
      %parallel_loop3A_211 = arith.index_cast %parallel_loop3A_210 : i32 to index
      %parallel_loop3A_212 = tpu.vector_load %arg25[%parallel_loop3A_211] {strides = array<i32>} : memref<2048xf32, #tpu.memory_space<vmem>>, vector<16xf32>,
      %parallel_loop3A_213 = arith.addf %parallel_loop3A_206, %parallel_loop3A_212 : vector<16xf32>
      %parallel_loop3A_214 = arith.constant 16 : i32
      %parallel_loop3A_215 = arith.muli %parallel_loop3A_151, %parallel_loop3A_214 : i32
      %parallel_loop3A_216 = arith.constant 896 : i32
      %parallel_loop3A_217 = arith.addi %parallel_loop3A_216, %parallel_loop3A_215 : i32
      %parallel_loop3A_218 = arith.index_cast %parallel_loop3A_217 : i32 to index
      %parallel_loop3A_219 = tpu.vector_load %arg25[%parallel_loop3A_218] {strides = array<i32>} : memref<2048xf32, #tpu.memory_space<vmem>>, vector<16xf32>,
      %parallel_loop3A_220 = arith.addf %parallel_loop3A_213, %parallel_loop3A_219 : vector<16xf32>
      %parallel_loop3A_221 = arith.constant 16 : i32
      %parallel_loop3A_222 = arith.muli %parallel_loop3A_151, %parallel_loop3A_221 : i32
      %parallel_loop3A_223 = arith.constant 1024 : i32
      %parallel_loop3A_224 = arith.addi %parallel_loop3A_223, %parallel_loop3A_222 : i32
      %parallel_loop3A_225 = arith.index_cast %parallel_loop3A_224 : i32 to index
      %parallel_loop3A_226 = tpu.vector_load %arg25[%parallel_loop3A_225] {strides = array<i32>} : memref<2048xf32, #tpu.memory_space<vmem>>, vector<16xf32>,
      %parallel_loop3A_227 = arith.addf %parallel_loop3A_220, %parallel_loop3A_226 : vector<16xf32>
      %parallel_loop3A_228 = arith.constant 16 : i32
      %parallel_loop3A_229 = arith.muli %parallel_loop3A_151, %parallel_loop3A_228 : i32
      %parallel_loop3A_230 = arith.constant 1152 : i32
      %parallel_loop3A_231 = arith.addi %parallel_loop3A_230, %parallel_loop3A_229 : i32
      %parallel_loop3A_232 = arith.index_cast %parallel_loop3A_231 : i32 to index
      %parallel_loop3A_233 = tpu.vector_load %arg25[%parallel_loop3A_232] {strides = array<i32>} : memref<2048xf32, #tpu.memory_space<vmem>>, vector<16xf32>,
      %parallel_loop3A_234 = arith.addf %parallel_loop3A_227, %parallel_loop3A_233 : vector<16xf32>
      %parallel_loop3A_235 = arith.constant 16 : i32
      %parallel_loop3A_236 = arith.muli %parallel_loop3A_151, %parallel_loop3A_235 : i32
      %parallel_loop3A_237 = arith.constant 1280 : i32
      %parallel_loop3A_238 = arith.addi %parallel_loop3A_237, %parallel_loop3A_236 : i32
      %parallel_loop3A_239 = arith.index_cast %parallel_loop3A_238 : i32 to index
      %parallel_loop3A_240 = tpu.vector_load %arg25[%parallel_loop3A_239] {strides = array<i32>} : memref<2048xf32, #tpu.memory_space<vmem>>, vector<16xf32>,
      %parallel_loop3A_241 = arith.addf %parallel_loop3A_234, %parallel_loop3A_240 : vector<16xf32>
      %parallel_loop3A_242 = arith.constant 16 : i32
      %parallel_loop3A_243 = arith.muli %parallel_loop3A_151, %parallel_loop3A_242 : i32
      %parallel_loop3A_244 = arith.constant 1408 : i32
      %parallel_loop3A_245 = arith.addi %parallel_loop3A_244, %parallel_loop3A_243 : i32
      %parallel_loop3A_246 = arith.index_cast %parallel_loop3A_245 : i32 to index
      %parallel_loop3A_247 = tpu.vector_load %arg25[%parallel_loop3A_246] {strides = array<i32>} : memref<2048xf32, #tpu.memory_space<vmem>>, vector<16xf32>,
      %parallel_loop3A_248 = arith.addf %parallel_loop3A_241, %parallel_loop3A_247 : vector<16xf32>
      %parallel_loop3A_249 = arith.constant 16 : i32
      %parallel_loop3A_250 = arith.muli %parallel_loop3A_151, %parallel_loop3A_249 : i32
      %parallel_loop3A_251 = arith.constant 1536 : i32
      %parallel_loop3A_252 = arith.addi %parallel_loop3A_251, %parallel_loop3A_250 : i32
      %parallel_loop3A_253 = arith.index_cast %parallel_loop3A_252 : i32 to index
      %parallel_loop3A_254 = tpu.vector_load %arg25[%parallel_loop3A_253] {strides = array<i32>} : memref<2048xf32, #tpu.memory_space<vmem>>, vector<16xf32>,
      %parallel_loop3A_255 = arith.addf %parallel_loop3A_248, %parallel_loop3A_254 : vector<16xf32>
      %parallel_loop3A_256 = arith.constant 16 : i32
      %parallel_loop3A_257 = arith.muli %parallel_loop3A_151, %parallel_loop3A_256 : i32
      %parallel_loop3A_258 = arith.constant 1664 : i32
      %parallel_loop3A_259 = arith.addi %parallel_loop3A_258, %parallel_loop3A_257 : i32
      %parallel_loop3A_260 = arith.index_cast %parallel_loop3A_259 : i32 to index
      %parallel_loop3A_261 = tpu.vector_load %arg25[%parallel_loop3A_260] {strides = array<i32>} : memref<2048xf32, #tpu.memory_space<vmem>>, vector<16xf32>,
      %parallel_loop3A_262 = arith.addf %parallel_loop3A_255, %parallel_loop3A_261 : vector<16xf32>
      %parallel_loop3A_263 = arith.constant 16 : i32
      %parallel_loop3A_264 = arith.muli %parallel_loop3A_151, %parallel_loop3A_263 : i32
      %parallel_loop3A_265 = arith.constant 1792 : i32
      %parallel_loop3A_266 = arith.addi %parallel_loop3A_265, %parallel_loop3A_264 : i32
      %parallel_loop3A_267 = arith.index_cast %parallel_loop3A_266 : i32 to index
      %parallel_loop3A_268 = tpu.vector_load %arg25[%parallel_loop3A_267] {strides = array<i32>} : memref<2048xf32, #tpu.memory_space<vmem>>, vector<16xf32>,
      %parallel_loop3A_269 = arith.addf %parallel_loop3A_262, %parallel_loop3A_268 : vector<16xf32>
      %parallel_loop3A_270 = arith.constant 16 : i32
      %parallel_loop3A_271 = arith.muli %parallel_loop3A_151, %parallel_loop3A_270 : i32
      %parallel_loop3A_272 = arith.constant 1920 : i32
      %parallel_loop3A_273 = arith.addi %parallel_loop3A_272, %parallel_loop3A_271 : i32
      %parallel_loop3A_274 = arith.index_cast %parallel_loop3A_273 : i32 to index
      %parallel_loop3A_275 = tpu.vector_load %arg25[%parallel_loop3A_274] {strides = array<i32>} : memref<2048xf32, #tpu.memory_space<vmem>>, vector<16xf32>,
      %parallel_loop3A_276 = arith.addf %parallel_loop3A_269, %parallel_loop3A_275 : vector<16xf32>
      %parallel_loop3A_277 = arith.constant 16 : i32
      %parallel_loop3A_278 = arith.muli %parallel_loop3A_151, %parallel_loop3A_277 : i32
      %parallel_loop3A_279 = arith.constant 128 : i32
      %parallel_loop3A_280 = arith.addi %parallel_loop3A_279, %parallel_loop3A_278 : i32
      %parallel_loop3A_281 = arith.index_cast %parallel_loop3A_280 : i32 to index
      %parallel_loop3A_282 = tpu.vector_load %arg26[%parallel_loop3A_281] {strides = array<i32>} : memref<512xf32, #tpu.memory_space<vmem>>, vector<16xf32>,
      tpu.vector_store %arg26[%parallel_loop3A_281], %parallel_loop3A_276 {strides = array<i32>} : memref<512xf32, #tpu.memory_space<vmem>>, vector<16xf32>,
    } {sc.loop_unroll_factor = 2 : i64, sc.parallel_access}
    %dma_start3A_121 = arith.constant 0 : i32
    %dma_start3A_122 = arith.constant 0 : i32
    %dma_start3A_123 = tpu.memref_slice %arg2[%dma_start3A_121, %dma_start3A_122] : memref<100000x128xf32, #tpu.memory_space<hbm>> -> memref<100000x128xf32, #tpu.memory_space<hbm>>
    tpu.enqueue_indirect_dma source(%dma_start3A_123 : memref<100000x128xf32, #tpu.memory_space<hbm>>) target(%arg22 : memref<128x128xf32, #tpu.memory_space<vmem>>) offsets(%arg12 : memref<128xi32, #tpu.memory_space<vmem>>) semaphore(%arg28 : memref<!tpu.dma_semaphore, #tpu.memory_space<semaphore_mem>>)
    %dma_start3A_124 = arith.constant 0 : i32
    %dma_start3A_125 = arith.constant 0 : i32
    %dma_start3A_126 = tpu.memref_slice %arg3[%dma_start3A_124, %dma_start3A_125] : memref<100000x128xf32, #tpu.memory_space<hbm>> -> memref<100000x128xf32, #tpu.memory_space<hbm>>
    tpu.enqueue_indirect_dma source(%dma_start3A_126 : memref<100000x128xf32, #tpu.memory_space<hbm>>) target(%arg24 : memref<128x128xf32, #tpu.memory_space<vmem>>) offsets(%arg16 : memref<128xi32, #tpu.memory_space<vmem>>) semaphore(%arg28 : memref<!tpu.dma_semaphore, #tpu.memory_space<semaphore_mem>>)
    %dma_wait3A_127 = arith.constant 0 : i32
    %dma_wait3A_128 = arith.constant 0 : i32
    %dma_wait3A_129 = tpu.memref_slice %arg2[%dma_wait3A_127, %dma_wait3A_128] : memref<100000x128xf32, #tpu.memory_space<hbm>> -> memref<100000x128xf32, #tpu.memory_space<hbm>>
    tpu.wait_indirect_dma semaphore(%arg27 : memref<!tpu.dma_semaphore, #tpu.memory_space<semaphore_mem>>) src(%dma_wait3A_129 : memref<100000x128xf32, #tpu.memory_space<hbm>>) dst(%arg21 : memref<128x128xf32, #tpu.memory_space<vmem>>)
    %dma_wait3A_130 = arith.constant 0 : i32
    %dma_wait3A_131 = arith.constant 0 : i32
    %dma_wait3A_132 = tpu.memref_slice %arg3[%dma_wait3A_130, %dma_wait3A_131] : memref<100000x128xf32, #tpu.memory_space<hbm>> -> memref<100000x128xf32, #tpu.memory_space<hbm>>
    tpu.wait_indirect_dma semaphore(%arg27 : memref<!tpu.dma_semaphore, #tpu.memory_space<semaphore_mem>>) src(%dma_wait3A_132 : memref<100000x128xf32, #tpu.memory_space<hbm>>) dst(%arg23 : memref<128x128xf32, #tpu.memory_space<vmem>>)
    %parallel_loop3A_133 = arith.constant 0 : i32
    %parallel_loop3A_134 = arith.constant 128 : i32
    %parallel_loop3A_135 = arith.constant 1 : i32
    scf.for %parallel_loop3A_151 = %parallel_loop3A_133 to %parallel_loop3A_134 step %parallel_loop3A_135  : i32 {
      %parallel_loop3A_152 = arith.index_cast %parallel_loop3A_151 : i32 to index
      %parallel_loop3A_153 = arith.constant 0 : index
      %parallel_loop3A_154 = tpu.vector_load %arg21[%parallel_loop3A_152, %parallel_loop3A_153] {strides = array<i32>} : memref<128x128xf32, #tpu.memory_space<vmem>>, vector<16xf32>,
      %parallel_loop3A_155 = arith.index_cast %parallel_loop3A_151 : i32 to index
      %parallel_loop3A_156 = arith.constant 0 : index
      %parallel_loop3A_157 = tpu.vector_load %arg23[%parallel_loop3A_155, %parallel_loop3A_156] {strides = array<i32>} : memref<128x128xf32, #tpu.memory_space<vmem>>, vector<16xf32>,
      %parallel_loop3A_158 = arith.mulf %parallel_loop3A_154, %parallel_loop3A_157 : vector<16xf32>
      %parallel_loop3A_159 = arith.index_cast %parallel_loop3A_151 : i32 to index
      %parallel_loop3A_160 = arith.constant 16 : index
      %parallel_loop3A_161 = tpu.vector_load %arg21[%parallel_loop3A_159, %parallel_loop3A_160] {strides = array<i32>} : memref<128x128xf32, #tpu.memory_space<vmem>>, vector<16xf32>,
      %parallel_loop3A_162 = arith.index_cast %parallel_loop3A_151 : i32 to index
      %parallel_loop3A_163 = arith.constant 16 : index
      %parallel_loop3A_164 = tpu.vector_load %arg23[%parallel_loop3A_162, %parallel_loop3A_163] {strides = array<i32>} : memref<128x128xf32, #tpu.memory_space<vmem>>, vector<16xf32>,
      %parallel_loop3A_165 = arith.mulf %parallel_loop3A_161, %parallel_loop3A_164 : vector<16xf32>
      %parallel_loop3A_166 = arith.index_cast %parallel_loop3A_151 : i32 to index
      %parallel_loop3A_167 = arith.constant 32 : index
      %parallel_loop3A_168 = tpu.vector_load %arg21[%parallel_loop3A_166, %parallel_loop3A_167] {strides = array<i32>} : memref<128x128xf32, #tpu.memory_space<vmem>>, vector<16xf32>,
      %parallel_loop3A_169 = arith.index_cast %parallel_loop3A_151 : i32 to index
      %parallel_loop3A_170 = arith.constant 32 : index
      %parallel_loop3A_171 = tpu.vector_load %arg23[%parallel_loop3A_169, %parallel_loop3A_170] {strides = array<i32>} : memref<128x128xf32, #tpu.memory_space<vmem>>, vector<16xf32>,
      %parallel_loop3A_172 = arith.mulf %parallel_loop3A_168, %parallel_loop3A_171 : vector<16xf32>
      %parallel_loop3A_173 = arith.index_cast %parallel_loop3A_151 : i32 to index
      %parallel_loop3A_174 = arith.constant 48 : index
      %parallel_loop3A_175 = tpu.vector_load %arg21[%parallel_loop3A_173, %parallel_loop3A_174] {strides = array<i32>} : memref<128x128xf32, #tpu.memory_space<vmem>>, vector<16xf32>,
      %parallel_loop3A_176 = arith.index_cast %parallel_loop3A_151 : i32 to index
      %parallel_loop3A_177 = arith.constant 48 : index
      %parallel_loop3A_178 = tpu.vector_load %arg23[%parallel_loop3A_176, %parallel_loop3A_177] {strides = array<i32>} : memref<128x128xf32, #tpu.memory_space<vmem>>, vector<16xf32>,
      %parallel_loop3A_179 = arith.mulf %parallel_loop3A_175, %parallel_loop3A_178 : vector<16xf32>
      %parallel_loop3A_180 = arith.index_cast %parallel_loop3A_151 : i32 to index
      %parallel_loop3A_181 = arith.constant 64 : index
      %parallel_loop3A_182 = tpu.vector_load %arg21[%parallel_loop3A_180, %parallel_loop3A_181] {strides = array<i32>} : memref<128x128xf32, #tpu.memory_space<vmem>>, vector<16xf32>,
      %parallel_loop3A_183 = arith.index_cast %parallel_loop3A_151 : i32 to index
      %parallel_loop3A_184 = arith.constant 64 : index
      %parallel_loop3A_185 = tpu.vector_load %arg23[%parallel_loop3A_183, %parallel_loop3A_184] {strides = array<i32>} : memref<128x128xf32, #tpu.memory_space<vmem>>, vector<16xf32>,
      %parallel_loop3A_186 = arith.mulf %parallel_loop3A_182, %parallel_loop3A_185 : vector<16xf32>
      %parallel_loop3A_187 = arith.index_cast %parallel_loop3A_151 : i32 to index
      %parallel_loop3A_188 = arith.constant 80 : index
      %parallel_loop3A_189 = tpu.vector_load %arg21[%parallel_loop3A_187, %parallel_loop3A_188] {strides = array<i32>} : memref<128x128xf32, #tpu.memory_space<vmem>>, vector<16xf32>,
      %parallel_loop3A_190 = arith.index_cast %parallel_loop3A_151 : i32 to index
      %parallel_loop3A_191 = arith.constant 80 : index
      %parallel_loop3A_192 = tpu.vector_load %arg23[%parallel_loop3A_190, %parallel_loop3A_191] {strides = array<i32>} : memref<128x128xf32, #tpu.memory_space<vmem>>, vector<16xf32>,
      %parallel_loop3A_193 = arith.mulf %parallel_loop3A_189, %parallel_loop3A_192 : vector<16xf32>
      %parallel_loop3A_194 = arith.index_cast %parallel_loop3A_151 : i32 to index
      %parallel_loop3A_195 = arith.constant 96 : index
      %parallel_loop3A_196 = tpu.vector_load %arg21[%parallel_loop3A_194, %parallel_loop3A_195] {strides = array<i32>} : memref<128x128xf32, #tpu.memory_space<vmem>>, vector<16xf32>,
      %parallel_loop3A_197 = arith.index_cast %parallel_loop3A_151 : i32 to index
      %parallel_loop3A_198 = arith.constant 96 : index
      %parallel_loop3A_199 = tpu.vector_load %arg23[%parallel_loop3A_197, %parallel_loop3A_198] {strides = array<i32>} : memref<128x128xf32, #tpu.memory_space<vmem>>, vector<16xf32>,
      %parallel_loop3A_200 = arith.mulf %parallel_loop3A_196, %parallel_loop3A_199 : vector<16xf32>
      %parallel_loop3A_201 = arith.index_cast %parallel_loop3A_151 : i32 to index
      %parallel_loop3A_202 = arith.constant 112 : index
      %parallel_loop3A_203 = tpu.vector_load %arg21[%parallel_loop3A_201, %parallel_loop3A_202] {strides = array<i32>} : memref<128x128xf32, #tpu.memory_space<vmem>>, vector<16xf32>,
      %parallel_loop3A_204 = arith.index_cast %parallel_loop3A_151 : i32 to index
      %parallel_loop3A_205 = arith.constant 112 : index
      %parallel_loop3A_206 = tpu.vector_load %arg23[%parallel_loop3A_204, %parallel_loop3A_205] {strides = array<i32>} : memref<128x128xf32, #tpu.memory_space<vmem>>, vector<16xf32>,
      %parallel_loop3A_207 = arith.mulf %parallel_loop3A_203, %parallel_loop3A_206 : vector<16xf32>
      %parallel_loop3A_208 = arith.addf %parallel_loop3A_158, %parallel_loop3A_165 : vector<16xf32>
      %parallel_loop3A_209 = arith.addf %parallel_loop3A_172, %parallel_loop3A_179 : vector<16xf32>
      %parallel_loop3A_210 = arith.addf %parallel_loop3A_186, %parallel_loop3A_193 : vector<16xf32>
      %parallel_loop3A_211 = arith.addf %parallel_loop3A_200, %parallel_loop3A_207 : vector<16xf32>
      %parallel_loop3A_212 = arith.addf %parallel_loop3A_208, %parallel_loop3A_209 : vector<16xf32>
      %parallel_loop3A_213 = arith.addf %parallel_loop3A_210, %parallel_loop3A_211 : vector<16xf32>
      %parallel_loop3A_214 = arith.addf %parallel_loop3A_212, %parallel_loop3A_213 : vector<16xf32>
      %parallel_loop3A_215 = vector.broadcast %parallel_loop3A_151 : i32 to vector<16xi32>
      %parallel_loop3A_216 = arith.addi %mul3A_81, %parallel_loop3A_215 : vector<16xi32>
      tpu.vector_store_idx %arg25[%parallel_loop3A_216], %parallel_loop3A_214 : memref<2048xf32, #tpu.memory_space<vmem>>[vector<16xi32>], vector<16xf32>,
    } {sc.loop_unroll_factor = 4 : i64, sc.parallel_access}
    %parallel_loop3A_136 = arith.constant 0 : i32
    %parallel_loop3A_137 = arith.constant 8 : i32
    %parallel_loop3A_138 = arith.constant 1 : i32
    scf.for %parallel_loop3A_151 = %parallel_loop3A_136 to %parallel_loop3A_137 step %parallel_loop3A_138  : i32 {
      %parallel_loop3A_152 = arith.constant 16 : i32
      %parallel_loop3A_153 = arith.muli %parallel_loop3A_151, %parallel_loop3A_152 : i32
      %parallel_loop3A_154 = arith.constant 256 : i32
      %parallel_loop3A_155 = arith.addi %parallel_loop3A_154, %parallel_loop3A_153 : i32
      %parallel_loop3A_156 = arith.index_cast %parallel_loop3A_155 : i32 to index
      %parallel_loop3A_157 = tpu.vector_load %arg19[%parallel_loop3A_156] {strides = array<i32>} : memref<512xf32, #tpu.memory_space<vmem>>, vector<16xf32>,
      %parallel_loop3A_158 = arith.constant 16 : i32
      %parallel_loop3A_159 = arith.muli %parallel_loop3A_151, %parallel_loop3A_158 : i32
      %parallel_loop3A_160 = arith.constant 256 : i32
      %parallel_loop3A_161 = arith.addi %parallel_loop3A_160, %parallel_loop3A_159 : i32
      %parallel_loop3A_162 = arith.index_cast %parallel_loop3A_161 : i32 to index
      %parallel_loop3A_163 = tpu.vector_load %arg20[%parallel_loop3A_162] {strides = array<i32>} : memref<512xf32, #tpu.memory_space<vmem>>, vector<16xf32>,
      %parallel_loop3A_164 = arith.addf %parallel_loop3A_157, %parallel_loop3A_163 : vector<16xf32>
      %parallel_loop3A_165 = arith.constant 16 : i32
      %parallel_loop3A_166 = arith.muli %parallel_loop3A_151, %parallel_loop3A_165 : i32
      %parallel_loop3A_167 = arith.constant 0 : i32
      %parallel_loop3A_168 = arith.addi %parallel_loop3A_167, %parallel_loop3A_166 : i32
      %parallel_loop3A_169 = arith.index_cast %parallel_loop3A_168 : i32 to index
      %parallel_loop3A_170 = tpu.vector_load %arg25[%parallel_loop3A_169] {strides = array<i32>} : memref<2048xf32, #tpu.memory_space<vmem>>, vector<16xf32>,
      %parallel_loop3A_171 = arith.addf %parallel_loop3A_164, %parallel_loop3A_170 : vector<16xf32>
      %parallel_loop3A_172 = arith.constant 16 : i32
      %parallel_loop3A_173 = arith.muli %parallel_loop3A_151, %parallel_loop3A_172 : i32
      %parallel_loop3A_174 = arith.constant 128 : i32
      %parallel_loop3A_175 = arith.addi %parallel_loop3A_174, %parallel_loop3A_173 : i32
      %parallel_loop3A_176 = arith.index_cast %parallel_loop3A_175 : i32 to index
      %parallel_loop3A_177 = tpu.vector_load %arg25[%parallel_loop3A_176] {strides = array<i32>} : memref<2048xf32, #tpu.memory_space<vmem>>, vector<16xf32>,
      %parallel_loop3A_178 = arith.addf %parallel_loop3A_171, %parallel_loop3A_177 : vector<16xf32>
      %parallel_loop3A_179 = arith.constant 16 : i32
      %parallel_loop3A_180 = arith.muli %parallel_loop3A_151, %parallel_loop3A_179 : i32
      %parallel_loop3A_181 = arith.constant 256 : i32
      %parallel_loop3A_182 = arith.addi %parallel_loop3A_181, %parallel_loop3A_180 : i32
      %parallel_loop3A_183 = arith.index_cast %parallel_loop3A_182 : i32 to index
      %parallel_loop3A_184 = tpu.vector_load %arg25[%parallel_loop3A_183] {strides = array<i32>} : memref<2048xf32, #tpu.memory_space<vmem>>, vector<16xf32>,
      %parallel_loop3A_185 = arith.addf %parallel_loop3A_178, %parallel_loop3A_184 : vector<16xf32>
      %parallel_loop3A_186 = arith.constant 16 : i32
      %parallel_loop3A_187 = arith.muli %parallel_loop3A_151, %parallel_loop3A_186 : i32
      %parallel_loop3A_188 = arith.constant 384 : i32
      %parallel_loop3A_189 = arith.addi %parallel_loop3A_188, %parallel_loop3A_187 : i32
      %parallel_loop3A_190 = arith.index_cast %parallel_loop3A_189 : i32 to index
      %parallel_loop3A_191 = tpu.vector_load %arg25[%parallel_loop3A_190] {strides = array<i32>} : memref<2048xf32, #tpu.memory_space<vmem>>, vector<16xf32>,
      %parallel_loop3A_192 = arith.addf %parallel_loop3A_185, %parallel_loop3A_191 : vector<16xf32>
      %parallel_loop3A_193 = arith.constant 16 : i32
      %parallel_loop3A_194 = arith.muli %parallel_loop3A_151, %parallel_loop3A_193 : i32
      %parallel_loop3A_195 = arith.constant 512 : i32
      %parallel_loop3A_196 = arith.addi %parallel_loop3A_195, %parallel_loop3A_194 : i32
      %parallel_loop3A_197 = arith.index_cast %parallel_loop3A_196 : i32 to index
      %parallel_loop3A_198 = tpu.vector_load %arg25[%parallel_loop3A_197] {strides = array<i32>} : memref<2048xf32, #tpu.memory_space<vmem>>, vector<16xf32>,
      %parallel_loop3A_199 = arith.addf %parallel_loop3A_192, %parallel_loop3A_198 : vector<16xf32>
      %parallel_loop3A_200 = arith.constant 16 : i32
      %parallel_loop3A_201 = arith.muli %parallel_loop3A_151, %parallel_loop3A_200 : i32
      %parallel_loop3A_202 = arith.constant 640 : i32
      %parallel_loop3A_203 = arith.addi %parallel_loop3A_202, %parallel_loop3A_201 : i32
      %parallel_loop3A_204 = arith.index_cast %parallel_loop3A_203 : i32 to index
      %parallel_loop3A_205 = tpu.vector_load %arg25[%parallel_loop3A_204] {strides = array<i32>} : memref<2048xf32, #tpu.memory_space<vmem>>, vector<16xf32>,
      %parallel_loop3A_206 = arith.addf %parallel_loop3A_199, %parallel_loop3A_205 : vector<16xf32>
      %parallel_loop3A_207 = arith.constant 16 : i32
      %parallel_loop3A_208 = arith.muli %parallel_loop3A_151, %parallel_loop3A_207 : i32
      %parallel_loop3A_209 = arith.constant 768 : i32
      %parallel_loop3A_210 = arith.addi %parallel_loop3A_209, %parallel_loop3A_208 : i32
      %parallel_loop3A_211 = arith.index_cast %parallel_loop3A_210 : i32 to index
      %parallel_loop3A_212 = tpu.vector_load %arg25[%parallel_loop3A_211] {strides = array<i32>} : memref<2048xf32, #tpu.memory_space<vmem>>, vector<16xf32>,
      %parallel_loop3A_213 = arith.addf %parallel_loop3A_206, %parallel_loop3A_212 : vector<16xf32>
      %parallel_loop3A_214 = arith.constant 16 : i32
      %parallel_loop3A_215 = arith.muli %parallel_loop3A_151, %parallel_loop3A_214 : i32
      %parallel_loop3A_216 = arith.constant 896 : i32
      %parallel_loop3A_217 = arith.addi %parallel_loop3A_216, %parallel_loop3A_215 : i32
      %parallel_loop3A_218 = arith.index_cast %parallel_loop3A_217 : i32 to index
      %parallel_loop3A_219 = tpu.vector_load %arg25[%parallel_loop3A_218] {strides = array<i32>} : memref<2048xf32, #tpu.memory_space<vmem>>, vector<16xf32>,
      %parallel_loop3A_220 = arith.addf %parallel_loop3A_213, %parallel_loop3A_219 : vector<16xf32>
      %parallel_loop3A_221 = arith.constant 16 : i32
      %parallel_loop3A_222 = arith.muli %parallel_loop3A_151, %parallel_loop3A_221 : i32
      %parallel_loop3A_223 = arith.constant 1024 : i32
      %parallel_loop3A_224 = arith.addi %parallel_loop3A_223, %parallel_loop3A_222 : i32
      %parallel_loop3A_225 = arith.index_cast %parallel_loop3A_224 : i32 to index
      %parallel_loop3A_226 = tpu.vector_load %arg25[%parallel_loop3A_225] {strides = array<i32>} : memref<2048xf32, #tpu.memory_space<vmem>>, vector<16xf32>,
      %parallel_loop3A_227 = arith.addf %parallel_loop3A_220, %parallel_loop3A_226 : vector<16xf32>
      %parallel_loop3A_228 = arith.constant 16 : i32
      %parallel_loop3A_229 = arith.muli %parallel_loop3A_151, %parallel_loop3A_228 : i32
      %parallel_loop3A_230 = arith.constant 1152 : i32
      %parallel_loop3A_231 = arith.addi %parallel_loop3A_230, %parallel_loop3A_229 : i32
      %parallel_loop3A_232 = arith.index_cast %parallel_loop3A_231 : i32 to index
      %parallel_loop3A_233 = tpu.vector_load %arg25[%parallel_loop3A_232] {strides = array<i32>} : memref<2048xf32, #tpu.memory_space<vmem>>, vector<16xf32>,
      %parallel_loop3A_234 = arith.addf %parallel_loop3A_227, %parallel_loop3A_233 : vector<16xf32>
      %parallel_loop3A_235 = arith.constant 16 : i32
      %parallel_loop3A_236 = arith.muli %parallel_loop3A_151, %parallel_loop3A_235 : i32
      %parallel_loop3A_237 = arith.constant 1280 : i32
      %parallel_loop3A_238 = arith.addi %parallel_loop3A_237, %parallel_loop3A_236 : i32
      %parallel_loop3A_239 = arith.index_cast %parallel_loop3A_238 : i32 to index
      %parallel_loop3A_240 = tpu.vector_load %arg25[%parallel_loop3A_239] {strides = array<i32>} : memref<2048xf32, #tpu.memory_space<vmem>>, vector<16xf32>,
      %parallel_loop3A_241 = arith.addf %parallel_loop3A_234, %parallel_loop3A_240 : vector<16xf32>
      %parallel_loop3A_242 = arith.constant 16 : i32
      %parallel_loop3A_243 = arith.muli %parallel_loop3A_151, %parallel_loop3A_242 : i32
      %parallel_loop3A_244 = arith.constant 1408 : i32
      %parallel_loop3A_245 = arith.addi %parallel_loop3A_244, %parallel_loop3A_243 : i32
      %parallel_loop3A_246 = arith.index_cast %parallel_loop3A_245 : i32 to index
      %parallel_loop3A_247 = tpu.vector_load %arg25[%parallel_loop3A_246] {strides = array<i32>} : memref<2048xf32, #tpu.memory_space<vmem>>, vector<16xf32>,
      %parallel_loop3A_248 = arith.addf %parallel_loop3A_241, %parallel_loop3A_247 : vector<16xf32>
      %parallel_loop3A_249 = arith.constant 16 : i32
      %parallel_loop3A_250 = arith.muli %parallel_loop3A_151, %parallel_loop3A_249 : i32
      %parallel_loop3A_251 = arith.constant 1536 : i32
      %parallel_loop3A_252 = arith.addi %parallel_loop3A_251, %parallel_loop3A_250 : i32
      %parallel_loop3A_253 = arith.index_cast %parallel_loop3A_252 : i32 to index
      %parallel_loop3A_254 = tpu.vector_load %arg25[%parallel_loop3A_253] {strides = array<i32>} : memref<2048xf32, #tpu.memory_space<vmem>>, vector<16xf32>,
      %parallel_loop3A_255 = arith.addf %parallel_loop3A_248, %parallel_loop3A_254 : vector<16xf32>
      %parallel_loop3A_256 = arith.constant 16 : i32
      %parallel_loop3A_257 = arith.muli %parallel_loop3A_151, %parallel_loop3A_256 : i32
      %parallel_loop3A_258 = arith.constant 1664 : i32
      %parallel_loop3A_259 = arith.addi %parallel_loop3A_258, %parallel_loop3A_257 : i32
      %parallel_loop3A_260 = arith.index_cast %parallel_loop3A_259 : i32 to index
      %parallel_loop3A_261 = tpu.vector_load %arg25[%parallel_loop3A_260] {strides = array<i32>} : memref<2048xf32, #tpu.memory_space<vmem>>, vector<16xf32>,
      %parallel_loop3A_262 = arith.addf %parallel_loop3A_255, %parallel_loop3A_261 : vector<16xf32>
      %parallel_loop3A_263 = arith.constant 16 : i32
      %parallel_loop3A_264 = arith.muli %parallel_loop3A_151, %parallel_loop3A_263 : i32
      %parallel_loop3A_265 = arith.constant 1792 : i32
      %parallel_loop3A_266 = arith.addi %parallel_loop3A_265, %parallel_loop3A_264 : i32
      %parallel_loop3A_267 = arith.index_cast %parallel_loop3A_266 : i32 to index
      %parallel_loop3A_268 = tpu.vector_load %arg25[%parallel_loop3A_267] {strides = array<i32>} : memref<2048xf32, #tpu.memory_space<vmem>>, vector<16xf32>,
      %parallel_loop3A_269 = arith.addf %parallel_loop3A_262, %parallel_loop3A_268 : vector<16xf32>
      %parallel_loop3A_270 = arith.constant 16 : i32
      %parallel_loop3A_271 = arith.muli %parallel_loop3A_151, %parallel_loop3A_270 : i32
      %parallel_loop3A_272 = arith.constant 1920 : i32
      %parallel_loop3A_273 = arith.addi %parallel_loop3A_272, %parallel_loop3A_271 : i32
      %parallel_loop3A_274 = arith.index_cast %parallel_loop3A_273 : i32 to index
      %parallel_loop3A_275 = tpu.vector_load %arg25[%parallel_loop3A_274] {strides = array<i32>} : memref<2048xf32, #tpu.memory_space<vmem>>, vector<16xf32>,
      %parallel_loop3A_276 = arith.addf %parallel_loop3A_269, %parallel_loop3A_275 : vector<16xf32>
      %parallel_loop3A_277 = arith.constant 16 : i32
      %parallel_loop3A_278 = arith.muli %parallel_loop3A_151, %parallel_loop3A_277 : i32
      %parallel_loop3A_279 = arith.constant 256 : i32
      %parallel_loop3A_280 = arith.addi %parallel_loop3A_279, %parallel_loop3A_278 : i32
      %parallel_loop3A_281 = arith.index_cast %parallel_loop3A_280 : i32 to index
      %parallel_loop3A_282 = tpu.vector_load %arg26[%parallel_loop3A_281] {strides = array<i32>} : memref<512xf32, #tpu.memory_space<vmem>>, vector<16xf32>,
      tpu.vector_store %arg26[%parallel_loop3A_281], %parallel_loop3A_276 {strides = array<i32>} : memref<512xf32, #tpu.memory_space<vmem>>, vector<16xf32>,
    } {sc.loop_unroll_factor = 2 : i64, sc.parallel_access}
    %dma_wait3A_139 = arith.constant 0 : i32
    %dma_wait3A_140 = arith.constant 0 : i32
    %dma_wait3A_141 = tpu.memref_slice %arg2[%dma_wait3A_139, %dma_wait3A_140] : memref<100000x128xf32, #tpu.memory_space<hbm>> -> memref<100000x128xf32, #tpu.memory_space<hbm>>
    tpu.wait_indirect_dma semaphore(%arg28 : memref<!tpu.dma_semaphore, #tpu.memory_space<semaphore_mem>>) src(%dma_wait3A_141 : memref<100000x128xf32, #tpu.memory_space<hbm>>) dst(%arg22 : memref<128x128xf32, #tpu.memory_space<vmem>>)
    %dma_wait3A_142 = arith.constant 0 : i32
    %dma_wait3A_143 = arith.constant 0 : i32
    %dma_wait3A_144 = tpu.memref_slice %arg3[%dma_wait3A_142, %dma_wait3A_143] : memref<100000x128xf32, #tpu.memory_space<hbm>> -> memref<100000x128xf32, #tpu.memory_space<hbm>>
    tpu.wait_indirect_dma semaphore(%arg28 : memref<!tpu.dma_semaphore, #tpu.memory_space<semaphore_mem>>) src(%dma_wait3A_144 : memref<100000x128xf32, #tpu.memory_space<hbm>>) dst(%arg24 : memref<128x128xf32, #tpu.memory_space<vmem>>)
    %parallel_loop3A_145 = arith.constant 0 : i32
    %parallel_loop3A_146 = arith.constant 128 : i32
    %parallel_loop3A_147 = arith.constant 1 : i32
    scf.for %parallel_loop3A_151 = %parallel_loop3A_145 to %parallel_loop3A_146 step %parallel_loop3A_147  : i32 {
      %parallel_loop3A_152 = arith.index_cast %parallel_loop3A_151 : i32 to index
      %parallel_loop3A_153 = arith.constant 0 : index
      %parallel_loop3A_154 = tpu.vector_load %arg22[%parallel_loop3A_152, %parallel_loop3A_153] {strides = array<i32>} : memref<128x128xf32, #tpu.memory_space<vmem>>, vector<16xf32>,
      %parallel_loop3A_155 = arith.index_cast %parallel_loop3A_151 : i32 to index
      %parallel_loop3A_156 = arith.constant 0 : index
      %parallel_loop3A_157 = tpu.vector_load %arg24[%parallel_loop3A_155, %parallel_loop3A_156] {strides = array<i32>} : memref<128x128xf32, #tpu.memory_space<vmem>>, vector<16xf32>,
      %parallel_loop3A_158 = arith.mulf %parallel_loop3A_154, %parallel_loop3A_157 : vector<16xf32>
      %parallel_loop3A_159 = arith.index_cast %parallel_loop3A_151 : i32 to index
      %parallel_loop3A_160 = arith.constant 16 : index
      %parallel_loop3A_161 = tpu.vector_load %arg22[%parallel_loop3A_159, %parallel_loop3A_160] {strides = array<i32>} : memref<128x128xf32, #tpu.memory_space<vmem>>, vector<16xf32>,
      %parallel_loop3A_162 = arith.index_cast %parallel_loop3A_151 : i32 to index
      %parallel_loop3A_163 = arith.constant 16 : index
      %parallel_loop3A_164 = tpu.vector_load %arg24[%parallel_loop3A_162, %parallel_loop3A_163] {strides = array<i32>} : memref<128x128xf32, #tpu.memory_space<vmem>>, vector<16xf32>,
      %parallel_loop3A_165 = arith.mulf %parallel_loop3A_161, %parallel_loop3A_164 : vector<16xf32>
      %parallel_loop3A_166 = arith.index_cast %parallel_loop3A_151 : i32 to index
      %parallel_loop3A_167 = arith.constant 32 : index
      %parallel_loop3A_168 = tpu.vector_load %arg22[%parallel_loop3A_166, %parallel_loop3A_167] {strides = array<i32>} : memref<128x128xf32, #tpu.memory_space<vmem>>, vector<16xf32>,
      %parallel_loop3A_169 = arith.index_cast %parallel_loop3A_151 : i32 to index
      %parallel_loop3A_170 = arith.constant 32 : index
      %parallel_loop3A_171 = tpu.vector_load %arg24[%parallel_loop3A_169, %parallel_loop3A_170] {strides = array<i32>} : memref<128x128xf32, #tpu.memory_space<vmem>>, vector<16xf32>,
      %parallel_loop3A_172 = arith.mulf %parallel_loop3A_168, %parallel_loop3A_171 : vector<16xf32>
      %parallel_loop3A_173 = arith.index_cast %parallel_loop3A_151 : i32 to index
      %parallel_loop3A_174 = arith.constant 48 : index
      %parallel_loop3A_175 = tpu.vector_load %arg22[%parallel_loop3A_173, %parallel_loop3A_174] {strides = array<i32>} : memref<128x128xf32, #tpu.memory_space<vmem>>, vector<16xf32>,
      %parallel_loop3A_176 = arith.index_cast %parallel_loop3A_151 : i32 to index
      %parallel_loop3A_177 = arith.constant 48 : index
      %parallel_loop3A_178 = tpu.vector_load %arg24[%parallel_loop3A_176, %parallel_loop3A_177] {strides = array<i32>} : memref<128x128xf32, #tpu.memory_space<vmem>>, vector<16xf32>,
      %parallel_loop3A_179 = arith.mulf %parallel_loop3A_175, %parallel_loop3A_178 : vector<16xf32>
      %parallel_loop3A_180 = arith.index_cast %parallel_loop3A_151 : i32 to index
      %parallel_loop3A_181 = arith.constant 64 : index
      %parallel_loop3A_182 = tpu.vector_load %arg22[%parallel_loop3A_180, %parallel_loop3A_181] {strides = array<i32>} : memref<128x128xf32, #tpu.memory_space<vmem>>, vector<16xf32>,
      %parallel_loop3A_183 = arith.index_cast %parallel_loop3A_151 : i32 to index
      %parallel_loop3A_184 = arith.constant 64 : index
      %parallel_loop3A_185 = tpu.vector_load %arg24[%parallel_loop3A_183, %parallel_loop3A_184] {strides = array<i32>} : memref<128x128xf32, #tpu.memory_space<vmem>>, vector<16xf32>,
      %parallel_loop3A_186 = arith.mulf %parallel_loop3A_182, %parallel_loop3A_185 : vector<16xf32>
      %parallel_loop3A_187 = arith.index_cast %parallel_loop3A_151 : i32 to index
      %parallel_loop3A_188 = arith.constant 80 : index
      %parallel_loop3A_189 = tpu.vector_load %arg22[%parallel_loop3A_187, %parallel_loop3A_188] {strides = array<i32>} : memref<128x128xf32, #tpu.memory_space<vmem>>, vector<16xf32>,
      %parallel_loop3A_190 = arith.index_cast %parallel_loop3A_151 : i32 to index
      %parallel_loop3A_191 = arith.constant 80 : index
      %parallel_loop3A_192 = tpu.vector_load %arg24[%parallel_loop3A_190, %parallel_loop3A_191] {strides = array<i32>} : memref<128x128xf32, #tpu.memory_space<vmem>>, vector<16xf32>,
      %parallel_loop3A_193 = arith.mulf %parallel_loop3A_189, %parallel_loop3A_192 : vector<16xf32>
      %parallel_loop3A_194 = arith.index_cast %parallel_loop3A_151 : i32 to index
      %parallel_loop3A_195 = arith.constant 96 : index
      %parallel_loop3A_196 = tpu.vector_load %arg22[%parallel_loop3A_194, %parallel_loop3A_195] {strides = array<i32>} : memref<128x128xf32, #tpu.memory_space<vmem>>, vector<16xf32>,
      %parallel_loop3A_197 = arith.index_cast %parallel_loop3A_151 : i32 to index
      %parallel_loop3A_198 = arith.constant 96 : index
      %parallel_loop3A_199 = tpu.vector_load %arg24[%parallel_loop3A_197, %parallel_loop3A_198] {strides = array<i32>} : memref<128x128xf32, #tpu.memory_space<vmem>>, vector<16xf32>,
      %parallel_loop3A_200 = arith.mulf %parallel_loop3A_196, %parallel_loop3A_199 : vector<16xf32>
      %parallel_loop3A_201 = arith.index_cast %parallel_loop3A_151 : i32 to index
      %parallel_loop3A_202 = arith.constant 112 : index
      %parallel_loop3A_203 = tpu.vector_load %arg22[%parallel_loop3A_201, %parallel_loop3A_202] {strides = array<i32>} : memref<128x128xf32, #tpu.memory_space<vmem>>, vector<16xf32>,
      %parallel_loop3A_204 = arith.index_cast %parallel_loop3A_151 : i32 to index
      %parallel_loop3A_205 = arith.constant 112 : index
      %parallel_loop3A_206 = tpu.vector_load %arg24[%parallel_loop3A_204, %parallel_loop3A_205] {strides = array<i32>} : memref<128x128xf32, #tpu.memory_space<vmem>>, vector<16xf32>,
      %parallel_loop3A_207 = arith.mulf %parallel_loop3A_203, %parallel_loop3A_206 : vector<16xf32>
      %parallel_loop3A_208 = arith.addf %parallel_loop3A_158, %parallel_loop3A_165 : vector<16xf32>
      %parallel_loop3A_209 = arith.addf %parallel_loop3A_172, %parallel_loop3A_179 : vector<16xf32>
      %parallel_loop3A_210 = arith.addf %parallel_loop3A_186, %parallel_loop3A_193 : vector<16xf32>
      %parallel_loop3A_211 = arith.addf %parallel_loop3A_200, %parallel_loop3A_207 : vector<16xf32>
      %parallel_loop3A_212 = arith.addf %parallel_loop3A_208, %parallel_loop3A_209 : vector<16xf32>
      %parallel_loop3A_213 = arith.addf %parallel_loop3A_210, %parallel_loop3A_211 : vector<16xf32>
      %parallel_loop3A_214 = arith.addf %parallel_loop3A_212, %parallel_loop3A_213 : vector<16xf32>
      %parallel_loop3A_215 = vector.broadcast %parallel_loop3A_151 : i32 to vector<16xi32>
      %parallel_loop3A_216 = arith.addi %mul3A_81, %parallel_loop3A_215 : vector<16xi32>
      tpu.vector_store_idx %arg25[%parallel_loop3A_216], %parallel_loop3A_214 : memref<2048xf32, #tpu.memory_space<vmem>>[vector<16xi32>], vector<16xf32>,
    } {sc.loop_unroll_factor = 4 : i64, sc.parallel_access}
    %parallel_loop3A_148 = arith.constant 0 : i32
    %parallel_loop3A_149 = arith.constant 8 : i32
    %parallel_loop3A_150 = arith.constant 1 : i32
    scf.for %parallel_loop3A_151 = %parallel_loop3A_148 to %parallel_loop3A_149 step %parallel_loop3A_150  : i32 {
      %parallel_loop3A_152 = arith.constant 16 : i32
      %parallel_loop3A_153 = arith.muli %parallel_loop3A_151, %parallel_loop3A_152 : i32
      %parallel_loop3A_154 = arith.constant 384 : i32
      %parallel_loop3A_155 = arith.addi %parallel_loop3A_154, %parallel_loop3A_153 : i32
      %parallel_loop3A_156 = arith.index_cast %parallel_loop3A_155 : i32 to index
      %parallel_loop3A_157 = tpu.vector_load %arg19[%parallel_loop3A_156] {strides = array<i32>} : memref<512xf32, #tpu.memory_space<vmem>>, vector<16xf32>,
      %parallel_loop3A_158 = arith.constant 16 : i32
      %parallel_loop3A_159 = arith.muli %parallel_loop3A_151, %parallel_loop3A_158 : i32
      %parallel_loop3A_160 = arith.constant 384 : i32
      %parallel_loop3A_161 = arith.addi %parallel_loop3A_160, %parallel_loop3A_159 : i32
      %parallel_loop3A_162 = arith.index_cast %parallel_loop3A_161 : i32 to index
      %parallel_loop3A_163 = tpu.vector_load %arg20[%parallel_loop3A_162] {strides = array<i32>} : memref<512xf32, #tpu.memory_space<vmem>>, vector<16xf32>,
      %parallel_loop3A_164 = arith.addf %parallel_loop3A_157, %parallel_loop3A_163 : vector<16xf32>
      %parallel_loop3A_165 = arith.constant 16 : i32
      %parallel_loop3A_166 = arith.muli %parallel_loop3A_151, %parallel_loop3A_165 : i32
      %parallel_loop3A_167 = arith.constant 0 : i32
      %parallel_loop3A_168 = arith.addi %parallel_loop3A_167, %parallel_loop3A_166 : i32
      %parallel_loop3A_169 = arith.index_cast %parallel_loop3A_168 : i32 to index
      %parallel_loop3A_170 = tpu.vector_load %arg25[%parallel_loop3A_169] {strides = array<i32>} : memref<2048xf32, #tpu.memory_space<vmem>>, vector<16xf32>,
      %parallel_loop3A_171 = arith.addf %parallel_loop3A_164, %parallel_loop3A_170 : vector<16xf32>
      %parallel_loop3A_172 = arith.constant 16 : i32
      %parallel_loop3A_173 = arith.muli %parallel_loop3A_151, %parallel_loop3A_172 : i32
      %parallel_loop3A_174 = arith.constant 128 : i32
      %parallel_loop3A_175 = arith.addi %parallel_loop3A_174, %parallel_loop3A_173 : i32
      %parallel_loop3A_176 = arith.index_cast %parallel_loop3A_175 : i32 to index
      %parallel_loop3A_177 = tpu.vector_load %arg25[%parallel_loop3A_176] {strides = array<i32>} : memref<2048xf32, #tpu.memory_space<vmem>>, vector<16xf32>,
      %parallel_loop3A_178 = arith.addf %parallel_loop3A_171, %parallel_loop3A_177 : vector<16xf32>
      %parallel_loop3A_179 = arith.constant 16 : i32
      %parallel_loop3A_180 = arith.muli %parallel_loop3A_151, %parallel_loop3A_179 : i32
      %parallel_loop3A_181 = arith.constant 256 : i32
      %parallel_loop3A_182 = arith.addi %parallel_loop3A_181, %parallel_loop3A_180 : i32
      %parallel_loop3A_183 = arith.index_cast %parallel_loop3A_182 : i32 to index
      %parallel_loop3A_184 = tpu.vector_load %arg25[%parallel_loop3A_183] {strides = array<i32>} : memref<2048xf32, #tpu.memory_space<vmem>>, vector<16xf32>,
      %parallel_loop3A_185 = arith.addf %parallel_loop3A_178, %parallel_loop3A_184 : vector<16xf32>
      %parallel_loop3A_186 = arith.constant 16 : i32
      %parallel_loop3A_187 = arith.muli %parallel_loop3A_151, %parallel_loop3A_186 : i32
      %parallel_loop3A_188 = arith.constant 384 : i32
      %parallel_loop3A_189 = arith.addi %parallel_loop3A_188, %parallel_loop3A_187 : i32
      %parallel_loop3A_190 = arith.index_cast %parallel_loop3A_189 : i32 to index
      %parallel_loop3A_191 = tpu.vector_load %arg25[%parallel_loop3A_190] {strides = array<i32>} : memref<2048xf32, #tpu.memory_space<vmem>>, vector<16xf32>,
      %parallel_loop3A_192 = arith.addf %parallel_loop3A_185, %parallel_loop3A_191 : vector<16xf32>
      %parallel_loop3A_193 = arith.constant 16 : i32
      %parallel_loop3A_194 = arith.muli %parallel_loop3A_151, %parallel_loop3A_193 : i32
      %parallel_loop3A_195 = arith.constant 512 : i32
      %parallel_loop3A_196 = arith.addi %parallel_loop3A_195, %parallel_loop3A_194 : i32
      %parallel_loop3A_197 = arith.index_cast %parallel_loop3A_196 : i32 to index
      %parallel_loop3A_198 = tpu.vector_load %arg25[%parallel_loop3A_197] {strides = array<i32>} : memref<2048xf32, #tpu.memory_space<vmem>>, vector<16xf32>,
      %parallel_loop3A_199 = arith.addf %parallel_loop3A_192, %parallel_loop3A_198 : vector<16xf32>
      %parallel_loop3A_200 = arith.constant 16 : i32
      %parallel_loop3A_201 = arith.muli %parallel_loop3A_151, %parallel_loop3A_200 : i32
      %parallel_loop3A_202 = arith.constant 640 : i32
      %parallel_loop3A_203 = arith.addi %parallel_loop3A_202, %parallel_loop3A_201 : i32
      %parallel_loop3A_204 = arith.index_cast %parallel_loop3A_203 : i32 to index
      %parallel_loop3A_205 = tpu.vector_load %arg25[%parallel_loop3A_204] {strides = array<i32>} : memref<2048xf32, #tpu.memory_space<vmem>>, vector<16xf32>,
      %parallel_loop3A_206 = arith.addf %parallel_loop3A_199, %parallel_loop3A_205 : vector<16xf32>
      %parallel_loop3A_207 = arith.constant 16 : i32
      %parallel_loop3A_208 = arith.muli %parallel_loop3A_151, %parallel_loop3A_207 : i32
      %parallel_loop3A_209 = arith.constant 768 : i32
      %parallel_loop3A_210 = arith.addi %parallel_loop3A_209, %parallel_loop3A_208 : i32
      %parallel_loop3A_211 = arith.index_cast %parallel_loop3A_210 : i32 to index
      %parallel_loop3A_212 = tpu.vector_load %arg25[%parallel_loop3A_211] {strides = array<i32>} : memref<2048xf32, #tpu.memory_space<vmem>>, vector<16xf32>,
      %parallel_loop3A_213 = arith.addf %parallel_loop3A_206, %parallel_loop3A_212 : vector<16xf32>
      %parallel_loop3A_214 = arith.constant 16 : i32
      %parallel_loop3A_215 = arith.muli %parallel_loop3A_151, %parallel_loop3A_214 : i32
      %parallel_loop3A_216 = arith.constant 896 : i32
      %parallel_loop3A_217 = arith.addi %parallel_loop3A_216, %parallel_loop3A_215 : i32
      %parallel_loop3A_218 = arith.index_cast %parallel_loop3A_217 : i32 to index
      %parallel_loop3A_219 = tpu.vector_load %arg25[%parallel_loop3A_218] {strides = array<i32>} : memref<2048xf32, #tpu.memory_space<vmem>>, vector<16xf32>,
      %parallel_loop3A_220 = arith.addf %parallel_loop3A_213, %parallel_loop3A_219 : vector<16xf32>
      %parallel_loop3A_221 = arith.constant 16 : i32
      %parallel_loop3A_222 = arith.muli %parallel_loop3A_151, %parallel_loop3A_221 : i32
      %parallel_loop3A_223 = arith.constant 1024 : i32
      %parallel_loop3A_224 = arith.addi %parallel_loop3A_223, %parallel_loop3A_222 : i32
      %parallel_loop3A_225 = arith.index_cast %parallel_loop3A_224 : i32 to index
      %parallel_loop3A_226 = tpu.vector_load %arg25[%parallel_loop3A_225] {strides = array<i32>} : memref<2048xf32, #tpu.memory_space<vmem>>, vector<16xf32>,
      %parallel_loop3A_227 = arith.addf %parallel_loop3A_220, %parallel_loop3A_226 : vector<16xf32>
      %parallel_loop3A_228 = arith.constant 16 : i32
      %parallel_loop3A_229 = arith.muli %parallel_loop3A_151, %parallel_loop3A_228 : i32
      %parallel_loop3A_230 = arith.constant 1152 : i32
      %parallel_loop3A_231 = arith.addi %parallel_loop3A_230, %parallel_loop3A_229 : i32
      %parallel_loop3A_232 = arith.index_cast %parallel_loop3A_231 : i32 to index
      %parallel_loop3A_233 = tpu.vector_load %arg25[%parallel_loop3A_232] {strides = array<i32>} : memref<2048xf32, #tpu.memory_space<vmem>>, vector<16xf32>,
      %parallel_loop3A_234 = arith.addf %parallel_loop3A_227, %parallel_loop3A_233 : vector<16xf32>
      %parallel_loop3A_235 = arith.constant 16 : i32
      %parallel_loop3A_236 = arith.muli %parallel_loop3A_151, %parallel_loop3A_235 : i32
      %parallel_loop3A_237 = arith.constant 1280 : i32
      %parallel_loop3A_238 = arith.addi %parallel_loop3A_237, %parallel_loop3A_236 : i32
      %parallel_loop3A_239 = arith.index_cast %parallel_loop3A_238 : i32 to index
      %parallel_loop3A_240 = tpu.vector_load %arg25[%parallel_loop3A_239] {strides = array<i32>} : memref<2048xf32, #tpu.memory_space<vmem>>, vector<16xf32>,
      %parallel_loop3A_241 = arith.addf %parallel_loop3A_234, %parallel_loop3A_240 : vector<16xf32>
      %parallel_loop3A_242 = arith.constant 16 : i32
      %parallel_loop3A_243 = arith.muli %parallel_loop3A_151, %parallel_loop3A_242 : i32
      %parallel_loop3A_244 = arith.constant 1408 : i32
      %parallel_loop3A_245 = arith.addi %parallel_loop3A_244, %parallel_loop3A_243 : i32
      %parallel_loop3A_246 = arith.index_cast %parallel_loop3A_245 : i32 to index
      %parallel_loop3A_247 = tpu.vector_load %arg25[%parallel_loop3A_246] {strides = array<i32>} : memref<2048xf32, #tpu.memory_space<vmem>>, vector<16xf32>,
      %parallel_loop3A_248 = arith.addf %parallel_loop3A_241, %parallel_loop3A_247 : vector<16xf32>
      %parallel_loop3A_249 = arith.constant 16 : i32
      %parallel_loop3A_250 = arith.muli %parallel_loop3A_151, %parallel_loop3A_249 : i32
      %parallel_loop3A_251 = arith.constant 1536 : i32
      %parallel_loop3A_252 = arith.addi %parallel_loop3A_251, %parallel_loop3A_250 : i32
      %parallel_loop3A_253 = arith.index_cast %parallel_loop3A_252 : i32 to index
      %parallel_loop3A_254 = tpu.vector_load %arg25[%parallel_loop3A_253] {strides = array<i32>} : memref<2048xf32, #tpu.memory_space<vmem>>, vector<16xf32>,
      %parallel_loop3A_255 = arith.addf %parallel_loop3A_248, %parallel_loop3A_254 : vector<16xf32>
      %parallel_loop3A_256 = arith.constant 16 : i32
      %parallel_loop3A_257 = arith.muli %parallel_loop3A_151, %parallel_loop3A_256 : i32
      %parallel_loop3A_258 = arith.constant 1664 : i32
      %parallel_loop3A_259 = arith.addi %parallel_loop3A_258, %parallel_loop3A_257 : i32
      %parallel_loop3A_260 = arith.index_cast %parallel_loop3A_259 : i32 to index
      %parallel_loop3A_261 = tpu.vector_load %arg25[%parallel_loop3A_260] {strides = array<i32>} : memref<2048xf32, #tpu.memory_space<vmem>>, vector<16xf32>,
      %parallel_loop3A_262 = arith.addf %parallel_loop3A_255, %parallel_loop3A_261 : vector<16xf32>
      %parallel_loop3A_263 = arith.constant 16 : i32
      %parallel_loop3A_264 = arith.muli %parallel_loop3A_151, %parallel_loop3A_263 : i32
      %parallel_loop3A_265 = arith.constant 1792 : i32
      %parallel_loop3A_266 = arith.addi %parallel_loop3A_265, %parallel_loop3A_264 : i32
      %parallel_loop3A_267 = arith.index_cast %parallel_loop3A_266 : i32 to index
      %parallel_loop3A_268 = tpu.vector_load %arg25[%parallel_loop3A_267] {strides = array<i32>} : memref<2048xf32, #tpu.memory_space<vmem>>, vector<16xf32>,
      %parallel_loop3A_269 = arith.addf %parallel_loop3A_262, %parallel_loop3A_268 : vector<16xf32>
      %parallel_loop3A_270 = arith.constant 16 : i32
      %parallel_loop3A_271 = arith.muli %parallel_loop3A_151, %parallel_loop3A_270 : i32
      %parallel_loop3A_272 = arith.constant 1920 : i32
      %parallel_loop3A_273 = arith.addi %parallel_loop3A_272, %parallel_loop3A_271 : i32
      %parallel_loop3A_274 = arith.index_cast %parallel_loop3A_273 : i32 to index
      %parallel_loop3A_275 = tpu.vector_load %arg25[%parallel_loop3A_274] {strides = array<i32>} : memref<2048xf32, #tpu.memory_space<vmem>>, vector<16xf32>,
      %parallel_loop3A_276 = arith.addf %parallel_loop3A_269, %parallel_loop3A_275 : vector<16xf32>
      %parallel_loop3A_277 = arith.constant 16 : i32
      %parallel_loop3A_278 = arith.muli %parallel_loop3A_151, %parallel_loop3A_277 : i32
      %parallel_loop3A_279 = arith.constant 384 : i32
      %parallel_loop3A_280 = arith.addi %parallel_loop3A_279, %parallel_loop3A_278 : i32
      %parallel_loop3A_281 = arith.index_cast %parallel_loop3A_280 : i32 to index
      %parallel_loop3A_282 = tpu.vector_load %arg26[%parallel_loop3A_281] {strides = array<i32>} : memref<512xf32, #tpu.memory_space<vmem>>, vector<16xf32>,
      tpu.vector_store %arg26[%parallel_loop3A_281], %parallel_loop3A_276 {strides = array<i32>} : memref<512xf32, #tpu.memory_space<vmem>>, vector<16xf32>,
    } {sc.loop_unroll_factor = 2 : i64, sc.parallel_access}
    "tpu.region"() ({
      %run_scoped3A = tpu.sem_alloc : memref<!tpu.dma_semaphore, #tpu.memory_space<semaphore_mem>>
      %dma_start3A_151 = tpu.memref_slice %arg8[%mul3A_2] : memref<16384xf32, #tpu.memory_space<hbm>> -> memref<512xf32, #tpu.memory_space<hbm>>
      %dma_start3A_152 = tpu.memref_slice %arg8[%mul3A_2] : memref<16384xf32, #tpu.memory_space<hbm>> -> memref<512xf32, #tpu.memory_space<hbm>>
      tpu.enqueue_dma source(%arg26 : memref<512xf32, #tpu.memory_space<vmem>>) target(%dma_start3A_152 : memref<512xf32, #tpu.memory_space<hbm>>) target_semaphore(%run_scoped3A : memref<!tpu.dma_semaphore, #tpu.memory_space<semaphore_mem>>)
      %dma_wait3A_153 = tpu.memref_slice %arg8[%mul3A_2] : memref<16384xf32, #tpu.memory_space<hbm>> -> memref<512xf32, #tpu.memory_space<hbm>>
      %dma_wait3A_154 = tpu.memref_slice %arg8[%mul3A_2] : memref<16384xf32, #tpu.memory_space<hbm>> -> memref<512xf32, #tpu.memory_space<hbm>>
      tpu.wait_dma2 semaphore(%run_scoped3A : memref<!tpu.dma_semaphore, #tpu.memory_space<semaphore_mem>>) src(%arg26 : memref<512xf32, #tpu.memory_space<vmem>>) dst(%dma_wait3A_154 : memref<512xf32, #tpu.memory_space<hbm>>)
      tpu.yield
    }) : () -> ()
    return
  }
}

module attributes {stable_mosaic.version = 14 : i64} {
  func.func @_tc_weighted_loss(%arg0: memref<128x128xf32, #tpu.memory_space<vmem>>, %arg1: memref<128x128xf32, #tpu.memory_space<vmem>>, %arg2: memref<1x1xf32, #tpu.memory_space<vmem>>) attributes {dimension_semantics = [], scalar_prefetch = 0 : i64, scratch_operands = 0 : i64, tpu.core_type = #tpu.core_type<tc>} {
    %get3A = arith.constant 0 : index
    %get3A_0 = arith.constant 0 : index
    %get3A_1 = vector.load %arg0[%get3A, %get3A_0] : memref<128x128xf32, #tpu.memory_space<vmem>>, vector<128x128xf32>
    %get3A_2 = arith.constant 0 : index
    %get3A_3 = arith.constant 0 : index
    %get3A_4 = vector.load %arg1[%get3A_2, %get3A_3] : memref<128x128xf32, #tpu.memory_space<vmem>>, vector<128x128xf32>
    %mul3A = arith.constant 0.00999999977 : f32
    %mul3A_5 = vector.broadcast %mul3A : f32 to vector<128x128xf32>
    %mul3A_6 = arith.mulf %get3A_4, %mul3A_5 : vector<128x128xf32>
    %pow3A = arith.constant 7.500000e-01 : f32
    %pow3A_7 = vector.broadcast %pow3A : f32 to vector<128x128xf32>
    %pow3A_8 = math.powf %mul3A_6, %pow3A_7 : vector<128x128xf32>
    %min3A = arith.constant 1.000000e+00 : f32
    %min3A_9 = vector.broadcast %min3A : f32 to vector<128x128xf32>
    %min3A_10 = arith.minimumf %min3A_9, %pow3A_8 : vector<128x128xf32>
    %add3A = arith.constant 1.000000e+00 : f32
    %add3A_11 = vector.broadcast %add3A : f32 to vector<128x128xf32>
    %add3A_12 = arith.addf %get3A_4, %add3A_11 : vector<128x128xf32>
    %log3A = math.log %add3A_12 : vector<128x128xf32>
    %sub3A = arith.subf %get3A_1, %log3A : vector<128x128xf32>
    %mul3A_13 = arith.mulf %min3A_10, %sub3A : vector<128x128xf32>
    %mul3A_14 = arith.mulf %mul3A_13, %sub3A : vector<128x128xf32>
    %reduce_sum3A = vector.shape_cast %mul3A_14 : vector<128x128xf32> to vector<1x128x128xf32>
    %reduce_sum3A_15 = arith.constant dense<0.000000e+00> : vector<1xf32>
    %reduce_sum3A_16 = vector.multi_reduction <add>, %reduce_sum3A, %reduce_sum3A_15 [1, 2] : vector<1x128x128xf32> to vector<1xf32>
    %reduce_sum3A_17 = vector.shape_cast %reduce_sum3A_16 : vector<1xf32> to vector<1x1x1xf32>
    %reduce_sum3A_18 = vector.extract %reduce_sum3A_17[0, 0, 0] : f32 from vector<1x1x1xf32>
    %reshape3A = vector.broadcast %reduce_sum3A_18 : f32 to vector<1x1xf32>
    %swap3A = arith.constant 0 : index
    %swap3A_19 = arith.constant 0 : index
    %swap3A_20 = vector.load %arg2[%swap3A, %swap3A_19] : memref<1x1xf32, #tpu.memory_space<vmem>>, vector<1x1xf32>
    tpu.vector_store %arg2[%swap3A, %swap3A_19], %reshape3A {strides = array<i32>} : memref<1x1xf32, #tpu.memory_space<vmem>>, vector<1x1xf32>,
    return
  }
}

</mosaic_0001>

<sc_bundles>
// kernel: kernel.4.cloned.1.call-start
scs
__scs_entry_jumppad:
0x0: {  	(pc) =	sbr.rel $0x88, $3  }
0x1: {  	(tag) =	ssettag $0x0;
	lr =	simm.s32 $0x1  }
0x2: {  	[smem:$0x3F9A] =	sst lr;
	_ =	strace $0xD0000000  }
0x3: {  	_ = 	snop  }
0x4: {  	_ = 	snop  }
0x5: {  	_ = 	snop  }
0x6: {  	_ = 	snop  }
0x7: {  	_ = 	snop  }
__scs_overlays_trampoline_lowered:
0x8: {  	[smem:$0x3FA9] =	sst s0  }
0x9: {  	[smem:$0x3FAA] =	sst s1  }
0xa: {  	[smem:$0x3FAB] =	sst s2  }
0xb: {  	[smem:$0x3FAC] =	sst s3  }
0xc: {  	[smem:$0x3FAD] =	sst s4  }
0xd: {  	[smem:$0x3FAE] =	sst s5  }
0xe: {  	[smem:$0x3FAF] =	sst s6  }
0xf: {  	[smem:$0x3FB0] =	sst s7  }
0x10: {  	[smem:$0x3FB1] =	sst s8  }
0x11: {  	[smem:$0x3FB2] =	sst s9;
	s0 =	simm.s32 @!p0 $0x0  }
0x12: {  	s1 =	sld [smem:$0x3F98];
	s0 =	simm.s32 @p0 $0x1  }
0x13: {  	[smem:$0x3FB3] =	sst s0;
	s0 =	simm.s32 @!p1 $0x0  }
0x14: {  	s2 =	sld [smem:$0x3F97];
	s0 =	simm.s32 @p1 $0x1  }
0x15: {  	[smem:$0x3FB4] =	sst s0;
	s0 =	simm.s32 @!p2 $0x0  }
0x16: {  	s3 =	sld [smem:$0x3FDB];
	s0 =	simm.s32 @p2 $0x1  }
0x17: {  	s4 =	simm.s32 $0x1BF5;
	[smem:$0x3FB6] =	sst s0  }
0x18: {  	s0 =	sld [smem:$0x3F99];
	_ =	swait.ge [sflag:s4], $0x0  }
0x19: {  	s7 =	sld [smem:$0x3F9A]  }
0x1a: {  	s8 =	sadd.s32 $0xFFFFE003, lr  }
0x1b: {  	s9 =	sadd.s32 $0xFFFFFEF7, lr;
	s5 =	simm.s32 $0xFFFFFFFF;
	p2 =	slt.u32 s8, $0xFFFFF086  }
0x1c: {  	p1 =	slt.u32 s9, $0xF7A;
	s5 =	simm.s32 @!p2 $0x0  }
0x1d: {  	s5 =	simm.s32 @p1 $0x1;
	p0 =	seq.s32 s7, s2  }
0x1e: {  	s7 =	smul.u32 @!p0 $0xF7A, s2;
	p2 =	seq.s32 @!p0 s5, $0x0  }
0x1f: {  	s9 =	smul.u32 $0xF7A, s1;
	s8 =	simm.s32 @!p0 $0x1BF5;
	p2 =	por !p2, p0  }
0x20: {  	[sflag:s8] =	ssyncset.s32 @!p0 $0xFFFFF086;
	s6 =	sadd.s32 @!p0 s3, s7;
	s7 =	simm.s32 @!p0 $0x108  }
0x21: {  	s3 =	sadd.s32 s3, s9;
	s6 =	sadd.s32 @!p0 $0x88, s6;
	s7 =	simm.s32 @p2 $0x1082  }
0x22: {  	[simem:s7], [sflag:s8] =	dma.local @!p0 [hbm:s6], $0xF7A  }
0x23: {  	s9 =	sor.u32 $0xD0000000, s2;
	s6 =	simm.s32 $0x108;
	_ =	swait.ge @!p0 [sflag:s8], $0x0  }
0x24: {  	s3 =	sadd.s32 $0x88, s3;
	s6 =	simm.s32 @!p1 $0x1082;
	[sflag:s4] =	ssyncset.s32 $0xFFFFF086  }
0x25: {  	[simem:s6], [sflag:s4] =	dma.local [hbm:s3], $0xF7A  }
0x26: {  	[smem:$0x3F9A] =	sst s1;
	(tag) =	ssettag s2;
	_ =	strace s9  }
0x27: {  	s1 =	sld [smem:$0x3FAA]  }
0x28: {  	s2 =	sld [smem:$0x3FAB]  }
0x29: {  	s4 =	sld [smem:$0x3FAD]  }
0x2a: {  	p0 =	seq.s32 s5, $0x0;
	s5 =	sld [smem:$0x3FAE]  }
0x2b: {  	s6 =	sld [smem:$0x3FAF]  }
0x2c: {  	s7 =	sld [smem:$0x3FB0]  }
0x2d: {  	s3 =	simm.s32 $0x108;
	s8 =	sld [smem:$0x3FB1]  }
0x2e: {  	s3 =	simm.s32 @!p0 $0x1082;
	s9 =	sld [smem:$0x3FB2]  }
0x2f: {  	lr =	sadd.s32 s0, s3;
	s0 =	sld [smem:$0x3FA9]  }
0x30: {  	s3 =	sld [smem:$0x3FAC]  }
0x31: {  	[smem:$0x3FB5] =	sst s10  }
0x32: {  	s10 =	sld [smem:$0x3FB3];
	_ =	sdelay $0x3  }
0x33: {  	p0 =	seq.s32 s10, $0x1;
	s10 =	sld [smem:$0x3FB5];
	_ =	sdelay $0x3  }
0x34: {  	[smem:$0x3FB5] =	sst s10  }
0x35: {  	s10 =	sld [smem:$0x3FB4];
	_ =	sdelay $0x3  }
0x36: {  	p1 =	seq.s32 s10, $0x1;
	s10 =	sld [smem:$0x3FB5];
	_ =	sdelay $0x3  }
0x37: {  	[smem:$0x3FB5] =	sst s10  }
0x38: {  	s10 =	sld [smem:$0x3FB6]  }
0x39: {  	_ = 	snop;
	(pc) =	sbr.ind lr, $3  }
0x3a: {  	_ = 	snop  }
0x3b: {  	_ = 	snop  }
0x3c: {  	p2 =	seq.s32 s10, $0x1;
	s10 =	sld [smem:$0x3FB5]  }
0x3d: {  	_ =	shalt  }
0x3e: {  	_ =	shalt  }
0x3f: {  	_ =	shalt  }
0x40: {  	_ =	shalt  }
0x41: {  	_ =	shalt  }
0x42: {  	_ =	shalt  }
0x43: {  	_ =	shalt  }
0x44: {  	_ =	shalt  }
0x45: {  	_ =	shalt  }
0x46: {  	_ =	shalt  }
0x47: {  	_ =	shalt  }
0x48: {  	_ =	shalt  }
0x49: {  	_ =	shalt  }
0x4a: {  	_ =	shalt  }
0x4b: {  	_ =	shalt  }
0x4c: {  	_ =	shalt  }
0x4d: {  	_ =	shalt  }
0x4e: {  	_ =	shalt  }
0x4f: {  	_ =	shalt  }
0x50: {  	_ =	shalt  }
0x51: {  	_ =	shalt  }
0x52: {  	_ =	shalt  }
0x53: {  	_ =	shalt  }
0x54: {  	_ =	shalt  }
0x55: {  	_ =	shalt  }
0x56: {  	_ =	shalt  }
0x57: {  	_ =	shalt  }
0x58: {  	_ =	shalt  }
0x59: {  	_ =	shalt  }
0x5a: {  	_ =	shalt  }
0x5b: {  	_ =	shalt  }
0x5c: {  	_ =	shalt  }
0x5d: {  	_ =	shalt  }
0x5e: {  	_ =	shalt  }
0x5f: {  	_ =	shalt  }
0x60: {  	_ =	shalt  }
0x61: {  	_ =	shalt  }
0x62: {  	_ =	shalt  }
0x63: {  	_ =	shalt  }
0x64: {  	_ =	shalt  }
0x65: {  	_ =	shalt  }
0x66: {  	_ =	shalt  }
0x67: {  	_ =	shalt  }
0x68: {  	_ =	shalt  }
0x69: {  	_ =	shalt  }
0x6a: {  	_ =	shalt  }
0x6b: {  	_ =	shalt  }
0x6c: {  	_ =	shalt  }
0x6d: {  	_ =	shalt  }
0x6e: {  	_ =	shalt  }
0x6f: {  	_ =	shalt  }
0x70: {  	_ =	shalt  }
0x71: {  	_ =	shalt  }
0x72: {  	_ =	shalt  }
0x73: {  	_ =	shalt  }
0x74: {  	_ =	shalt  }
0x75: {  	_ =	shalt  }
0x76: {  	_ =	shalt  }
0x77: {  	_ =	shalt  }
0x78: {  	_ =	shalt  }
0x79: {  	_ =	shalt  }
0x7a: {  	_ =	shalt  }
0x7b: {  	_ =	shalt  }
0x7c: {  	_ =	shalt  }
0x7d: {  	_ =	shalt  }
0x7e: {  	_ =	shalt  }
0x7f: {  	_ =	shalt  }
0x80: {  	_ =	shalt  }
0x81: {  	_ =	shalt  }
0x82: {  	_ =	shalt  }
0x83: {  	_ =	shalt  }
0x84: {  	_ =	shalt  }
0x85: {  	_ =	shalt  }
0x86: {  	_ =	shalt  }
0x87: {  	_ =	shalt  }
.Lfunc_end0:
.L_simem_size_0:
called_computation_lowered:
.L_overlay_start_0:
0x88: {  	s2 =	sld [smem:$0x3FD9]  }
0x89: {  	s3 =	sld [smem:$0x3FFE];
	_ =	sdelay $0x1  }
0x8a: {  	s1 =	srdreg.scid  }
0x8b: {  	s0 =	sand.u32 $0x1, s1  }
0x8c: {  	s17 =	sshll.u32 s0, $0xA;
	s2 =	sadd.s32 s3, s2  }
0x8d: {  	s2 =	sadd.s32 s2, s17  }
0x8e: {  	[smem:$0x3FC1] =	sst s2  }
0x8f: {  	_ = 	snop  }
0x90: {  	s2 =	sld [smem:$0x3FC9]  }
0x91: {  	s18 =	sld [smem:$0x3FC8]  }
0x92: {  	s4 =	sld [smem:$0x3FC7]  }
0x93: {  	s5 =	sld [smem:$0x3FC6]  }
0x94: {  	s6 =	sld [smem:$0x3FC4]  }
0x95: {  	s7 =	sld [smem:$0x3FC3];
	(tm) =	ssettm $0x1  }
0x96: {  	s8 =	sld [smem:$0x3FFB];
	_ =	sdelay $0x3  }
0x97: {  	_ =	strace s8  }
0x98: {  	s8 =	sld [smem:$0x3FFC];
	_ =	sdelay $0x3  }
0x99: {  	_ =	strace s8  }
0x9a: {  	s8 =	sld [smem:$0x3FFD];
	_ =	sdelay $0x3  }
0x9b: {  	_ =	strace s8  }
0x9c: {  	_ =	strace $0x8FFFFFFF  }
0x9d: {  	s19 =	sld [smem:$0x3FDB];
	_ =	sdelay $0x1  }
0x9e: {  	s9 =	simm.s32 $_scs_section_size  }
0x9f: {  	s10 =	simm.s32 $_size__tile_overlayer_lowered;
	s11 =	simm.s32 $_tile_overlayer_lowered  }
0xa0: {  	s22 =	simm.s32 $0x1BFF;
	s21 =	sshll.u32 s11, $0x1;
	s8 =	sadd.s32 s9, s19  }
0xa1: {  	s12 =	simm.s32 $0x0;
	s20 =	sshll.u32 s10, $0x1;
	s10 =	sadd.s32 s21, s8  }
0xa2: {  	[timem:s12], [sflag:s22] =	dma.local [hbm:s10], s20  }
0xa3: {  	_ =	swait.ge [sflag:s22], s20  }
0xa4: {  	s9 =	ssub.s32 $0x0, s20;
	[sflag:s22] =	ssyncset.done $0x0  }
0xa5: {  	[sflag:s22] =	ssyncadd.s32 s9;
	_ =	sdelay $0x1  }
0xa6: {  	s23 =	simm.s32 $0x1B8B  }
0xa7: {  	_ =	swait.ge [sflag:s23], $0x1  }
0xa8: {  	[sflag:s23] =	ssyncset.done $0x0  }
0xa9: {  	s25 =	simm.s32 $0x1B8E;
	s24 =	sld [smem:$0x3FFE];
	[sflag:s23] =	ssyncadd.s32 $0xFFFFFFFF  }
0xaa: {  	s26 =	simm.s32 $execute0_lowered;
	[smem:$0x3FD2] =	sst s25  }
0xab: {  	s10 =	sshll.u32 s26, $0x1;
	_ =	strace $0x80000046;
	[dreg:$0x1] =	wrdreg $0xFFFFFFFF  }
0xac: {  	s28 =	simm.s32 $_size_execute0_lowered;
	s8 =	sadd.s32 s8, s10;
	[dreg:$0x0] =	wrdreg $0x0  }
0xad: {  	s10 =	sshll.u32 s28, $0x1;
	[dreg:$0x2] =	wrdreg s8  }
0xae: {  	[dreg:$0x3] =	wrdreg s10  }
0xaf: {  	[dreg:$0x4] =	wrdreg $0xC0  }
0xb0: {  	_ =	task [dreg:s12], $0x5FFFF  }
0xb1: {  	[dreg:$0x1] =	wrdreg $0xFFFFFFFF  }
0xb2: {  	[dreg:$0x0] =	wrdreg $0x60  }
0xb3: {  	[dreg:$0x2] =	wrdreg s2  }
0xb4: {  	[dreg:$0x3] =	wrdreg s18  }
0xb5: {  	[dreg:$0x4] =	wrdreg s4  }
0xb6: {  	[dreg:$0x5] =	wrdreg s5  }
0xb7: {  	[dreg:$0x6] =	wrdreg s6  }
0xb8: {  	[dreg:$0x7] =	wrdreg s7  }
0xb9: {  	[dreg:$0x8] =	wrdreg s24  }
0xba: {  	[dreg:$0x9] =	wrdreg $0x9  }
0xbb: {  	_ =	task.clear_ibuf [dreg:s12], $0xAFFFF;
	_ =	strace $0x90000046  }
0xbc: {  	s29 =	simm.s32 $0x9;
	_ =	strace $0x80000048  }
0xbd: {  	_ =	swait.ge [sflag:s29], $0x1  }
0xbe: {  	[sflag:s29] =	ssyncadd.s32 $0xFFFFFFFF  }
0xbf: {  	_ =	strace $0x90000048  }
0xc0: {  	_ =	sfence  }
0xc1: {  	s30 =	sld [smem:$0x0];
	_ =	sdelay $0x2  }
0xc2: {  	s31 =	sshll.u32 s1, $0xD;
	s1 =	sshrl.u32 s1, $0x2  }
0xc3: {  	s3 =	sand.u32 $0x4000, s31;
	s1 =	sadd.s32 s1, s30  }
0xc4: {  	s0 =	sor.u32 s3, s0;
	s1 =	sshll.u32 s1, $0x11  }
0xc5: {  	s0 =	sor.u32 s1, s0  }
0xc6: {  	s0 =	sadd.s32 $0x8F2B, s0  }
0xc7: {  	[sflag:s0] =	ssyncadd.remote.s32 $0x1  }
0xc8: {  	_ =	sfence.sel $0xFFFF  }
0xc9: {  	[dreg:$0x0] =	wrdreg $0xFFFFFFFF;
	(pc) =	sbr.abs _section_cstart, $3  }
0xca: {  	[dreg:$0x1] =	wrdreg $0xFFFFFFFF  }
0xcb: {  	_ =	task.clear_ibuf [dreg:s12], $0x2FFFF;
	_ =	strace $0x9FFFFFFF  }
0xcc: {  	(tm) =	ssettm $0x7FFFFFFF  }
0xcd: {  	_ =	shalt  }
tec
execute0_lowered:
.L_overlay_start_1:
0x0: {  	(tag) =	ssettag $0x1  }
0x1: {  	s0 =	rddreg [dreg:$0x0]  }
0x2: {  	s1 =	rddreg [dreg:$0x1]  }
0x3: {  	s2 =	rddreg [dreg:$0x4]  }
0x4: {  	s3 =	rddreg [dreg:$0x5]  }
0x5: {  	s4 =	rddreg [dreg:$0x6]  }
0x6: {  	s5 =	srdreg.scid;
	s7 =	stileid.u32;
	s6 =	simm.s32 $0x0  }
0x7: {  	s17 =	simm.s32 $0x200;
	s18 =	simm.s32 $0x80;
	s25 =	simm.s32 $0x100  }
0x8: {  	s28 =	simm.s32 $0x300;
	s29 =	simm.s32 $0xC00;
	s30 =	simm.s32 $0x2  }
0x9: {  	s31 =	simm.s32 $0x4;
	s19 =	simm.s32 $0x0;
	s5 =	sand.u32 $0x1, s5  }
0xa: {  	s7 =	sshll.u32 s7, $0x7;
	s8 =	sshll.u32 s5, $0x6;
	s5 =	ssub.s32 $0x2, s5  }
0xb: {  	[smem:$0x7FF] =	sst s6;
	s12 =	sor.u32 s8, s7;
	s26 =	sshrl.u32 s5, $0x1  }
0xc: {  	_ =	strace $0x80000047;
	s4 =	sadd.s32 s12, s4;
	s5 =	ssub.s32 s5, s26  }
0xd: {  	s7 =	sadd.s32 s2, s12;
	s10 =	sor.u32 $0x10, s12;
	s8 =	sadd.s32 s3, s12  }
0xe: {  	s13 =	sor.u32 $0x20, s12;
	s14 =	sor.u32 $0x30, s12;
	s26 =	simm.s32 $0x3  }
0xf: {  	s9 =	sadd.s32 s2, s10;
	s10 =	sadd.s32 s3, s10;
	s11 =	sadd.s32 s2, s13  }
0x10: {  	s12 =	sadd.s32 s3, s13;
	s13 =	sadd.s32 s2, s14;
	s14 =	sadd.s32 s3, s14  }
0x11: {  	v0 =	vlaneseq.u32;
	s15 =	sadd.s32 $0x800, s4;
	s16 =	smax.u32 s5, $0x1;
	s2 =	simm.s32 $0x4C00  }
0x12: {  	v0 =	vmul.u32 $0x80, v0;
	s5 =	simm.s32 $0xCC00;
	s3 =	simm.s32 $0x1;
	s4 =	simm.s32 $0x10C00  }
.LBB2_1:
0x13: {  	[tilespmem:s6], [sflag:$0x3] =	stream.linear.gather [hbm4b:s7+s6], $0x80, $0x38;
	[tilespmem:$0x11600] =	vst v63  }
0x14: {  	_ = 	snop  }
0x15: {  	[tilespmem:s17], [sflag:$0x3] =	stream.linear.gather [hbm4b:s8+s6], $0x80, $0x38;
	[tilespmem:$0x11600] =	vst v63  }
0x16: {  	_ = 	snop  }
0x17: {  	[tilespmem:s18], [sflag:$0x3] =	stream.linear.gather [hbm4b:s9+s6], $0x80, $0x38;
	[tilespmem:$0x11600] =	vst v63  }
0x18: {  	s21 =	simm.s32 $0x280  }
0x19: {  	[tilespmem:s21], [sflag:$0x3] =	stream.linear.gather [hbm4b:s10+s6], $0x80, $0x38;
	[tilespmem:$0x11600] =	vst v63  }
0x1a: {  	_ = 	snop  }
0x1b: {  	[tilespmem:s25], [sflag:$0x3] =	stream.linear.gather [hbm4b:s11+s6], $0x80, $0x38;
	[tilespmem:$0x11600] =	vst v63  }
0x1c: {  	_ = 	snop  }
0x1d: {  	[tilespmem:s28], [sflag:$0x3] =	stream.linear.gather [hbm4b:s12+s6], $0x80, $0x38;
	[tilespmem:$0x11600] =	vst v63  }
0x1e: {  	s20 =	simm.s32 $0x180  }
0x1f: {  	[tilespmem:s20], [sflag:$0x3] =	stream.linear.gather [hbm4b:s13+s6], $0x80, $0x38;
	[tilespmem:$0x11600] =	vst v63  }
0x20: {  	s23 =	simm.s32 $0x380  }
0x21: {  	[tilespmem:s23], [sflag:$0x3] =	stream.linear.gather [hbm4b:s14+s6], $0x80, $0x38;
	[tilespmem:$0x11600] =	vst v63  }
0x22: {  	s22 =	simm.s32 $0x400  }
0x23: {  	[tilespmem:s22], [sflag:$0x3] =	stream.linear.gather [hbm4b:s7+s6], $0x200, $0x38;
	[tilespmem:$0x11600] =	vst v63  }
0x24: {  	s23 =	simm.s32 $0x600  }
0x25: {  	[tilespmem:s23], [sflag:$0x3] =	stream.linear.gather [hbm4b:s8+s6], $0x200, $0x38;
	[tilespmem:$0x11600] =	vst v63  }
0x26: {  	_ =	swait.ge [sflag:s26], $0x80  }
0x27: {  	[sflag:s26] =	ssyncset.done $0x0  }
0x28: {  	[sflag:s26] =	ssyncadd.s32 $0xFFFFFF80  }
0x29: {  	_ =	swait.ge [sflag:s26], $0x80  }
0x2a: {  	[sflag:s26] =	ssyncset.done $0x0  }
0x2b: {  	[sflag:s26] =	ssyncadd.s32 $0xFFFFFF80  }
0x2c: {  	[tilespmem:s29], [sflag:$0x1] =	stream.indirect.gather [hbm4b:s0+s18], $0x80, s6, s18, $0xb8;
	[tilespmem:$0x11600] =	vst v63  }
0x2d: {  	s24 =	simm.s32 $0x8C00  }
0x2e: {  	[tilespmem:s24], [sflag:$0x1] =	stream.indirect.gather [hbm4b:s1+s18], $0x80, s17, s18, $0xb8;
	[tilespmem:$0x11600] =	vst v63  }
0x2f: {  	_ =	swait.ge [sflag:s26], $0x80  }
0x30: {  	[sflag:s26] =	ssyncset.done $0x0  }
0x31: {  	[sflag:s26] =	ssyncadd.s32 $0xFFFFFF80  }
0x32: {  	_ =	swait.ge [sflag:s26], $0x80  }
0x33: {  	[sflag:s26] =	ssyncset.done $0x0  }
0x34: {  	[sflag:s26] =	ssyncadd.s32 $0xFFFFFF80  }
0x35: {  	_ =	swait.ge [sflag:s26], $0x80  }
0x36: {  	[sflag:s26] =	ssyncset.done $0x0  }
0x37: {  	[sflag:s26] =	ssyncadd.s32 $0xFFFFFF80  }
0x38: {  	_ =	swait.ge [sflag:s26], $0x80  }
0x39: {  	[sflag:s26] =	ssyncset.done $0x0  }
0x3a: {  	[sflag:s26] =	ssyncadd.s32 $0xFFFFFF80  }
0x3b: {  	_ =	swait.ge [sflag:s26], $0x80  }
0x3c: {  	[sflag:s26] =	ssyncset.done $0x0  }
0x3d: {  	[sflag:s26] =	ssyncadd.s32 $0xFFFFFF80  }
0x3e: {  	_ =	swait.ge [sflag:s26], $0x80  }
0x3f: {  	[sflag:s26] =	ssyncset.done $0x0  }
0x40: {  	[sflag:s26] =	ssyncadd.s32 $0xFFFFFF80  }
0x41: {  	_ =	swait.ge [sflag:s26], $0x200  }
0x42: {  	[sflag:s26] =	ssyncset.done $0x0  }
0x43: {  	[sflag:s26] =	ssyncadd.s32 $0xFFFFFE00  }
0x44: {  	_ =	swait.ge [sflag:s26], $0x200  }
0x45: {  	[sflag:s26] =	ssyncset.done $0x0  }
0x46: {  	[sflag:s26] =	ssyncadd.s32 $0xFFFFFE00  }
0x47: {  	s24 =	simm.s32 $0x800;
	s20 =	rddreg [dreg:$0x2]  }
0x48: {  	[tilespmem:s24], [sflag:$0x3] =	stream.indirect.gather [hbm4b:s20+s17], $0x1, s22, s17, $0xb8;
	[tilespmem:$0x11600] =	vst v63  }
0x49: {  	s22 =	rddreg [dreg:$0x3];
	s24 =	simm.s32 $0xA00  }
0x4a: {  	[tilespmem:s24], [sflag:$0x3] =	stream.indirect.gather [hbm4b:s22+s17], $0x1, s23, s17, $0xb8;
	[tilespmem:$0x11600] =	vst v63  }
0x4b: {  	_ = 	snop  }
0x4c: {  	[tilespmem:s2], [sflag:$0x2] =	stream.indirect.gather [hbm4b:s0+s18], $0x80, s18, s18, $0xb8;
	[tilespmem:$0x11600] =	vst v63  }
0x4d: {  	_ = 	snop  }
0x4e: {  	[tilespmem:s5], [sflag:$0x2] =	stream.indirect.gather [hbm4b:s1+s18], $0x80, s21, s18, $0xb8;
	[tilespmem:$0x11600] =	vst v63  }
0x4f: {  	_ =	swait.ge [sflag:s3], $0x4000  }
0x50: {  	[sflag:s3] =	ssyncset.done $0x0  }
0x51: {  	[sflag:s3] =	ssyncadd.s32 $0xFFFFC000  }
0x52: {  	_ =	swait.ge [sflag:s3], $0x4000  }
0x53: {  	[sflag:s3] =	ssyncset.done $0x0  }
0x54: {  	s20 =	simm.s32 $0xD00;
	[sflag:s3] =	ssyncadd.s32 $0xFFFFC000  }
0x55: {  	s21 =	simm.s32 $0x8D00;
	v4 =	vld [tilespmem:s20+$0x80]  }
0x56: {  	v5 =	vld [tilespmem:s21+$0x80]  }
0x57: {  	v6 =	vld [tilespmem:s20+$0x90]  }
0x58: {  	v7 =	vld [tilespmem:s21+$0x90]  }
0x59: {  	v8 =	vld [tilespmem:s20+$0xA0]  }
0x5a: {  	v9 =	vld [tilespmem:s21+$0xA0]  }
0x5b: {  	v10 =	vld [tilespmem:s20+$0xB0]  }
0x5c: {  	v2 =	vld [tilespmem:s21+$0xB0]  }
0x5d: {  	v11 =	vld [tilespmem:s20+$0xC0]  }
0x5e: {  	v3 =	vld [tilespmem:s21+$0xC0]  }
0x5f: {  	v12 =	vld [tilespmem:s20+$0xD0]  }
0x60: {  	v14 =	vld [tilespmem:s21+$0xD0]  }
0x61: {  	v13 =	vld [tilespmem:s20+$0xE0]  }
0x62: {  	v15 =	vld [tilespmem:s21+$0xE0]  }
0x63: {  	v16 =	vld [tilespmem:s20+$0xF0]  }
0x64: {  	s23 =	simm.s32 $0x4;
	s22 =	simm.s32 $0x0;
	v17 =	vld [tilespmem:s21+$0xF0]  }
.LBB2_2:
0x65: {  	p0 =	slt.u32 s23, $0x7C;
	v1 =	vld [tilespmem:s21+$0xFFFFFF00]  }
0x66: {  	v4 =	vmul.f32 v5, v4;
	v5 =	vmul.f32 v7, v6;
	v18 =	vld [tilespmem:s20+$0xFFFFFF10]  }
0x67: {  	v7 =	vmul.f32 v9, v8;
	v2 =	vmul.f32 v2, v10;
	v6 =	vld [tilespmem:s21+$0xFFFFFF10]  }
0x68: {  	v3 =	vmul.f32 v3, v11;
	v9 =	vmul.f32 v14, v12;
	v8 =	vld [tilespmem:s20+$0xFFFFFF20]  }
0x69: {  	v11 =	vmul.f32 v15, v13;
	v10 =	vld [tilespmem:s21+$0xFFFFFF20];
	v12 =	vmul.f32 v17, v16  }
0x6a: {  	v4 =	vadd.f32 v5, v4;
	v5 =	vadd.f32 v2, v7;
	v13 =	vld [tilespmem:s20+$0xFFFFFF30]  }
0x6b: {  	s24 =	sadd.s32 $0x3, s22;
	v3 =	vadd.f32 v9, v3;
	v7 =	vld [tilespmem:s21+$0xFFFFFF30];
	v9 =	vadd.f32 v12, v11  }
0x6c: {  	v11 =	vor.u32 s24, v0;
	v2 =	vmul.f32 v6, v18;
	v6 =	vld [tilespmem:s20+$0xFFFFFF40]  }
0x6d: {  	v4 =	vadd.f32 v5, v4;
	v12 =	vld [tilespmem:s21+$0xFFFFFF40];
	v3 =	vadd.f32 v9, v3  }
0x6e: {  	v5 =	vmul.f32 v10, v8;
	v8 =	vld [tilespmem:s20+$0xFFFFFF50]  }
0x6f: {  	v9 =	vld [tilespmem:s21+$0xFFFFFF50];
	v3 =	vadd.f32 v3, v4  }
0x70: {  	v4 =	vmul.f32 v7, v13;
	v7 =	vld [tilespmem:s20+$0xFFFFFF60]  }
0x71: {  	v10 =	vld [tilespmem:s21+$0xFFFFFF60];
	[tilespmem:v11+s4+$0x0] =	vst.idx.msk $0xffff, v3  }
0x72: {  	v6 =	vmul.f32 v12, v6;
	v11 =	vld [tilespmem:s20+$0xFFFFFF70];
	v3 =	vadd.f32 v4, v5  }
0x73: {  	v4 =	vld [tilespmem:s21+$0xFFFFFF70]  }
0x74: {  	v5 =	vmul.f32 v9, v8;
	v8 =	vld [tilespmem:s20+$0xFFFFFF80]  }
0x75: {  	v9 =	vld [tilespmem:s21+$0xFFFFFF80]  }
0x76: {  	v7 =	vmul.f32 v10, v7;
	v5 =	vadd.f32 v5, v6;
	v6 =	vld [tilespmem:s20+$0xFFFFFF90]  }
0x77: {  	v10 =	vld [tilespmem:s21+$0xFFFFFF90]  }
0x78: {  	v4 =	vmul.f32 v4, v11;
	v11 =	vld [tilespmem:s20+$0xFFFFFFA0]  }
0x79: {  	v12 =	vld [tilespmem:s21+$0xFFFFFFA0]  }
0x7a: {  	v4 =	vadd.f32 v4, v7;
	v7 =	vmul.f32 v9, v8;
	v8 =	vld [tilespmem:s20+$0xFFFFFFB0]  }
0x7b: {  	v9 =	vld [tilespmem:s21+$0xFFFFFFB0]  }
0x7c: {  	v13 =	vadd.f32 v4, v5;
	v4 =	vmul.f32 v10, v6;
	v5 =	vld [tilespmem:s20+$0xFFFFFFC0]  }
0x7d: {  	v6 =	vld [tilespmem:s21+$0xFFFFFFC0]  }
0x7e: {  	v10 =	vmul.f32 v12, v11;
	v11 =	vld [tilespmem:s20+$0xFFFFFFD0];
	v4 =	vadd.f32 v4, v7  }
0x7f: {  	v7 =	vld [tilespmem:s21+$0xFFFFFFD0]  }
0x80: {  	v8 =	vmul.f32 v9, v8;
	v9 =	vld [tilespmem:s20+$0xFFFFFFE0]  }
0x81: {  	v12 =	vld [tilespmem:s21+$0xFFFFFFE0]  }
0x82: {  	v5 =	vmul.f32 v6, v5;
	v6 =	vld [tilespmem:s20+$0xFFFFFFF0];
	v8 =	vadd.f32 v8, v10  }
0x83: {  	v10 =	vld [tilespmem:s21+$0xFFFFFFF0]  }
0x84: {  	v7 =	vmul.f32 v7, v11;
	v4 =	vadd.f32 v8, v4;
	v8 =	vld [tilespmem:s20+$0x0]  }
0x85: {  	v11 =	vld [tilespmem:s21+$0x0]  }
0x86: {  	s24 =	sadd.s32 $0x1, s22;
	v9 =	vmul.f32 v12, v9;
	v5 =	vadd.f32 v7, v5;
	v7 =	vld [tilespmem:s20+$0x10]  }
0x87: {  	v12 =	vmov s24;
	v14 =	vld [tilespmem:s21+$0x10]  }
0x88: {  	v6 =	vmul.f32 v10, v6;
	v10 =	vand.u32 $0x7D, v12;
	v12 =	vld [tilespmem:s20+$0x20]  }
0x89: {  	v10 =	vbroadcast v10, $0x0;
	v15 =	vld [tilespmem:s21+$0x20]  }
0x8a: {  	v6 =	vadd.f32 v6, v9;
	v8 =	vmul.f32 v11, v8;
	v9 =	vld [tilespmem:s20+$0x30]  }
0x8b: {  	v10 =	vor.u32 v0, v10;
	v11 =	vld [tilespmem:s21+$0x30]  }
0x8c: {  	v5 =	vadd.f32 v6, v5;
	v6 =	vmul.f32 v14, v7;
	v7 =	vld [tilespmem:s20+$0x40]  }
0x8d: {  	v14 =	vld [tilespmem:s21+$0x40]  }
0x8e: {  	v4 =	vadd.f32 v5, v4;
	v5 =	vmul.f32 v15, v12;
	v12 =	vld [tilespmem:s20+$0x50];
	v6 =	vadd.f32 v6, v8  }
0x8f: {  	v8 =	vld [tilespmem:s21+$0x50]  }
0x90: {  	[tilespmem:v10+s4+$0x0] =	vst.idx.msk $0xffff, v4;
	v4 =	vmul.f32 v11, v9;
	v9 =	vld [tilespmem:s20+$0x60]  }
0x91: {  	v10 =	vld [tilespmem:s21+$0x60]  }
0x92: {  	v7 =	vmul.f32 v14, v7;
	v11 =	vld [tilespmem:s20+$0x70];
	v4 =	vadd.f32 v4, v5  }
0x93: {  	v14 =	vld [tilespmem:s21+$0x70]  }
0x94: {  	v15 =	vld [tilespmem:s20+$0xFFFFFF00];
	v8 =	vmul.f32 v8, v12;
	v12 =	vadd.f32 v4, v6;
	s20 =	sadd.s32 $0x200, s20  }
0x95: {  	s21 =	sadd.s32 $0x200, s21;
	v4 =	vld [tilespmem:s20+$0x80]  }
0x96: {  	s24 =	sadd.s32 $0x2, s22;
	v5 =	vld [tilespmem:s21+$0x80];
	v10 =	vmul.f32 v10, v9;
	v16 =	vadd.f32 v8, v7  }
0x97: {  	v8 =	vmov s24;
	v6 =	vld [tilespmem:s20+$0x90]  }
0x98: {  	v9 =	vmov s22;
	s22 =	smov.u32 s23;
	v7 =	vld [tilespmem:s21+$0x90];
	v11 =	vmul.f32 v14, v11;
	v14 =	vand.u32 $0x7E, v8  }
0x99: {  	v8 =	vld [tilespmem:s20+$0xA0];
	v1 =	vmul.f32 v1, v15;
	v15 =	vand.u32 $0x7C, v9;
	v14 =	vbroadcast v14, $0x0  }
0x9a: {  	v9 =	vld [tilespmem:s21+$0xA0];
	v15 =	vbroadcast v15, $0x0;
	v11 =	vadd.f32 v11, v10  }
0x9b: {  	v10 =	vld [tilespmem:s20+$0xB0];
	v1 =	vadd.f32 v2, v1;
	v17 =	vor.u32 v0, v14  }
0x9c: {  	v2 =	vld [tilespmem:s21+$0xB0];
	v15 =	vor.u32 v0, v15;
	v14 =	vadd.f32 v11, v16  }
0x9d: {  	v11 =	vld [tilespmem:s20+$0xC0];
	v1 =	vadd.f32 v3, v1  }
0x9e: {  	v3 =	vld [tilespmem:s21+$0xC0];
	v16 =	vadd.f32 v14, v12  }
0x9f: {  	v12 =	vld [tilespmem:s20+$0xD0];
	v1 =	vadd.f32 v13, v1  }
.Ltmp0:
0xa0: {  	v14 =	vld [tilespmem:s21+$0xD0];
	[tilespmem:v17+s4+$0x0] =	vst.idx.msk $0xffff, v16;
	(pc) =	sbr.rel @p0 .LBB2_2-.Ltmp0, $4  }
0xa1: {  	v13 =	vld [tilespmem:s20+$0xE0];
	[tilespmem:v15+s4+$0x0] =	vst.idx.msk $0xffff, v1  }
0xa2: {  	v15 =	vld [tilespmem:s21+$0xE0]  }
0xa3: {  	v16 =	vld [tilespmem:s20+$0xF0]  }
0xa4: {  	s23 =	sadd.s32 $0x4, s23;
	v17 =	vld [tilespmem:s21+$0xF0]  }
0xa5: {  	v1 =	vld [tilespmem:s21+$0xFFFFFF00]  }
0xa6: {  	v18 =	vld [tilespmem:s20+$0xFFFFFF10]  }
0xa7: {  	v19 =	vld [tilespmem:s21+$0xFFFFFF10]  }
0xa8: {  	v20 =	vld [tilespmem:s20+$0xFFFFFF20]  }
0xa9: {  	v21 =	vld [tilespmem:s21+$0xFFFFFF20]  }
0xaa: {  	v22 =	vld [tilespmem:s20+$0xFFFFFF30]  }
0xab: {  	v23 =	vld [tilespmem:s21+$0xFFFFFF30]  }
0xac: {  	v24 =	vld [tilespmem:s20+$0xFFFFFF40]  }
0xad: {  	v25 =	vld [tilespmem:s21+$0xFFFFFF40]  }
0xae: {  	v26 =	vld [tilespmem:s20+$0xFFFFFF50]  }
0xaf: {  	v27 =	vld [tilespmem:s21+$0xFFFFFF50]  }
0xb0: {  	v28 =	vld [tilespmem:s20+$0xFFFFFF60]  }
0xb1: {  	v29 =	vld [tilespmem:s21+$0xFFFFFF60]  }
0xb2: {  	v30 =	vld [tilespmem:s20+$0xFFFFFF70]  }
0xb3: {  	v31 =	vld [tilespmem:s21+$0xFFFFFF70]  }
0xb4: {  	v32 =	vld [tilespmem:s20+$0xFFFFFF80]  }
0xb5: {  	v34 =	vld [tilespmem:s20+$0xFFFFFF90]  }
0xb6: {  	v35 =	vld [tilespmem:s21+$0xFFFFFF90]  }
0xb7: {  	v36 =	vld [tilespmem:s20+$0xFFFFFFA0]  }
0xb8: {  	v37 =	vld [tilespmem:s21+$0xFFFFFFA0]  }
0xb9: {  	v38 =	vld [tilespmem:s20+$0xFFFFFFB0]  }
0xba: {  	v39 =	vld [tilespmem:s21+$0xFFFFFFB0]  }
0xbb: {  	v40 =	vld [tilespmem:s20+$0xFFFFFFC0]  }
0xbc: {  	v41 =	vld [tilespmem:s21+$0xFFFFFFC0]  }
0xbd: {  	v42 =	vld [tilespmem:s20+$0xFFFFFFD0]  }
0xbe: {  	v43 =	vld [tilespmem:s21+$0xFFFFFFD0]  }
0xbf: {  	v44 =	vld [tilespmem:s20+$0xFFFFFFE0]  }
0xc0: {  	v45 =	vld [tilespmem:s21+$0xFFFFFFE0]  }
0xc1: {  	v46 =	vld [tilespmem:s20+$0xFFFFFFF0]  }
0xc2: {  	v47 =	vld [tilespmem:s21+$0xFFFFFFF0]  }
0xc3: {  	v4 =	vmul.f32 v5, v4;
	v5 =	vmul.f32 v7, v6;
	v6 =	vld [tilespmem:s20+$0x0]  }
0xc4: {  	v7 =	vmul.f32 v9, v8;
	v2 =	vmul.f32 v2, v10;
	v8 =	vld [tilespmem:s21+$0x0]  }
0xc5: {  	v3 =	vmul.f32 v3, v11;
	v10 =	vld [tilespmem:s20+$0x10]  }
0xc6: {  	v62 =	vmul.f32 v14, v12;
	v11 =	vld [tilespmem:s21+$0x20];
	v4 =	vadd.f32 v5, v4;
	v2 =	vadd.f32 v2, v7  }
0xc7: {  	v49 =	vld [tilespmem:s20+$0x30];
	v63 =	vmul.f32 v15, v13;
	v17 =	vmul.f32 v17, v16  }
0xc8: {  	v58 =	vld [tilespmem:s20+$0x50];
	v2 =	vadd.f32 v2, v4;
	v9 =	vmul.f32 v19, v18;
	v4 =	vmul.f32 v21, v20  }
0xc9: {  	v61 =	vld [tilespmem:s21+$0x50];
	v48 =	vmul.f32 v23, v22;
	v50 =	vmul.f32 v27, v26  }
0xca: {  	v51 =	vld [tilespmem:s21+$0x30];
	v52 =	vmul.f32 v29, v28;
	v53 =	vmul.f32 v31, v30  }
0xcb: {  	v13 =	vld [tilespmem:s21+$0x10];
	v55 =	vmul.f32 v35, v34;
	v60 =	vmul.f32 v37, v36  }
0xcc: {  	v5 =	vld [tilespmem:s20+$0x20];
	v3 =	vadd.f32 v62, v3;
	v62 =	vmul.f32 v39, v38;
	v34 =	vmul.f32 v43, v42  }
0xcd: {  	v33 =	vld [tilespmem:s21+$0xFFFFFF80];
	s23 =	sadd.s32 $0x3, s22;
	v35 =	vmul.f32 v45, v44;
	v37 =	vmul.f32 v47, v46  }
0xce: {  	v54 =	vld [tilespmem:s20+$0x40];
	v57 =	vor.u32 s23, v0;
	s23 =	sadd.s32 $0x2, s22;
	v6 =	vmul.f32 v8, v6;
	v45 =	vmul.f32 v61, v58  }
0xcf: {  	v56 =	vld [tilespmem:s21+$0x40];
	v47 =	vmov s23;
	v7 =	vadd.f32 v17, v63;
	v63 =	vmul.f32 v41, v40  }
0xd0: {  	v38 =	vld [tilespmem:s20+$0x70];
	v40 =	vmul.f32 v51, v49;
	v4 =	vadd.f32 v48, v4;
	v59 =	vadd.f32 v53, v52  }
0xd1: {  	v39 =	vld [tilespmem:s21+$0x70];
	v17 =	vadd.f32 v62, v60;
	v8 =	vmul.f32 v13, v10;
	v5 =	vmul.f32 v11, v5  }
0xd2: {  	v36 =	vld [tilespmem:s21+$0x60];
	v43 =	vadd.f32 v37, v35;
	v48 =	vmov s22;
	v3 =	vadd.f32 v7, v3  }
0xd3: {  	v41 =	vld [tilespmem:s20+$0xFFFFFF00];
	v7 =	vmul.f32 v25, v24;
	v42 =	vadd.f32 v34, v63;
	v49 =	vand.u32 $0x7C, v48  }
0xd4: {  	v6 =	vadd.f32 v8, v6;
	v2 =	vadd.f32 v3, v2;
	v3 =	vmul.f32 v33, v32;
	v33 =	vld [tilespmem:s20+$0x60]  }
0xd5: {  	s24 =	sadd.s32 $0x1, s22;
	v8 =	vmul.f32 v56, v54;
	v5 =	vadd.f32 v40, v5;
	v7 =	vadd.f32 v50, v7  }
0xd6: {  	v32 =	vmov s24;
	v10 =	vmul.f32 v39, v38;
	v50 =	vbroadcast v49, $0x0  }
0xd7: {  	v51 =	vadd.f32 v43, v42;
	v24 =	vand.u32 $0x7D, v32;
	v3 =	vadd.f32 v55, v3  }
0xd8: {  	v1 =	vmul.f32 v1, v41;
	v8 =	vadd.f32 v45, v8;
	v24 =	vbroadcast v24, $0x0  }
0xd9: {  	v3 =	vadd.f32 v17, v3;
	v17 =	vand.u32 $0x7E, v47;
	v46 =	vmul.f32 v36, v33  }
0xda: {  	v1 =	vadd.f32 v9, v1;
	v44 =	vor.u32 v0, v24;
	v17 =	vbroadcast v17, $0x0  }
0xdb: {  	v5 =	vadd.f32 v5, v6;
	v6 =	vor.u32 v0, v50;
	v10 =	vadd.f32 v10, v46  }
0xdc: {  	v7 =	vadd.f32 v59, v7;
	v1 =	vadd.f32 v4, v1;
	v52 =	vor.u32 v0, v17  }
0xdd: {  	v3 =	vadd.f32 v51, v3;
	v8 =	vadd.f32 v10, v8  }
0xde: {  	[tilespmem:v57+s4+$0x0] =	vst.idx.msk $0xffff, v2;
	v1 =	vadd.f32 v7, v1  }
0xdf: {  	[tilespmem:v44+s4+$0x0] =	vst.idx.msk $0xffff, v3;
	v2 =	vadd.f32 v8, v5  }
0xe0: {  	[tilespmem:v6+s4+$0x0] =	vst.idx.msk $0xffff, v1  }
0xe1: {  	[tilespmem:v52+s4+$0x0] =	vst.idx.msk $0xffff, v2  }
0xe2: {  	_ =	swait.ge [sflag:s26], $0x200  }
0xe3: {  	[sflag:s26] =	ssyncset.done $0x0  }
0xe4: {  	[sflag:s26] =	ssyncadd.s32 $0xFFFFFE00  }
0xe5: {  	_ =	swait.ge [sflag:s26], $0x200  }
0xe6: {  	[sflag:s26] =	ssyncset.done $0x0  }
0xe7: {  	s24 =	simm.s32 $0x810;
	[sflag:s26] =	ssyncadd.s32 $0xFFFFFE00  }
0xe8: {  	s22 =	simm.s32 $0xA10;
	v1 =	vld [tilespmem:s24+$0x0]  }
0xe9: {  	v2 =	vld [tilespmem:s22+$0x0]  }
0xea: {  	s23 =	simm.s32 $0x11000;
	v3 =	vld [tilespmem:s22+$0xFFFFFFF0]  }
0xeb: {  	v4 =	vld [tilespmem:s23+$0xFFFFFC10]  }
0xec: {  	v5 =	vld [tilespmem:s24+$0xFFFFFFF0]  }
0xed: {  	v6 =	vld [tilespmem:s23+$0xFFFFFC90]  }
0xee: {  	v7 =	vld [tilespmem:s23+$0xFFFFFC00]  }
0xef: {  	v8 =	vld [tilespmem:s23+$0xFFFFFD10]  }
0xf0: {  	v53 =	vld [tilespmem:s23+$0xFFFFFC80]  }
0xf1: {  	v10 =	vld [tilespmem:s23+$0xFFFFFD90]  }
0xf2: {  	v11 =	vld [tilespmem:s23+$0xFFFFFD00]  }
0xf3: {  	v12 =	vld [tilespmem:s23+$0xFFFFFE10]  }
0xf4: {  	v54 =	vld [tilespmem:s23+$0xFFFFFD80]  }
0xf5: {  	v14 =	vld [tilespmem:s23+$0xFFFFFE90]  }
0xf6: {  	v55 =	vld [tilespmem:s23+$0xFFFFFE00]  }
0xf7: {  	v56 =	vld [tilespmem:s23+$0xFFFFFF10]  }
0xf8: {  	v57 =	vld [tilespmem:s23+$0xFFFFFE80]  }
0xf9: {  	v58 =	vld [tilespmem:s23+$0xFFFFFF90]  }
0xfa: {  	v59 =	vld [tilespmem:s23+$0xFFFFFF00]  }
0xfb: {  	v60 =	vld [tilespmem:s23+$0x10]  }
0xfc: {  	v61 =	vld [tilespmem:s23+$0xFFFFFF80]  }
0xfd: {  	v62 =	vld [tilespmem:s23+$0x90]  }
0xfe: {  	v63 =	vld [tilespmem:s23+$0x0]  }
0xff: {  	v40 =	vld [tilespmem:s23+$0x110]  }
0x100: {  	v41 =	vld [tilespmem:s23+$0x80]  }
0x101: {  	v42 =	vld [tilespmem:s23+$0x190]  }
0x102: {  	v43 =	vld [tilespmem:s23+$0x100]  }
0x103: {  	v44 =	vld [tilespmem:s23+$0x210]  }
0x104: {  	v45 =	vld [tilespmem:s23+$0x180]  }
0x105: {  	v46 =	vld [tilespmem:s23+$0x290]  }
0x106: {  	v47 =	vld [tilespmem:s23+$0x200]  }
0x107: {  	v48 =	vld [tilespmem:s23+$0x310]  }
0x108: {  	v49 =	vld [tilespmem:s23+$0x280]  }
0x109: {  	v50 =	vld [tilespmem:s23+$0x390]  }
0x10a: {  	v51 =	vld [tilespmem:s23+$0x300]  }
0x10b: {  	v52 =	vld [tilespmem:s23+$0x380];
	s24 =	simm.s32 $0x830;
	v1 =	vadd.f32 v2, v1  }
0x10c: {  	s20 =	simm.s32 $0xA30;
	v2 =	vadd.f32 v3, v5;
	v3 =	vld [tilespmem:s24+$0x0]  }
0x10d: {  	v5 =	vld [tilespmem:s20+$0x0];
	v1 =	vadd.f32 v4, v1  }
0x10e: {  	s21 =	simm.s32 $0x11020;
	v2 =	vadd.f32 v7, v2;
	v4 =	vld [tilespmem:s20+$0xFFFFFFF0]  }
0x10f: {  	v7 =	vld [tilespmem:s21+$0xFFFFFC10];
	v1 =	vadd.f32 v6, v1  }
0x110: {  	v2 =	vadd.f32 v53, v2;
	v6 =	vld [tilespmem:s24+$0xFFFFFFF0]  }
0x111: {  	v53 =	vld [tilespmem:s21+$0xFFFFFC90];
	v1 =	vadd.f32 v8, v1  }
0x112: {  	v3 =	vadd.f32 v5, v3;
	v2 =	vadd.f32 v11, v2;
	v8 =	vld [tilespmem:s21+$0xFFFFFC00]  }
0x113: {  	v5 =	vld [tilespmem:s21+$0xFFFFFD10];
	v1 =	vadd.f32 v10, v1  }
0x114: {  	v3 =	vadd.f32 v7, v3;
	v2 =	vadd.f32 v54, v2;
	v54 =	vld [tilespmem:s21+$0xFFFFFC80]  }
0x115: {  	v4 =	vadd.f32 v4, v6;
	v6 =	vld [tilespmem:s21+$0xFFFFFD90];
	v1 =	vadd.f32 v12, v1  }
0x116: {  	v7 =	vld [tilespmem:s21+$0xFFFFFD00];
	v3 =	vadd.f32 v53, v3;
	v2 =	vadd.f32 v55, v2  }
0x117: {  	v4 =	vadd.f32 v8, v4;
	v8 =	vld [tilespmem:s21+$0xFFFFFE10];
	v1 =	vadd.f32 v14, v1  }
0x118: {  	v55 =	vld [tilespmem:s21+$0xFFFFFD80];
	v3 =	vadd.f32 v5, v3;
	v2 =	vadd.f32 v57, v2  }
0x119: {  	v5 =	vld [tilespmem:s21+$0xFFFFFE90];
	v4 =	vadd.f32 v54, v4;
	v1 =	vadd.f32 v56, v1  }
0x11a: {  	v2 =	vadd.f32 v59, v2;
	v56 =	vld [tilespmem:s21+$0xFFFFFE00];
	v3 =	vadd.f32 v6, v3  }
0x11b: {  	v6 =	vld [tilespmem:s21+$0xFFFFFF10];
	v4 =	vadd.f32 v7, v4;
	v1 =	vadd.f32 v58, v1  }
0x11c: {  	v7 =	vld [tilespmem:s21+$0xFFFFFE80];
	v2 =	vadd.f32 v61, v2;
	v3 =	vadd.f32 v8, v3  }
0x11d: {  	v8 =	vld [tilespmem:s21+$0xFFFFFF90];
	v4 =	vadd.f32 v55, v4;
	v1 =	vadd.f32 v60, v1  }
0x11e: {  	v57 =	vld [tilespmem:s21+$0xFFFFFF00];
	v2 =	vadd.f32 v63, v2;
	v3 =	vadd.f32 v5, v3  }
0x11f: {  	v5 =	vld [tilespmem:s21+$0x10];
	v4 =	vadd.f32 v56, v4;
	v1 =	vadd.f32 v62, v1  }
0x120: {  	v58 =	vld [tilespmem:s21+$0xFFFFFF80];
	v2 =	vadd.f32 v41, v2;
	v3 =	vadd.f32 v6, v3  }
0x121: {  	v6 =	vld [tilespmem:s21+$0x90];
	v4 =	vadd.f32 v7, v4;
	v1 =	vadd.f32 v40, v1  }
0x122: {  	v7 =	vld [tilespmem:s21+$0x0];
	v2 =	vadd.f32 v43, v2;
	v3 =	vadd.f32 v8, v3  }
0x123: {  	v8 =	vld [tilespmem:s21+$0x110];
	v4 =	vadd.f32 v57, v4;
	v1 =	vadd.f32 v42, v1  }
0x124: {  	v59 =	vld [tilespmem:s21+$0x80];
	v2 =	vadd.f32 v45, v2;
	v3 =	vadd.f32 v5, v3  }
0x125: {  	v5 =	vld [tilespmem:s21+$0x190];
	v4 =	vadd.f32 v58, v4;
	v1 =	vadd.f32 v44, v1  }
0x126: {  	v60 =	vld [tilespmem:s21+$0x100];
	v2 =	vadd.f32 v47, v2;
	v3 =	vadd.f32 v6, v3  }
0x127: {  	v6 =	vld [tilespmem:s21+$0x210];
	v4 =	vadd.f32 v7, v4;
	v1 =	vadd.f32 v46, v1  }
0x128: {  	v7 =	vld [tilespmem:s21+$0x180];
	v2 =	vadd.f32 v49, v2;
	v3 =	vadd.f32 v8, v3  }
0x129: {  	v8 =	vld [tilespmem:s21+$0x290];
	v4 =	vadd.f32 v59, v4;
	v61 =	vadd.f32 v48, v1  }
0x12a: {  	v62 =	vld [tilespmem:s21+$0x200];
	v2 =	vadd.f32 v51, v2;
	v3 =	vadd.f32 v5, v3  }
0x12b: {  	v1 =	vld [tilespmem:s21+$0x310];
	v4 =	vadd.f32 v60, v4;
	v5 =	vadd.f32 v50, v61  }
0x12c: {  	v63 =	vadd.f32 v52, v2;
	v2 =	vld [tilespmem:s21+$0x280];
	v6 =	vadd.f32 v6, v3  }
0x12d: {  	s22 =	simm.s32 $0x11410;
	v3 =	vld [tilespmem:s21+$0x390];
	v4 =	vadd.f32 v7, v4  }
0x12e: {  	[tilespmem:s22+$0x0] =	vst v5;
	v5 =	vld [tilespmem:s21+$0x300];
	v7 =	vadd.f32 v8, v6  }
0x12f: {  	s23 =	simm.s32 $0x2;
	s24 =	simm.s32 $0x850;
	[tilespmem:s22+$0xFFFFFFF0] =	vst v63;
	v6 =	vadd.f32 v62, v4;
	v4 =	vld [tilespmem:s21+$0x380]  }
.LBB2_4:
0x130: {  	v8 =	vld [tilespmem:s24+$0x0];
	v1 =	vadd.f32 v1, v7;
	s20 =	sadd.s32 $0x20, s20  }
0x131: {  	s23 =	sadd.s32 $0x2, s23;
	v7 =	vld [tilespmem:s20+$0x0];
	v2 =	vadd.f32 v2, v6  }
0x132: {  	s21 =	sadd.s32 $0x20, s21;
	p0 =	slt.u32 s23, $0x6;
	v6 =	vld [tilespmem:s20+$0xFFFFFFF0];
	v1 =	vadd.f32 v3, v1  }
0x133: {  	s22 =	sadd.s32 $0x20, s22;
	v3 =	vld [tilespmem:s21+$0xFFFFFC10];
	v2 =	vadd.f32 v5, v2  }
0x134: {  	v5 =	vld [tilespmem:s24+$0xFFFFFFF0];
	[tilespmem:s22+$0x0] =	vst v1  }
0x135: {  	v1 =	vld [tilespmem:s21+$0xFFFFFC90];
	v2 =	vadd.f32 v4, v2  }
0x136: {  	v4 =	vld [tilespmem:s21+$0xFFFFFC00];
	v7 =	vadd.f32 v7, v8  }
0x137: {  	v8 =	vld [tilespmem:s21+$0xFFFFFD10];
	[tilespmem:s22+$0xFFFFFFF0] =	vst v2  }
0x138: {  	v2 =	vld [tilespmem:s21+$0xFFFFFC80];
	v3 =	vadd.f32 v3, v7  }
0x139: {  	v5 =	vadd.f32 v6, v5;
	v6 =	vld [tilespmem:s21+$0xFFFFFD90]  }
0x13a: {  	v7 =	vld [tilespmem:s21+$0xFFFFFD00];
	v1 =	vadd.f32 v1, v3  }
0x13b: {  	v3 =	vadd.f32 v4, v5;
	v4 =	vld [tilespmem:s21+$0xFFFFFE10]  }
0x13c: {  	v5 =	vld [tilespmem:s21+$0xFFFFFD80];
	v1 =	vadd.f32 v8, v1  }
0x13d: {  	v2 =	vadd.f32 v2, v3;
	v3 =	vld [tilespmem:s21+$0xFFFFFE90]  }
0x13e: {  	v8 =	vld [tilespmem:s21+$0xFFFFFE00];
	v1 =	vadd.f32 v6, v1  }
0x13f: {  	v2 =	vadd.f32 v7, v2;
	v6 =	vld [tilespmem:s21+$0xFFFFFF10]  }
0x140: {  	v7 =	vld [tilespmem:s21+$0xFFFFFE80];
	v1 =	vadd.f32 v4, v1  }
0x141: {  	v2 =	vadd.f32 v5, v2;
	v4 =	vld [tilespmem:s21+$0xFFFFFF90]  }
0x142: {  	v5 =	vld [tilespmem:s21+$0xFFFFFF00];
	v1 =	vadd.f32 v3, v1  }
0x143: {  	v2 =	vadd.f32 v8, v2;
	v3 =	vld [tilespmem:s21+$0x10]  }
0x144: {  	v8 =	vld [tilespmem:s21+$0xFFFFFF80];
	v1 =	vadd.f32 v6, v1  }
0x145: {  	v2 =	vadd.f32 v7, v2;
	v6 =	vld [tilespmem:s21+$0x90]  }
0x146: {  	v7 =	vld [tilespmem:s21+$0x0];
	v1 =	vadd.f32 v4, v1  }
0x147: {  	v2 =	vadd.f32 v5, v2;
	v4 =	vld [tilespmem:s21+$0x110]  }
0x148: {  	v5 =	vld [tilespmem:s21+$0x80];
	v1 =	vadd.f32 v3, v1  }
0x149: {  	v2 =	vadd.f32 v8, v2;
	v3 =	vld [tilespmem:s21+$0x190]  }
0x14a: {  	v8 =	vld [tilespmem:s21+$0x100];
	v1 =	vadd.f32 v6, v1  }
0x14b: {  	v2 =	vadd.f32 v7, v2;
	v6 =	vld [tilespmem:s21+$0x210]  }
0x14c: {  	v7 =	vld [tilespmem:s21+$0x180];
	v1 =	vadd.f32 v4, v1  }
0x14d: {  	v2 =	vadd.f32 v5, v2;
	v4 =	vld [tilespmem:s21+$0x290]  }
0x14e: {  	v9 =	vld [tilespmem:s21+$0x200];
	v3 =	vadd.f32 v3, v1  }
.Ltmp1:
0x14f: {  	v5 =	vadd.f32 v8, v2;
	v1 =	vld [tilespmem:s21+$0x310];
	(pc) =	sbr.rel @p0 .LBB2_4-.Ltmp1, $4  }
0x150: {  	v2 =	vld [tilespmem:s21+$0x280];
	v6 =	vadd.f32 v6, v3  }
0x151: {  	v8 =	vadd.f32 v7, v5;
	v3 =	vld [tilespmem:s21+$0x390]  }
0x152: {  	v5 =	vld [tilespmem:s21+$0x300];
	v7 =	vadd.f32 v4, v6  }
0x153: {  	s24 =	sadd.s32 $0x20, s24;
	v6 =	vadd.f32 v9, v8;
	v4 =	vld [tilespmem:s21+$0x380]  }
0x154: {  	_ = 	snop  }
0x155: {  	v2 =	vadd.f32 v2, v6  }
0x156: {  	v1 =	vadd.f32 v1, v7  }
0x157: {  	v2 =	vadd.f32 v5, v2  }
0x158: {  	v1 =	vadd.f32 v3, v1  }
0x159: {  	s20 =	sadd.s32 $0x20, s22;
	v2 =	vadd.f32 v4, v2  }
0x15a: {  	[tilespmem:s20+$0x0] =	vst v1  }
0x15b: {  	[tilespmem:s20+$0xFFFFFFF0] =	vst v2  }
0x15c: {  	[tilespmem:s29], [sflag:$0x1] =	stream.indirect.gather [hbm4b:s0+s18], $0x80, s25, s18, $0xb8;
	[tilespmem:$0x11600] =	vst v63  }
0x15d: {  	s29 =	simm.s32 $0x8C00  }
0x15e: {  	[tilespmem:s29], [sflag:$0x1] =	stream.indirect.gather [hbm4b:s1+s18], $0x80, s28, s18, $0xb8;
	[tilespmem:$0x11600] =	vst v63  }
0x15f: {  	_ =	swait.ge [sflag:s30], $0x4000  }
0x160: {  	[sflag:s30] =	ssyncset.done $0x0  }
0x161: {  	[sflag:s30] =	ssyncadd.s32 $0xFFFFC000  }
0x162: {  	_ =	swait.ge [sflag:s30], $0x4000  }
0x163: {  	[sflag:s30] =	ssyncset.done $0x0  }
0x164: {  	s21 =	simm.s32 $0x4D00;
	[sflag:s30] =	ssyncadd.s32 $0xFFFFC000  }
0x165: {  	s22 =	simm.s32 $0xCD00;
	v4 =	vld [tilespmem:s21+$0x80]  }
0x166: {  	v5 =	vld [tilespmem:s22+$0x80]  }
0x167: {  	v6 =	vld [tilespmem:s21+$0x90]  }
0x168: {  	v7 =	vld [tilespmem:s22+$0x90]  }
0x169: {  	v8 =	vld [tilespmem:s21+$0xA0]  }
0x16a: {  	v9 =	vld [tilespmem:s22+$0xA0]  }
0x16b: {  	v10 =	vld [tilespmem:s21+$0xB0]  }
0x16c: {  	v2 =	vld [tilespmem:s22+$0xB0]  }
0x16d: {  	v11 =	vld [tilespmem:s21+$0xC0]  }
0x16e: {  	v3 =	vld [tilespmem:s22+$0xC0]  }
0x16f: {  	v12 =	vld [tilespmem:s21+$0xD0]  }
0x170: {  	v14 =	vld [tilespmem:s22+$0xD0]  }
0x171: {  	v13 =	vld [tilespmem:s21+$0xE0]  }
0x172: {  	v15 =	vld [tilespmem:s22+$0xE0]  }
0x173: {  	v16 =	vld [tilespmem:s21+$0xF0]  }
0x174: {  	s23 =	simm.s32 $0x0;
	s28 =	simm.s32 $0x4;
	v17 =	vld [tilespmem:s22+$0xF0]  }
.LBB2_6:
0x175: {  	p0 =	slt.u32 s28, $0x7C;
	v1 =	vld [tilespmem:s22+$0xFFFFFF00]  }
0x176: {  	v4 =	vmul.f32 v5, v4;
	v5 =	vmul.f32 v7, v6;
	v18 =	vld [tilespmem:s21+$0xFFFFFF10]  }
0x177: {  	v7 =	vmul.f32 v9, v8;
	v2 =	vmul.f32 v2, v10;
	v6 =	vld [tilespmem:s22+$0xFFFFFF10]  }
0x178: {  	v3 =	vmul.f32 v3, v11;
	v9 =	vmul.f32 v14, v12;
	v8 =	vld [tilespmem:s21+$0xFFFFFF20]  }
0x179: {  	v11 =	vmul.f32 v15, v13;
	v10 =	vld [tilespmem:s22+$0xFFFFFF20];
	v12 =	vmul.f32 v17, v16  }
0x17a: {  	v4 =	vadd.f32 v5, v4;
	v5 =	vadd.f32 v2, v7;
	v13 =	vld [tilespmem:s21+$0xFFFFFF30]  }
0x17b: {  	s20 =	sadd.s32 $0x3, s23;
	v3 =	vadd.f32 v9, v3;
	v7 =	vld [tilespmem:s22+$0xFFFFFF30];
	v9 =	vadd.f32 v12, v11  }
0x17c: {  	v11 =	vor.u32 s20, v0;
	v2 =	vmul.f32 v6, v18;
	v6 =	vld [tilespmem:s21+$0xFFFFFF40]  }
0x17d: {  	v4 =	vadd.f32 v5, v4;
	v12 =	vld [tilespmem:s22+$0xFFFFFF40];
	v3 =	vadd.f32 v9, v3  }
0x17e: {  	v5 =	vmul.f32 v10, v8;
	v8 =	vld [tilespmem:s21+$0xFFFFFF50]  }
0x17f: {  	v9 =	vld [tilespmem:s22+$0xFFFFFF50];
	v3 =	vadd.f32 v3, v4  }
0x180: {  	s25 =	simm.s32 $0xA90;
	s24 =	simm.s32 $0x890;
	v4 =	vmul.f32 v7, v13;
	v7 =	vld [tilespmem:s21+$0xFFFFFF60]  }
0x181: {  	s20 =	simm.s32 $0x11490;
	v10 =	vld [tilespmem:s22+$0xFFFFFF60];
	[tilespmem:v11+s4+$0x0] =	vst.idx.msk $0xffff, v3  }
0x182: {  	v6 =	vmul.f32 v12, v6;
	v11 =	vld [tilespmem:s21+$0xFFFFFF70];
	v3 =	vadd.f32 v4, v5  }
0x183: {  	v4 =	vld [tilespmem:s22+$0xFFFFFF70]  }
0x184: {  	v5 =	vmul.f32 v9, v8;
	v8 =	vld [tilespmem:s21+$0xFFFFFF80]  }
0x185: {  	v9 =	vld [tilespmem:s22+$0xFFFFFF80]  }
0x186: {  	v7 =	vmul.f32 v10, v7;
	v5 =	vadd.f32 v5, v6;
	v6 =	vld [tilespmem:s21+$0xFFFFFF90]  }
0x187: {  	v10 =	vld [tilespmem:s22+$0xFFFFFF90]  }
0x188: {  	v4 =	vmul.f32 v4, v11;
	v11 =	vld [tilespmem:s21+$0xFFFFFFA0]  }
0x189: {  	v12 =	vld [tilespmem:s22+$0xFFFFFFA0]  }
0x18a: {  	v4 =	vadd.f32 v4, v7;
	v7 =	vmul.f32 v9, v8;
	v8 =	vld [tilespmem:s21+$0xFFFFFFB0]  }
0x18b: {  	v9 =	vld [tilespmem:s22+$0xFFFFFFB0]  }
0x18c: {  	v13 =	vadd.f32 v4, v5;
	v4 =	vmul.f32 v10, v6;
	v5 =	vld [tilespmem:s21+$0xFFFFFFC0]  }
0x18d: {  	v6 =	vld [tilespmem:s22+$0xFFFFFFC0]  }
0x18e: {  	v10 =	vmul.f32 v12, v11;
	v11 =	vld [tilespmem:s21+$0xFFFFFFD0];
	v4 =	vadd.f32 v4, v7  }
0x18f: {  	v7 =	vld [tilespmem:s22+$0xFFFFFFD0]  }
0x190: {  	v8 =	vmul.f32 v9, v8;
	v9 =	vld [tilespmem:s21+$0xFFFFFFE0]  }
0x191: {  	v12 =	vld [tilespmem:s22+$0xFFFFFFE0]  }
0x192: {  	v5 =	vmul.f32 v6, v5;
	v6 =	vld [tilespmem:s21+$0xFFFFFFF0];
	v8 =	vadd.f32 v8, v10  }
0x193: {  	v10 =	vld [tilespmem:s22+$0xFFFFFFF0]  }
0x194: {  	v7 =	vmul.f32 v7, v11;
	v4 =	vadd.f32 v8, v4;
	v8 =	vld [tilespmem:s21+$0x0]  }
0x195: {  	v11 =	vld [tilespmem:s22+$0x0]  }
0x196: {  	s29 =	sadd.s32 $0x1, s23;
	v9 =	vmul.f32 v12, v9;
	v5 =	vadd.f32 v7, v5;
	v7 =	vld [tilespmem:s21+$0x10]  }
0x197: {  	v12 =	vmov s29;
	v14 =	vld [tilespmem:s22+$0x10]  }
0x198: {  	v6 =	vmul.f32 v10, v6;
	v10 =	vand.u32 $0x7D, v12;
	v12 =	vld [tilespmem:s21+$0x20]  }
0x199: {  	v10 =	vbroadcast v10, $0x0;
	v15 =	vld [tilespmem:s22+$0x20]  }
0x19a: {  	v6 =	vadd.f32 v6, v9;
	v8 =	vmul.f32 v11, v8;
	v9 =	vld [tilespmem:s21+$0x30]  }
0x19b: {  	v10 =	vor.u32 v0, v10;
	v11 =	vld [tilespmem:s22+$0x30]  }
0x19c: {  	v5 =	vadd.f32 v6, v5;
	v6 =	vmul.f32 v14, v7;
	v7 =	vld [tilespmem:s21+$0x40]  }
0x19d: {  	v14 =	vld [tilespmem:s22+$0x40]  }
0x19e: {  	v4 =	vadd.f32 v5, v4;
	v5 =	vmul.f32 v15, v12;
	v12 =	vld [tilespmem:s21+$0x50];
	v6 =	vadd.f32 v6, v8  }
0x19f: {  	v8 =	vld [tilespmem:s22+$0x50]  }
0x1a0: {  	[tilespmem:v10+s4+$0x0] =	vst.idx.msk $0xffff, v4;
	v4 =	vmul.f32 v11, v9;
	v9 =	vld [tilespmem:s21+$0x60]  }
0x1a1: {  	v10 =	vld [tilespmem:s22+$0x60]  }
0x1a2: {  	v7 =	vmul.f32 v14, v7;
	v11 =	vld [tilespmem:s21+$0x70];
	v4 =	vadd.f32 v4, v5  }
0x1a3: {  	v14 =	vld [tilespmem:s22+$0x70]  }
0x1a4: {  	v15 =	vld [tilespmem:s21+$0xFFFFFF00];
	v8 =	vmul.f32 v8, v12;
	v12 =	vadd.f32 v4, v6;
	s21 =	sadd.s32 $0x200, s21  }
0x1a5: {  	s22 =	sadd.s32 $0x200, s22;
	v4 =	vld [tilespmem:s21+$0x80]  }
0x1a6: {  	s29 =	sadd.s32 $0x2, s23;
	v5 =	vld [tilespmem:s22+$0x80];
	v10 =	vmul.f32 v10, v9;
	v16 =	vadd.f32 v8, v7  }
0x1a7: {  	v8 =	vmov s29;
	v6 =	vld [tilespmem:s21+$0x90]  }
0x1a8: {  	v9 =	vmov s23;
	s23 =	smov.u32 s28;
	v7 =	vld [tilespmem:s22+$0x90];
	v11 =	vmul.f32 v14, v11;
	v14 =	vand.u32 $0x7E, v8  }
0x1a9: {  	v8 =	vld [tilespmem:s21+$0xA0];
	v1 =	vmul.f32 v1, v15;
	v15 =	vand.u32 $0x7C, v9;
	v14 =	vbroadcast v14, $0x0  }
0x1aa: {  	v9 =	vld [tilespmem:s22+$0xA0];
	v15 =	vbroadcast v15, $0x0;
	v11 =	vadd.f32 v11, v10  }
0x1ab: {  	v10 =	vld [tilespmem:s21+$0xB0];
	v1 =	vadd.f32 v2, v1;
	v17 =	vor.u32 v0, v14  }
0x1ac: {  	v2 =	vld [tilespmem:s22+$0xB0];
	v15 =	vor.u32 v0, v15;
	v14 =	vadd.f32 v11, v16  }
0x1ad: {  	v11 =	vld [tilespmem:s21+$0xC0];
	v1 =	vadd.f32 v3, v1  }
0x1ae: {  	v3 =	vld [tilespmem:s22+$0xC0];
	v16 =	vadd.f32 v14, v12  }
0x1af: {  	v12 =	vld [tilespmem:s21+$0xD0];
	v1 =	vadd.f32 v13, v1  }
.Ltmp2:
0x1b0: {  	v14 =	vld [tilespmem:s22+$0xD0];
	[tilespmem:v17+s4+$0x0] =	vst.idx.msk $0xffff, v16;
	(pc) =	sbr.rel @p0 .LBB2_6-.Ltmp2, $4  }
0x1b1: {  	v13 =	vld [tilespmem:s21+$0xE0];
	[tilespmem:v15+s4+$0x0] =	vst.idx.msk $0xffff, v1  }
0x1b2: {  	v15 =	vld [tilespmem:s22+$0xE0]  }
0x1b3: {  	v16 =	vld [tilespmem:s21+$0xF0]  }
0x1b4: {  	s28 =	sadd.s32 $0x4, s28;
	v17 =	vld [tilespmem:s22+$0xF0]  }
0x1b5: {  	v1 =	vld [tilespmem:s22+$0xFFFFFF00]  }
0x1b6: {  	v18 =	vld [tilespmem:s21+$0xFFFFFF10]  }
0x1b7: {  	v19 =	vld [tilespmem:s22+$0xFFFFFF10]  }
0x1b8: {  	v20 =	vld [tilespmem:s21+$0xFFFFFF20]  }
0x1b9: {  	v21 =	vld [tilespmem:s22+$0xFFFFFF20]  }
0x1ba: {  	v22 =	vld [tilespmem:s21+$0xFFFFFF30]  }
0x1bb: {  	v23 =	vld [tilespmem:s22+$0xFFFFFF30]  }
0x1bc: {  	v24 =	vld [tilespmem:s21+$0xFFFFFF40]  }
0x1bd: {  	v25 =	vld [tilespmem:s22+$0xFFFFFF40]  }
0x1be: {  	v26 =	vld [tilespmem:s21+$0xFFFFFF50]  }
0x1bf: {  	v27 =	vld [tilespmem:s22+$0xFFFFFF50]  }
0x1c0: {  	v28 =	vld [tilespmem:s21+$0xFFFFFF60]  }
0x1c1: {  	v29 =	vld [tilespmem:s22+$0xFFFFFF60]  }
0x1c2: {  	v30 =	vld [tilespmem:s21+$0xFFFFFF70]  }
0x1c3: {  	v31 =	vld [tilespmem:s22+$0xFFFFFF70]  }
0x1c4: {  	v32 =	vld [tilespmem:s21+$0xFFFFFF80]  }
0x1c5: {  	v33 =	vld [tilespmem:s22+$0xFFFFFF80]  }
0x1c6: {  	v34 =	vld [tilespmem:s21+$0xFFFFFF90]  }
0x1c7: {  	v35 =	vld [tilespmem:s22+$0xFFFFFF90]  }
0x1c8: {  	v36 =	vld [tilespmem:s21+$0xFFFFFFA0]  }
0x1c9: {  	v37 =	vld [tilespmem:s22+$0xFFFFFFA0]  }
0x1ca: {  	v38 =	vld [tilespmem:s21+$0xFFFFFFB0]  }
0x1cb: {  	v39 =	vld [tilespmem:s22+$0xFFFFFFB0]  }
0x1cc: {  	v40 =	vld [tilespmem:s21+$0xFFFFFFC0]  }
0x1cd: {  	v41 =	vld [tilespmem:s22+$0xFFFFFFC0]  }
0x1ce: {  	v42 =	vld [tilespmem:s21+$0xFFFFFFD0]  }
0x1cf: {  	v43 =	vld [tilespmem:s22+$0xFFFFFFD0]  }
0x1d0: {  	v44 =	vld [tilespmem:s21+$0xFFFFFFE0]  }
0x1d1: {  	v45 =	vld [tilespmem:s22+$0xFFFFFFE0]  }
0x1d2: {  	v46 =	vld [tilespmem:s21+$0xFFFFFFF0]  }
0x1d3: {  	v47 =	vld [tilespmem:s22+$0xFFFFFFF0]  }
0x1d4: {  	v4 =	vmul.f32 v5, v4;
	v5 =	vmul.f32 v7, v6;
	v6 =	vld [tilespmem:s21+$0x0]  }
0x1d5: {  	v7 =	vmul.f32 v9, v8;
	v8 =	vld [tilespmem:s22+$0x0]  }
0x1d6: {  	v2 =	vmul.f32 v2, v10;
	v10 =	vld [tilespmem:s21+$0x10]  }
0x1d7: {  	v48 =	vld [tilespmem:s22+$0x20]  }
0x1d8: {  	v3 =	vmul.f32 v3, v11;
	v62 =	vmul.f32 v14, v12;
	v50 =	vld [tilespmem:s21+$0x30]  }
0x1d9: {  	v52 =	vld [tilespmem:s22+$0x30];
	v63 =	vmul.f32 v15, v13;
	v4 =	vadd.f32 v5, v4;
	v2 =	vadd.f32 v2, v7  }
0x1da: {  	v59 =	vld [tilespmem:s21+$0x50];
	v17 =	vmul.f32 v17, v16;
	v9 =	vmul.f32 v19, v18  }
0x1db: {  	v13 =	vld [tilespmem:s22+$0x10];
	v2 =	vadd.f32 v2, v4;
	v4 =	vmul.f32 v21, v20;
	v49 =	vmul.f32 v23, v22  }
0x1dc: {  	v5 =	vld [tilespmem:s21+$0x20];
	v51 =	vmul.f32 v27, v26;
	v53 =	vmul.f32 v29, v28  }
0x1dd: {  	v3 =	vadd.f32 v62, v3;
	v62 =	vld [tilespmem:s22+$0x50];
	v54 =	vmul.f32 v31, v30;
	v56 =	vmul.f32 v35, v34  }
0x1de: {  	v55 =	vld [tilespmem:s21+$0x40];
	s28 =	sadd.s32 $0x3, s23;
	v61 =	vmul.f32 v37, v36;
	v35 =	vmul.f32 v43, v42  }
0x1df: {  	v57 =	vld [tilespmem:s22+$0x40];
	v58 =	vor.u32 s28, v0;
	v36 =	vmul.f32 v45, v44;
	v6 =	vmul.f32 v8, v6  }
0x1e0: {  	v34 =	vld [tilespmem:s21+$0x60];
	v7 =	vadd.f32 v17, v63;
	v63 =	vmul.f32 v39, v38;
	v38 =	vmul.f32 v47, v46  }
0x1e1: {  	v37 =	vld [tilespmem:s22+$0x60];
	v4 =	vadd.f32 v49, v4;
	v60 =	vadd.f32 v54, v53;
	v8 =	vmul.f32 v13, v10  }
0x1e2: {  	v42 =	vld [tilespmem:s21+$0xFFFFFF00];
	v5 =	vmul.f32 v48, v5;
	v46 =	vmul.f32 v62, v59;
	v49 =	vmov s23  }
0x1e3: {  	v3 =	vadd.f32 v7, v3;
	v7 =	vmul.f32 v25, v24;
	v17 =	vadd.f32 v63, v61  }
0x1e4: {  	v44 =	vadd.f32 v38, v36;
	v6 =	vadd.f32 v8, v6;
	v8 =	vmul.f32 v57, v55  }
0x1e5: {  	s29 =	sadd.s32 $0x1, s23;
	v39 =	vld [tilespmem:s21+$0x70];
	v2 =	vadd.f32 v3, v2;
	v3 =	vmul.f32 v33, v32;
	v7 =	vadd.f32 v51, v7  }
0x1e6: {  	v32 =	vmul.f32 v41, v40;
	v33 =	vmov s29;
	v40 =	vld [tilespmem:s22+$0x70];
	v41 =	vmul.f32 v52, v50  }
0x1e7: {  	s22 =	sadd.s32 $0x2, s23;
	v47 =	vmul.f32 v37, v34;
	v1 =	vmul.f32 v1, v42;
	v50 =	vand.u32 $0x7C, v49  }
0x1e8: {  	v24 =	vand.u32 $0x7D, v33;
	v48 =	vmov s22;
	v8 =	vadd.f32 v46, v8  }
0x1e9: {  	v51 =	vbroadcast v50, $0x0;
	v3 =	vadd.f32 v56, v3;
	v43 =	vadd.f32 v35, v32  }
0x1ea: {  	v24 =	vbroadcast v24, $0x0;
	v5 =	vadd.f32 v41, v5;
	v1 =	vadd.f32 v9, v1  }
0x1eb: {  	v3 =	vadd.f32 v17, v3;
	v17 =	vand.u32 $0x7E, v48;
	v10 =	vmul.f32 v40, v39  }
0x1ec: {  	v45 =	vor.u32 v0, v24;
	v52 =	vadd.f32 v44, v43;
	v17 =	vbroadcast v17, $0x0  }
0x1ed: {  	v5 =	vadd.f32 v5, v6;
	v6 =	vor.u32 v0, v51;
	v10 =	vadd.f32 v10, v47  }
0x1ee: {  	v7 =	vadd.f32 v60, v7;
	v1 =	vadd.f32 v4, v1;
	v53 =	vor.u32 v0, v17  }
0x1ef: {  	v3 =	vadd.f32 v52, v3;
	v8 =	vadd.f32 v10, v8  }
0x1f0: {  	[tilespmem:v58+s4+$0x0] =	vst.idx.msk $0xffff, v2;
	v1 =	vadd.f32 v7, v1  }
0x1f1: {  	[tilespmem:v45+s4+$0x0] =	vst.idx.msk $0xffff, v3;
	v2 =	vadd.f32 v8, v5  }
0x1f2: {  	[tilespmem:v6+s4+$0x0] =	vst.idx.msk $0xffff, v1  }
0x1f3: {  	[tilespmem:v53+s4+$0x0] =	vst.idx.msk $0xffff, v2  }
0x1f4: {  	v1 =	vld [tilespmem:s24+$0x0]  }
0x1f5: {  	v2 =	vld [tilespmem:s25+$0x0]  }
0x1f6: {  	s28 =	simm.s32 $0x11000;
	v3 =	vld [tilespmem:s25+$0xFFFFFFF0]  }
0x1f7: {  	v4 =	vld [tilespmem:s28+$0xFFFFFC10]  }
0x1f8: {  	v5 =	vld [tilespmem:s24+$0xFFFFFFF0]  }
0x1f9: {  	v6 =	vld [tilespmem:s28+$0xFFFFFC90]  }
0x1fa: {  	v7 =	vld [tilespmem:s28+$0xFFFFFC00]  }
0x1fb: {  	v8 =	vld [tilespmem:s28+$0xFFFFFD10]  }
0x1fc: {  	v9 =	vld [tilespmem:s28+$0xFFFFFC80]  }
0x1fd: {  	v10 =	vld [tilespmem:s28+$0xFFFFFD90]  }
0x1fe: {  	v54 =	vld [tilespmem:s28+$0xFFFFFD00]  }
0x1ff: {  	v12 =	vld [tilespmem:s28+$0xFFFFFE10]  }
0x200: {  	v55 =	vld [tilespmem:s28+$0xFFFFFD80]  }
0x201: {  	v56 =	vld [tilespmem:s28+$0xFFFFFE90]  }
0x202: {  	v57 =	vld [tilespmem:s28+$0xFFFFFE00]  }
0x203: {  	v16 =	vld [tilespmem:s28+$0xFFFFFF10]  }
0x204: {  	v58 =	vld [tilespmem:s28+$0xFFFFFE80]  }
0x205: {  	v59 =	vld [tilespmem:s28+$0xFFFFFF90]  }
0x206: {  	v60 =	vld [tilespmem:s28+$0xFFFFFF00]  }
0x207: {  	v61 =	vld [tilespmem:s28+$0x10]  }
0x208: {  	v62 =	vld [tilespmem:s28+$0xFFFFFF80]  }
0x209: {  	v22 =	vld [tilespmem:s28+$0x90]  }
0x20a: {  	v63 =	vld [tilespmem:s28+$0x0]  }
0x20b: {  	v40 =	vld [tilespmem:s28+$0x110]  }
0x20c: {  	v41 =	vld [tilespmem:s28+$0x80]  }
0x20d: {  	v42 =	vld [tilespmem:s28+$0x190]  }
0x20e: {  	v43 =	vld [tilespmem:s28+$0x100]  }
0x20f: {  	v44 =	vld [tilespmem:s28+$0x210]  }
0x210: {  	v45 =	vld [tilespmem:s28+$0x180]  }
0x211: {  	v46 =	vld [tilespmem:s28+$0x290]  }
0x212: {  	v47 =	vld [tilespmem:s28+$0x200]  }
0x213: {  	v48 =	vld [tilespmem:s28+$0x310]  }
0x214: {  	v49 =	vld [tilespmem:s28+$0x280]  }
0x215: {  	v50 =	vld [tilespmem:s28+$0x390]  }
0x216: {  	v51 =	vld [tilespmem:s28+$0x300]  }
0x217: {  	s29 =	simm.s32 $0x8B0;
	v52 =	vld [tilespmem:s28+$0x380];
	v1 =	vadd.f32 v2, v1  }
0x218: {  	s21 =	simm.s32 $0xAB0;
	v2 =	vadd.f32 v3, v5;
	v3 =	vld [tilespmem:s29+$0x0]  }
0x219: {  	v5 =	vld [tilespmem:s21+$0x0];
	v1 =	vadd.f32 v4, v1  }
0x21a: {  	s22 =	simm.s32 $0x11020;
	v2 =	vadd.f32 v7, v2;
	v4 =	vld [tilespmem:s21+$0xFFFFFFF0]  }
0x21b: {  	v7 =	vld [tilespmem:s22+$0xFFFFFC10];
	v1 =	vadd.f32 v6, v1  }
0x21c: {  	v2 =	vadd.f32 v9, v2;
	v6 =	vld [tilespmem:s29+$0xFFFFFFF0]  }
0x21d: {  	v53 =	vld [tilespmem:s22+$0xFFFFFC90];
	v1 =	vadd.f32 v8, v1  }
0x21e: {  	v3 =	vadd.f32 v5, v3;
	v2 =	vadd.f32 v54, v2;
	v8 =	vld [tilespmem:s22+$0xFFFFFC00]  }
0x21f: {  	v5 =	vld [tilespmem:s22+$0xFFFFFD10];
	v1 =	vadd.f32 v10, v1  }
0x220: {  	v54 =	vld [tilespmem:s22+$0xFFFFFC80];
	v3 =	vadd.f32 v7, v3;
	v2 =	vadd.f32 v55, v2  }
0x221: {  	v4 =	vadd.f32 v4, v6;
	v6 =	vld [tilespmem:s22+$0xFFFFFD90];
	v1 =	vadd.f32 v12, v1  }
0x222: {  	v7 =	vld [tilespmem:s22+$0xFFFFFD00];
	v3 =	vadd.f32 v53, v3;
	v2 =	vadd.f32 v57, v2  }
0x223: {  	v4 =	vadd.f32 v8, v4;
	v8 =	vld [tilespmem:s22+$0xFFFFFE10];
	v1 =	vadd.f32 v56, v1  }
0x224: {  	v55 =	vld [tilespmem:s22+$0xFFFFFD80];
	v3 =	vadd.f32 v5, v3;
	v2 =	vadd.f32 v58, v2  }
0x225: {  	v5 =	vld [tilespmem:s22+$0xFFFFFE90];
	v4 =	vadd.f32 v54, v4;
	v1 =	vadd.f32 v16, v1  }
0x226: {  	v56 =	vld [tilespmem:s22+$0xFFFFFE00];
	v2 =	vadd.f32 v60, v2;
	v3 =	vadd.f32 v6, v3  }
0x227: {  	v6 =	vld [tilespmem:s22+$0xFFFFFF10];
	v4 =	vadd.f32 v7, v4;
	v1 =	vadd.f32 v59, v1  }
0x228: {  	v7 =	vld [tilespmem:s22+$0xFFFFFE80];
	v2 =	vadd.f32 v62, v2;
	v3 =	vadd.f32 v8, v3  }
0x229: {  	v8 =	vld [tilespmem:s22+$0xFFFFFF90];
	v4 =	vadd.f32 v55, v4;
	v1 =	vadd.f32 v61, v1  }
0x22a: {  	v57 =	vld [tilespmem:s22+$0xFFFFFF00];
	v2 =	vadd.f32 v63, v2;
	v3 =	vadd.f32 v5, v3  }
0x22b: {  	v5 =	vld [tilespmem:s22+$0x10];
	v4 =	vadd.f32 v56, v4;
	v1 =	vadd.f32 v22, v1  }
0x22c: {  	v58 =	vld [tilespmem:s22+$0xFFFFFF80];
	v2 =	vadd.f32 v41, v2;
	v3 =	vadd.f32 v6, v3  }
0x22d: {  	v6 =	vld [tilespmem:s22+$0x90];
	v4 =	vadd.f32 v7, v4;
	v1 =	vadd.f32 v40, v1  }
0x22e: {  	v7 =	vld [tilespmem:s22+$0x0];
	v2 =	vadd.f32 v43, v2;
	v3 =	vadd.f32 v8, v3  }
0x22f: {  	v8 =	vld [tilespmem:s22+$0x110];
	v4 =	vadd.f32 v57, v4;
	v1 =	vadd.f32 v42, v1  }
0x230: {  	v59 =	vld [tilespmem:s22+$0x80];
	v2 =	vadd.f32 v45, v2;
	v3 =	vadd.f32 v5, v3  }
0x231: {  	v5 =	vld [tilespmem:s22+$0x190];
	v4 =	vadd.f32 v58, v4;
	v1 =	vadd.f32 v44, v1  }
0x232: {  	v60 =	vld [tilespmem:s22+$0x100];
	v2 =	vadd.f32 v47, v2;
	v3 =	vadd.f32 v6, v3  }
0x233: {  	v6 =	vld [tilespmem:s22+$0x210];
	v4 =	vadd.f32 v7, v4;
	v1 =	vadd.f32 v46, v1  }
0x234: {  	v7 =	vld [tilespmem:s22+$0x180];
	v2 =	vadd.f32 v49, v2;
	v3 =	vadd.f32 v8, v3  }
0x235: {  	v8 =	vld [tilespmem:s22+$0x290];
	v4 =	vadd.f32 v59, v4;
	v61 =	vadd.f32 v48, v1  }
0x236: {  	v62 =	vld [tilespmem:s22+$0x200];
	v2 =	vadd.f32 v51, v2;
	v3 =	vadd.f32 v5, v3  }
0x237: {  	v1 =	vld [tilespmem:s22+$0x310];
	v4 =	vadd.f32 v60, v4;
	v5 =	vadd.f32 v50, v61  }
0x238: {  	v63 =	vadd.f32 v52, v2;
	v2 =	vld [tilespmem:s22+$0x280];
	v6 =	vadd.f32 v6, v3  }
0x239: {  	v3 =	vld [tilespmem:s22+$0x390];
	v4 =	vadd.f32 v7, v4  }
0x23a: {  	[tilespmem:s20+$0x0] =	vst v5;
	v5 =	vld [tilespmem:s22+$0x300];
	v7 =	vadd.f32 v8, v6  }
0x23b: {  	s23 =	simm.s32 $0x2;
	s24 =	simm.s32 $0x8D0;
	[tilespmem:s20+$0xFFFFFFF0] =	vst v63;
	v6 =	vadd.f32 v62, v4;
	v4 =	vld [tilespmem:s22+$0x380]  }
.LBB2_8:
0x23c: {  	v8 =	vld [tilespmem:s24+$0x0];
	v1 =	vadd.f32 v1, v7;
	s21 =	sadd.s32 $0x20, s21  }
0x23d: {  	s23 =	sadd.s32 $0x2, s23;
	v7 =	vld [tilespmem:s21+$0x0];
	v2 =	vadd.f32 v2, v6  }
0x23e: {  	s22 =	sadd.s32 $0x20, s22;
	p0 =	slt.u32 s23, $0x6;
	v6 =	vld [tilespmem:s21+$0xFFFFFFF0];
	v1 =	vadd.f32 v3, v1  }
0x23f: {  	s20 =	sadd.s32 $0x20, s20;
	v3 =	vld [tilespmem:s22+$0xFFFFFC10];
	v2 =	vadd.f32 v5, v2  }
0x240: {  	v5 =	vld [tilespmem:s24+$0xFFFFFFF0];
	[tilespmem:s20+$0x0] =	vst v1  }
0x241: {  	v1 =	vld [tilespmem:s22+$0xFFFFFC90];
	v2 =	vadd.f32 v4, v2  }
0x242: {  	v4 =	vld [tilespmem:s22+$0xFFFFFC00];
	v7 =	vadd.f32 v7, v8  }
0x243: {  	v8 =	vld [tilespmem:s22+$0xFFFFFD10];
	[tilespmem:s20+$0xFFFFFFF0] =	vst v2  }
0x244: {  	v2 =	vld [tilespmem:s22+$0xFFFFFC80];
	v3 =	vadd.f32 v3, v7  }
0x245: {  	v5 =	vadd.f32 v6, v5;
	v6 =	vld [tilespmem:s22+$0xFFFFFD90]  }
0x246: {  	v7 =	vld [tilespmem:s22+$0xFFFFFD00];
	v1 =	vadd.f32 v1, v3  }
0x247: {  	v3 =	vadd.f32 v4, v5;
	v4 =	vld [tilespmem:s22+$0xFFFFFE10]  }
0x248: {  	v5 =	vld [tilespmem:s22+$0xFFFFFD80];
	v1 =	vadd.f32 v8, v1  }
0x249: {  	v2 =	vadd.f32 v2, v3;
	v3 =	vld [tilespmem:s22+$0xFFFFFE90]  }
0x24a: {  	v8 =	vld [tilespmem:s22+$0xFFFFFE00];
	v1 =	vadd.f32 v6, v1  }
0x24b: {  	v2 =	vadd.f32 v7, v2;
	v6 =	vld [tilespmem:s22+$0xFFFFFF10]  }
0x24c: {  	v7 =	vld [tilespmem:s22+$0xFFFFFE80];
	v1 =	vadd.f32 v4, v1  }
0x24d: {  	v2 =	vadd.f32 v5, v2;
	v4 =	vld [tilespmem:s22+$0xFFFFFF90]  }
0x24e: {  	v5 =	vld [tilespmem:s22+$0xFFFFFF00];
	v1 =	vadd.f32 v3, v1  }
0x24f: {  	v2 =	vadd.f32 v8, v2;
	v3 =	vld [tilespmem:s22+$0x10]  }
0x250: {  	v8 =	vld [tilespmem:s22+$0xFFFFFF80];
	v1 =	vadd.f32 v6, v1  }
0x251: {  	v2 =	vadd.f32 v7, v2;
	v6 =	vld [tilespmem:s22+$0x90]  }
0x252: {  	v7 =	vld [tilespmem:s22+$0x0];
	v1 =	vadd.f32 v4, v1  }
0x253: {  	v2 =	vadd.f32 v5, v2;
	v4 =	vld [tilespmem:s22+$0x110]  }
0x254: {  	v5 =	vld [tilespmem:s22+$0x80];
	v1 =	vadd.f32 v3, v1  }
0x255: {  	v2 =	vadd.f32 v8, v2;
	v3 =	vld [tilespmem:s22+$0x190]  }
0x256: {  	v8 =	vld [tilespmem:s22+$0x100];
	v1 =	vadd.f32 v6, v1  }
0x257: {  	v2 =	vadd.f32 v7, v2;
	v6 =	vld [tilespmem:s22+$0x210]  }
0x258: {  	v7 =	vld [tilespmem:s22+$0x180];
	v1 =	vadd.f32 v4, v1  }
0x259: {  	v2 =	vadd.f32 v5, v2;
	v4 =	vld [tilespmem:s22+$0x290]  }
0x25a: {  	v9 =	vld [tilespmem:s22+$0x200];
	v3 =	vadd.f32 v3, v1  }
.Ltmp3:
0x25b: {  	v5 =	vadd.f32 v8, v2;
	v1 =	vld [tilespmem:s22+$0x310];
	(pc) =	sbr.rel @p0 .LBB2_8-.Ltmp3, $4  }
0x25c: {  	v2 =	vld [tilespmem:s22+$0x280];
	v6 =	vadd.f32 v6, v3  }
0x25d: {  	v8 =	vadd.f32 v7, v5;
	v3 =	vld [tilespmem:s22+$0x390]  }
0x25e: {  	v5 =	vld [tilespmem:s22+$0x300];
	v7 =	vadd.f32 v4, v6  }
0x25f: {  	s24 =	sadd.s32 $0x20, s24;
	v6 =	vadd.f32 v9, v8;
	v4 =	vld [tilespmem:s22+$0x380]  }
0x260: {  	_ = 	snop  }
0x261: {  	v2 =	vadd.f32 v2, v6  }
0x262: {  	v1 =	vadd.f32 v1, v7  }
0x263: {  	v2 =	vadd.f32 v5, v2  }
0x264: {  	v1 =	vadd.f32 v3, v1  }
0x265: {  	s20 =	sadd.s32 $0x20, s20;
	v2 =	vadd.f32 v4, v2  }
0x266: {  	[tilespmem:s20+$0x0] =	vst v1  }
0x267: {  	s25 =	simm.s32 $0x180;
	[tilespmem:s20+$0xFFFFFFF0] =	vst v2  }
0x268: {  	[tilespmem:s2], [sflag:$0x2] =	stream.indirect.gather [hbm4b:s0+s18], $0x80, s25, s18, $0xb8;
	[tilespmem:$0x11600] =	vst v63  }
0x269: {  	s29 =	simm.s32 $0x380  }
0x26a: {  	[tilespmem:s5], [sflag:$0x2] =	stream.indirect.gather [hbm4b:s1+s18], $0x80, s29, s18, $0xb8;
	[tilespmem:$0x11600] =	vst v63  }
0x26b: {  	_ =	swait.ge [sflag:s3], $0x4000  }
0x26c: {  	[sflag:s3] =	ssyncset.done $0x0  }
0x26d: {  	[sflag:s3] =	ssyncadd.s32 $0xFFFFC000  }
0x26e: {  	_ =	swait.ge [sflag:s3], $0x4000  }
0x26f: {  	[sflag:s3] =	ssyncset.done $0x0  }
0x270: {  	s21 =	simm.s32 $0xD00;
	[sflag:s3] =	ssyncadd.s32 $0xFFFFC000  }
0x271: {  	s22 =	simm.s32 $0x8D00;
	v4 =	vld [tilespmem:s21+$0x80]  }
0x272: {  	v5 =	vld [tilespmem:s22+$0x80]  }
0x273: {  	v6 =	vld [tilespmem:s21+$0x90]  }
0x274: {  	v7 =	vld [tilespmem:s22+$0x90]  }
0x275: {  	v8 =	vld [tilespmem:s21+$0xA0]  }
0x276: {  	v9 =	vld [tilespmem:s22+$0xA0]  }
0x277: {  	v10 =	vld [tilespmem:s21+$0xB0]  }
0x278: {  	v2 =	vld [tilespmem:s22+$0xB0]  }
0x279: {  	v11 =	vld [tilespmem:s21+$0xC0]  }
0x27a: {  	v3 =	vld [tilespmem:s22+$0xC0]  }
0x27b: {  	v12 =	vld [tilespmem:s21+$0xD0]  }
0x27c: {  	v14 =	vld [tilespmem:s22+$0xD0]  }
0x27d: {  	v13 =	vld [tilespmem:s21+$0xE0]  }
0x27e: {  	v15 =	vld [tilespmem:s22+$0xE0]  }
0x27f: {  	v16 =	vld [tilespmem:s21+$0xF0]  }
0x280: {  	s23 =	simm.s32 $0x0;
	s28 =	simm.s32 $0x4;
	v17 =	vld [tilespmem:s22+$0xF0]  }
.LBB2_10:
0x281: {  	p0 =	slt.u32 s28, $0x7C;
	v1 =	vld [tilespmem:s22+$0xFFFFFF00]  }
0x282: {  	v4 =	vmul.f32 v5, v4;
	v5 =	vmul.f32 v7, v6;
	v18 =	vld [tilespmem:s21+$0xFFFFFF10]  }
0x283: {  	v7 =	vmul.f32 v9, v8;
	v2 =	vmul.f32 v2, v10;
	v6 =	vld [tilespmem:s22+$0xFFFFFF10]  }
0x284: {  	v3 =	vmul.f32 v3, v11;
	v9 =	vmul.f32 v14, v12;
	v8 =	vld [tilespmem:s21+$0xFFFFFF20]  }
0x285: {  	v11 =	vmul.f32 v15, v13;
	v10 =	vld [tilespmem:s22+$0xFFFFFF20];
	v12 =	vmul.f32 v17, v16  }
0x286: {  	v4 =	vadd.f32 v5, v4;
	v5 =	vadd.f32 v2, v7;
	v13 =	vld [tilespmem:s21+$0xFFFFFF30]  }
0x287: {  	s20 =	sadd.s32 $0x3, s23;
	v3 =	vadd.f32 v9, v3;
	v7 =	vld [tilespmem:s22+$0xFFFFFF30];
	v9 =	vadd.f32 v12, v11  }
0x288: {  	v11 =	vor.u32 s20, v0;
	v2 =	vmul.f32 v6, v18;
	v6 =	vld [tilespmem:s21+$0xFFFFFF40]  }
0x289: {  	v4 =	vadd.f32 v5, v4;
	v12 =	vld [tilespmem:s22+$0xFFFFFF40];
	v3 =	vadd.f32 v9, v3  }
0x28a: {  	v5 =	vmul.f32 v10, v8;
	v8 =	vld [tilespmem:s21+$0xFFFFFF50]  }
0x28b: {  	v9 =	vld [tilespmem:s22+$0xFFFFFF50];
	v3 =	vadd.f32 v3, v4  }
0x28c: {  	s25 =	simm.s32 $0xB10;
	s24 =	simm.s32 $0x910;
	v4 =	vmul.f32 v7, v13;
	v7 =	vld [tilespmem:s21+$0xFFFFFF60]  }
0x28d: {  	s20 =	simm.s32 $0x11510;
	v10 =	vld [tilespmem:s22+$0xFFFFFF60];
	[tilespmem:v11+s4+$0x0] =	vst.idx.msk $0xffff, v3  }
0x28e: {  	v6 =	vmul.f32 v12, v6;
	v11 =	vld [tilespmem:s21+$0xFFFFFF70];
	v3 =	vadd.f32 v4, v5  }
0x28f: {  	v4 =	vld [tilespmem:s22+$0xFFFFFF70]  }
0x290: {  	v5 =	vmul.f32 v9, v8;
	v8 =	vld [tilespmem:s21+$0xFFFFFF80]  }
0x291: {  	v9 =	vld [tilespmem:s22+$0xFFFFFF80]  }
0x292: {  	v7 =	vmul.f32 v10, v7;
	v5 =	vadd.f32 v5, v6;
	v6 =	vld [tilespmem:s21+$0xFFFFFF90]  }
0x293: {  	v10 =	vld [tilespmem:s22+$0xFFFFFF90]  }
0x294: {  	v4 =	vmul.f32 v4, v11;
	v11 =	vld [tilespmem:s21+$0xFFFFFFA0]  }
0x295: {  	v12 =	vld [tilespmem:s22+$0xFFFFFFA0]  }
0x296: {  	v4 =	vadd.f32 v4, v7;
	v7 =	vmul.f32 v9, v8;
	v8 =	vld [tilespmem:s21+$0xFFFFFFB0]  }
0x297: {  	v9 =	vld [tilespmem:s22+$0xFFFFFFB0]  }
0x298: {  	v13 =	vadd.f32 v4, v5;
	v4 =	vmul.f32 v10, v6;
	v5 =	vld [tilespmem:s21+$0xFFFFFFC0]  }
0x299: {  	v6 =	vld [tilespmem:s22+$0xFFFFFFC0]  }
0x29a: {  	v10 =	vmul.f32 v12, v11;
	v11 =	vld [tilespmem:s21+$0xFFFFFFD0];
	v4 =	vadd.f32 v4, v7  }
0x29b: {  	v7 =	vld [tilespmem:s22+$0xFFFFFFD0]  }
0x29c: {  	v8 =	vmul.f32 v9, v8;
	v9 =	vld [tilespmem:s21+$0xFFFFFFE0]  }
0x29d: {  	v12 =	vld [tilespmem:s22+$0xFFFFFFE0]  }
0x29e: {  	v5 =	vmul.f32 v6, v5;
	v6 =	vld [tilespmem:s21+$0xFFFFFFF0];
	v8 =	vadd.f32 v8, v10  }
0x29f: {  	v10 =	vld [tilespmem:s22+$0xFFFFFFF0]  }
0x2a0: {  	v7 =	vmul.f32 v7, v11;
	v4 =	vadd.f32 v8, v4;
	v8 =	vld [tilespmem:s21+$0x0]  }
0x2a1: {  	v11 =	vld [tilespmem:s22+$0x0]  }
0x2a2: {  	s29 =	sadd.s32 $0x1, s23;
	v9 =	vmul.f32 v12, v9;
	v5 =	vadd.f32 v7, v5;
	v7 =	vld [tilespmem:s21+$0x10]  }
0x2a3: {  	v12 =	vmov s29;
	v14 =	vld [tilespmem:s22+$0x10]  }
0x2a4: {  	v6 =	vmul.f32 v10, v6;
	v10 =	vand.u32 $0x7D, v12;
	v12 =	vld [tilespmem:s21+$0x20]  }
0x2a5: {  	v10 =	vbroadcast v10, $0x0;
	v15 =	vld [tilespmem:s22+$0x20]  }
0x2a6: {  	v6 =	vadd.f32 v6, v9;
	v8 =	vmul.f32 v11, v8;
	v9 =	vld [tilespmem:s21+$0x30]  }
0x2a7: {  	v10 =	vor.u32 v0, v10;
	v11 =	vld [tilespmem:s22+$0x30]  }
0x2a8: {  	v5 =	vadd.f32 v6, v5;
	v6 =	vmul.f32 v14, v7;
	v7 =	vld [tilespmem:s21+$0x40]  }
0x2a9: {  	v14 =	vld [tilespmem:s22+$0x40]  }
0x2aa: {  	v4 =	vadd.f32 v5, v4;
	v5 =	vmul.f32 v15, v12;
	v12 =	vld [tilespmem:s21+$0x50];
	v6 =	vadd.f32 v6, v8  }
0x2ab: {  	v8 =	vld [tilespmem:s22+$0x50]  }
0x2ac: {  	[tilespmem:v10+s4+$0x0] =	vst.idx.msk $0xffff, v4;
	v4 =	vmul.f32 v11, v9;
	v9 =	vld [tilespmem:s21+$0x60]  }
0x2ad: {  	v10 =	vld [tilespmem:s22+$0x60]  }
0x2ae: {  	v7 =	vmul.f32 v14, v7;
	v11 =	vld [tilespmem:s21+$0x70];
	v4 =	vadd.f32 v4, v5  }
0x2af: {  	v14 =	vld [tilespmem:s22+$0x70]  }
0x2b0: {  	v15 =	vld [tilespmem:s21+$0xFFFFFF00];
	v8 =	vmul.f32 v8, v12;
	v12 =	vadd.f32 v4, v6;
	s21 =	sadd.s32 $0x200, s21  }
0x2b1: {  	s22 =	sadd.s32 $0x200, s22;
	v4 =	vld [tilespmem:s21+$0x80]  }
0x2b2: {  	s29 =	sadd.s32 $0x2, s23;
	v5 =	vld [tilespmem:s22+$0x80];
	v10 =	vmul.f32 v10, v9;
	v16 =	vadd.f32 v8, v7  }
0x2b3: {  	v8 =	vmov s29;
	v6 =	vld [tilespmem:s21+$0x90]  }
0x2b4: {  	v9 =	vmov s23;
	s23 =	smov.u32 s28;
	v7 =	vld [tilespmem:s22+$0x90];
	v11 =	vmul.f32 v14, v11;
	v14 =	vand.u32 $0x7E, v8  }
0x2b5: {  	v8 =	vld [tilespmem:s21+$0xA0];
	v1 =	vmul.f32 v1, v15;
	v15 =	vand.u32 $0x7C, v9;
	v14 =	vbroadcast v14, $0x0  }
0x2b6: {  	v9 =	vld [tilespmem:s22+$0xA0];
	v15 =	vbroadcast v15, $0x0;
	v11 =	vadd.f32 v11, v10  }
0x2b7: {  	v10 =	vld [tilespmem:s21+$0xB0];
	v1 =	vadd.f32 v2, v1;
	v17 =	vor.u32 v0, v14  }
0x2b8: {  	v2 =	vld [tilespmem:s22+$0xB0];
	v15 =	vor.u32 v0, v15;
	v14 =	vadd.f32 v11, v16  }
0x2b9: {  	v11 =	vld [tilespmem:s21+$0xC0];
	v1 =	vadd.f32 v3, v1  }
0x2ba: {  	v3 =	vld [tilespmem:s22+$0xC0];
	v16 =	vadd.f32 v14, v12  }
0x2bb: {  	v12 =	vld [tilespmem:s21+$0xD0];
	v1 =	vadd.f32 v13, v1  }
.Ltmp4:
0x2bc: {  	v14 =	vld [tilespmem:s22+$0xD0];
	[tilespmem:v17+s4+$0x0] =	vst.idx.msk $0xffff, v16;
	(pc) =	sbr.rel @p0 .LBB2_10-.Ltmp4, $4  }
0x2bd: {  	v13 =	vld [tilespmem:s21+$0xE0];
	[tilespmem:v15+s4+$0x0] =	vst.idx.msk $0xffff, v1  }
0x2be: {  	v15 =	vld [tilespmem:s22+$0xE0]  }
0x2bf: {  	v16 =	vld [tilespmem:s21+$0xF0]  }
0x2c0: {  	s28 =	sadd.s32 $0x4, s28;
	v17 =	vld [tilespmem:s22+$0xF0]  }
0x2c1: {  	v1 =	vld [tilespmem:s22+$0xFFFFFF00]  }
0x2c2: {  	v18 =	vld [tilespmem:s21+$0xFFFFFF10]  }
0x2c3: {  	v19 =	vld [tilespmem:s22+$0xFFFFFF10]  }
0x2c4: {  	v20 =	vld [tilespmem:s21+$0xFFFFFF20]  }
0x2c5: {  	v21 =	vld [tilespmem:s22+$0xFFFFFF20]  }
0x2c6: {  	v22 =	vld [tilespmem:s21+$0xFFFFFF30]  }
0x2c7: {  	v23 =	vld [tilespmem:s22+$0xFFFFFF30]  }
0x2c8: {  	v24 =	vld [tilespmem:s21+$0xFFFFFF40]  }
0x2c9: {  	v25 =	vld [tilespmem:s22+$0xFFFFFF40]  }
0x2ca: {  	v26 =	vld [tilespmem:s21+$0xFFFFFF50]  }
0x2cb: {  	v27 =	vld [tilespmem:s22+$0xFFFFFF50]  }
0x2cc: {  	v28 =	vld [tilespmem:s21+$0xFFFFFF60]  }
0x2cd: {  	v29 =	vld [tilespmem:s22+$0xFFFFFF60]  }
0x2ce: {  	v30 =	vld [tilespmem:s21+$0xFFFFFF70]  }
0x2cf: {  	v31 =	vld [tilespmem:s22+$0xFFFFFF70]  }
0x2d0: {  	v32 =	vld [tilespmem:s21+$0xFFFFFF80]  }
0x2d1: {  	v33 =	vld [tilespmem:s22+$0xFFFFFF80]  }
0x2d2: {  	v34 =	vld [tilespmem:s21+$0xFFFFFF90]  }
0x2d3: {  	v35 =	vld [tilespmem:s22+$0xFFFFFF90]  }
0x2d4: {  	v36 =	vld [tilespmem:s21+$0xFFFFFFA0]  }
0x2d5: {  	v37 =	vld [tilespmem:s22+$0xFFFFFFA0]  }
0x2d6: {  	v38 =	vld [tilespmem:s21+$0xFFFFFFB0]  }
0x2d7: {  	v39 =	vld [tilespmem:s22+$0xFFFFFFB0]  }
0x2d8: {  	v40 =	vld [tilespmem:s21+$0xFFFFFFC0]  }
0x2d9: {  	v41 =	vld [tilespmem:s22+$0xFFFFFFC0]  }
0x2da: {  	v42 =	vld [tilespmem:s21+$0xFFFFFFD0]  }
0x2db: {  	v43 =	vld [tilespmem:s22+$0xFFFFFFD0]  }
0x2dc: {  	v44 =	vld [tilespmem:s21+$0xFFFFFFE0]  }
0x2dd: {  	v45 =	vld [tilespmem:s22+$0xFFFFFFE0]  }
0x2de: {  	v46 =	vld [tilespmem:s21+$0xFFFFFFF0]  }
0x2df: {  	v47 =	vld [tilespmem:s22+$0xFFFFFFF0]  }
0x2e0: {  	v4 =	vmul.f32 v5, v4;
	v5 =	vmul.f32 v7, v6;
	v6 =	vld [tilespmem:s21+$0x0]  }
0x2e1: {  	v7 =	vmul.f32 v9, v8;
	v8 =	vld [tilespmem:s22+$0x0]  }
0x2e2: {  	v2 =	vmul.f32 v2, v10;
	v10 =	vld [tilespmem:s21+$0x10]  }
0x2e3: {  	v48 =	vld [tilespmem:s22+$0x20]  }
0x2e4: {  	v3 =	vmul.f32 v3, v11;
	v62 =	vmul.f32 v14, v12;
	v50 =	vld [tilespmem:s21+$0x30]  }
0x2e5: {  	v52 =	vld [tilespmem:s22+$0x30];
	v63 =	vmul.f32 v15, v13;
	v4 =	vadd.f32 v5, v4;
	v2 =	vadd.f32 v2, v7  }
0x2e6: {  	v59 =	vld [tilespmem:s21+$0x50];
	v17 =	vmul.f32 v17, v16;
	v9 =	vmul.f32 v19, v18  }
0x2e7: {  	v13 =	vld [tilespmem:s22+$0x10];
	v2 =	vadd.f32 v2, v4;
	v4 =	vmul.f32 v21, v20;
	v49 =	vmul.f32 v23, v22  }
0x2e8: {  	v5 =	vld [tilespmem:s21+$0x20];
	v51 =	vmul.f32 v27, v26;
	v53 =	vmul.f32 v29, v28  }
0x2e9: {  	v3 =	vadd.f32 v62, v3;
	v62 =	vld [tilespmem:s22+$0x50];
	v54 =	vmul.f32 v31, v30;
	v56 =	vmul.f32 v35, v34  }
0x2ea: {  	v55 =	vld [tilespmem:s21+$0x40];
	s28 =	sadd.s32 $0x3, s23;
	v61 =	vmul.f32 v37, v36;
	v35 =	vmul.f32 v43, v42  }
0x2eb: {  	v57 =	vld [tilespmem:s22+$0x40];
	v58 =	vor.u32 s28, v0;
	v36 =	vmul.f32 v45, v44;
	v6 =	vmul.f32 v8, v6  }
0x2ec: {  	v34 =	vld [tilespmem:s21+$0x60];
	v7 =	vadd.f32 v17, v63;
	v63 =	vmul.f32 v39, v38;
	v38 =	vmul.f32 v47, v46  }
0x2ed: {  	v37 =	vld [tilespmem:s22+$0x60];
	v4 =	vadd.f32 v49, v4;
	v60 =	vadd.f32 v54, v53;
	v8 =	vmul.f32 v13, v10  }
0x2ee: {  	v42 =	vld [tilespmem:s21+$0xFFFFFF00];
	v5 =	vmul.f32 v48, v5;
	v46 =	vmul.f32 v62, v59;
	v49 =	vmov s23  }
0x2ef: {  	v3 =	vadd.f32 v7, v3;
	v7 =	vmul.f32 v25, v24;
	v17 =	vadd.f32 v63, v61  }
0x2f0: {  	v44 =	vadd.f32 v38, v36;
	v6 =	vadd.f32 v8, v6;
	v8 =	vmul.f32 v57, v55  }
0x2f1: {  	s29 =	sadd.s32 $0x1, s23;
	v39 =	vld [tilespmem:s21+$0x70];
	v2 =	vadd.f32 v3, v2;
	v3 =	vmul.f32 v33, v32;
	v7 =	vadd.f32 v51, v7  }
0x2f2: {  	v32 =	vmul.f32 v41, v40;
	v33 =	vmov s29;
	v40 =	vld [tilespmem:s22+$0x70];
	v41 =	vmul.f32 v52, v50  }
0x2f3: {  	s22 =	sadd.s32 $0x2, s23;
	v47 =	vmul.f32 v37, v34;
	v1 =	vmul.f32 v1, v42;
	v50 =	vand.u32 $0x7C, v49  }
0x2f4: {  	v24 =	vand.u32 $0x7D, v33;
	v48 =	vmov s22;
	v8 =	vadd.f32 v46, v8  }
0x2f5: {  	v51 =	vbroadcast v50, $0x0;
	v3 =	vadd.f32 v56, v3;
	v43 =	vadd.f32 v35, v32  }
0x2f6: {  	v24 =	vbroadcast v24, $0x0;
	v5 =	vadd.f32 v41, v5;
	v1 =	vadd.f32 v9, v1  }
0x2f7: {  	v3 =	vadd.f32 v17, v3;
	v17 =	vand.u32 $0x7E, v48;
	v10 =	vmul.f32 v40, v39  }
0x2f8: {  	v45 =	vor.u32 v0, v24;
	v52 =	vadd.f32 v44, v43;
	v17 =	vbroadcast v17, $0x0  }
0x2f9: {  	v5 =	vadd.f32 v5, v6;
	v6 =	vor.u32 v0, v51;
	v10 =	vadd.f32 v10, v47  }
0x2fa: {  	v7 =	vadd.f32 v60, v7;
	v1 =	vadd.f32 v4, v1;
	v53 =	vor.u32 v0, v17  }
0x2fb: {  	v3 =	vadd.f32 v52, v3;
	v8 =	vadd.f32 v10, v8  }
0x2fc: {  	[tilespmem:v58+s4+$0x0] =	vst.idx.msk $0xffff, v2;
	v1 =	vadd.f32 v7, v1  }
0x2fd: {  	[tilespmem:v45+s4+$0x0] =	vst.idx.msk $0xffff, v3;
	v2 =	vadd.f32 v8, v5  }
0x2fe: {  	[tilespmem:v6+s4+$0x0] =	vst.idx.msk $0xffff, v1  }
0x2ff: {  	[tilespmem:v53+s4+$0x0] =	vst.idx.msk $0xffff, v2  }
0x300: {  	v1 =	vld [tilespmem:s24+$0x0]  }
0x301: {  	v2 =	vld [tilespmem:s25+$0x0]  }
0x302: {  	s28 =	simm.s32 $0x11000;
	v3 =	vld [tilespmem:s25+$0xFFFFFFF0]  }
0x303: {  	v4 =	vld [tilespmem:s28+$0xFFFFFC10]  }
0x304: {  	v5 =	vld [tilespmem:s24+$0xFFFFFFF0]  }
0x305: {  	v6 =	vld [tilespmem:s28+$0xFFFFFC90]  }
0x306: {  	v7 =	vld [tilespmem:s28+$0xFFFFFC00]  }
0x307: {  	v8 =	vld [tilespmem:s28+$0xFFFFFD10]  }
0x308: {  	v9 =	vld [tilespmem:s28+$0xFFFFFC80]  }
0x309: {  	v10 =	vld [tilespmem:s28+$0xFFFFFD90]  }
0x30a: {  	v54 =	vld [tilespmem:s28+$0xFFFFFD00]  }
0x30b: {  	v12 =	vld [tilespmem:s28+$0xFFFFFE10]  }
0x30c: {  	v55 =	vld [tilespmem:s28+$0xFFFFFD80]  }
0x30d: {  	v56 =	vld [tilespmem:s28+$0xFFFFFE90]  }
0x30e: {  	v57 =	vld [tilespmem:s28+$0xFFFFFE00]  }
0x30f: {  	v16 =	vld [tilespmem:s28+$0xFFFFFF10]  }
0x310: {  	v58 =	vld [tilespmem:s28+$0xFFFFFE80]  }
0x311: {  	v59 =	vld [tilespmem:s28+$0xFFFFFF90]  }
0x312: {  	v60 =	vld [tilespmem:s28+$0xFFFFFF00]  }
0x313: {  	v61 =	vld [tilespmem:s28+$0x10]  }
0x314: {  	v62 =	vld [tilespmem:s28+$0xFFFFFF80]  }
0x315: {  	v22 =	vld [tilespmem:s28+$0x90]  }
0x316: {  	v63 =	vld [tilespmem:s28+$0x0]  }
0x317: {  	v40 =	vld [tilespmem:s28+$0x110]  }
0x318: {  	v41 =	vld [tilespmem:s28+$0x80]  }
0x319: {  	v42 =	vld [tilespmem:s28+$0x190]  }
0x31a: {  	v43 =	vld [tilespmem:s28+$0x100]  }
0x31b: {  	v44 =	vld [tilespmem:s28+$0x210]  }
0x31c: {  	v45 =	vld [tilespmem:s28+$0x180]  }
0x31d: {  	v46 =	vld [tilespmem:s28+$0x290]  }
0x31e: {  	v47 =	vld [tilespmem:s28+$0x200]  }
0x31f: {  	v48 =	vld [tilespmem:s28+$0x310]  }
0x320: {  	v49 =	vld [tilespmem:s28+$0x280]  }
0x321: {  	v50 =	vld [tilespmem:s28+$0x390]  }
0x322: {  	v51 =	vld [tilespmem:s28+$0x300]  }
0x323: {  	s29 =	simm.s32 $0x930;
	v52 =	vld [tilespmem:s28+$0x380];
	v1 =	vadd.f32 v2, v1  }
0x324: {  	s21 =	simm.s32 $0xB30;
	v2 =	vadd.f32 v3, v5;
	v3 =	vld [tilespmem:s29+$0x0]  }
0x325: {  	v5 =	vld [tilespmem:s21+$0x0];
	v1 =	vadd.f32 v4, v1  }
0x326: {  	s22 =	simm.s32 $0x11020;
	v2 =	vadd.f32 v7, v2;
	v4 =	vld [tilespmem:s21+$0xFFFFFFF0]  }
0x327: {  	v7 =	vld [tilespmem:s22+$0xFFFFFC10];
	v1 =	vadd.f32 v6, v1  }
0x328: {  	v2 =	vadd.f32 v9, v2;
	v6 =	vld [tilespmem:s29+$0xFFFFFFF0]  }
0x329: {  	v53 =	vld [tilespmem:s22+$0xFFFFFC90];
	v1 =	vadd.f32 v8, v1  }
0x32a: {  	v3 =	vadd.f32 v5, v3;
	v2 =	vadd.f32 v54, v2;
	v8 =	vld [tilespmem:s22+$0xFFFFFC00]  }
0x32b: {  	v5 =	vld [tilespmem:s22+$0xFFFFFD10];
	v1 =	vadd.f32 v10, v1  }
0x32c: {  	v54 =	vld [tilespmem:s22+$0xFFFFFC80];
	v3 =	vadd.f32 v7, v3;
	v2 =	vadd.f32 v55, v2  }
0x32d: {  	v4 =	vadd.f32 v4, v6;
	v6 =	vld [tilespmem:s22+$0xFFFFFD90];
	v1 =	vadd.f32 v12, v1  }
0x32e: {  	v7 =	vld [tilespmem:s22+$0xFFFFFD00];
	v3 =	vadd.f32 v53, v3;
	v2 =	vadd.f32 v57, v2  }
0x32f: {  	v4 =	vadd.f32 v8, v4;
	v8 =	vld [tilespmem:s22+$0xFFFFFE10];
	v1 =	vadd.f32 v56, v1  }
0x330: {  	v55 =	vld [tilespmem:s22+$0xFFFFFD80];
	v3 =	vadd.f32 v5, v3;
	v2 =	vadd.f32 v58, v2  }
0x331: {  	v5 =	vld [tilespmem:s22+$0xFFFFFE90];
	v4 =	vadd.f32 v54, v4;
	v1 =	vadd.f32 v16, v1  }
0x332: {  	v56 =	vld [tilespmem:s22+$0xFFFFFE00];
	v2 =	vadd.f32 v60, v2;
	v3 =	vadd.f32 v6, v3  }
0x333: {  	v6 =	vld [tilespmem:s22+$0xFFFFFF10];
	v4 =	vadd.f32 v7, v4;
	v1 =	vadd.f32 v59, v1  }
0x334: {  	v7 =	vld [tilespmem:s22+$0xFFFFFE80];
	v2 =	vadd.f32 v62, v2;
	v3 =	vadd.f32 v8, v3  }
0x335: {  	v8 =	vld [tilespmem:s22+$0xFFFFFF90];
	v4 =	vadd.f32 v55, v4;
	v1 =	vadd.f32 v61, v1  }
0x336: {  	v57 =	vld [tilespmem:s22+$0xFFFFFF00];
	v2 =	vadd.f32 v63, v2;
	v3 =	vadd.f32 v5, v3  }
0x337: {  	v5 =	vld [tilespmem:s22+$0x10];
	v4 =	vadd.f32 v56, v4;
	v1 =	vadd.f32 v22, v1  }
0x338: {  	v58 =	vld [tilespmem:s22+$0xFFFFFF80];
	v2 =	vadd.f32 v41, v2;
	v3 =	vadd.f32 v6, v3  }
0x339: {  	v6 =	vld [tilespmem:s22+$0x90];
	v4 =	vadd.f32 v7, v4;
	v1 =	vadd.f32 v40, v1  }
0x33a: {  	v7 =	vld [tilespmem:s22+$0x0];
	v2 =	vadd.f32 v43, v2;
	v3 =	vadd.f32 v8, v3  }
0x33b: {  	v8 =	vld [tilespmem:s22+$0x110];
	v4 =	vadd.f32 v57, v4;
	v1 =	vadd.f32 v42, v1  }
0x33c: {  	v59 =	vld [tilespmem:s22+$0x80];
	v2 =	vadd.f32 v45, v2;
	v3 =	vadd.f32 v5, v3  }
0x33d: {  	v5 =	vld [tilespmem:s22+$0x190];
	v4 =	vadd.f32 v58, v4;
	v1 =	vadd.f32 v44, v1  }
0x33e: {  	v60 =	vld [tilespmem:s22+$0x100];
	v2 =	vadd.f32 v47, v2;
	v3 =	vadd.f32 v6, v3  }
0x33f: {  	v6 =	vld [tilespmem:s22+$0x210];
	v4 =	vadd.f32 v7, v4;
	v1 =	vadd.f32 v46, v1  }
0x340: {  	v7 =	vld [tilespmem:s22+$0x180];
	v2 =	vadd.f32 v49, v2;
	v3 =	vadd.f32 v8, v3  }
0x341: {  	v8 =	vld [tilespmem:s22+$0x290];
	v4 =	vadd.f32 v59, v4;
	v61 =	vadd.f32 v48, v1  }
0x342: {  	v62 =	vld [tilespmem:s22+$0x200];
	v2 =	vadd.f32 v51, v2;
	v3 =	vadd.f32 v5, v3  }
0x343: {  	v1 =	vld [tilespmem:s22+$0x310];
	v4 =	vadd.f32 v60, v4;
	v5 =	vadd.f32 v50, v61  }
0x344: {  	v63 =	vadd.f32 v52, v2;
	v2 =	vld [tilespmem:s22+$0x280];
	v6 =	vadd.f32 v6, v3  }
0x345: {  	v3 =	vld [tilespmem:s22+$0x390];
	v4 =	vadd.f32 v7, v4  }
0x346: {  	[tilespmem:s20+$0x0] =	vst v5;
	v5 =	vld [tilespmem:s22+$0x300];
	v7 =	vadd.f32 v8, v6  }
0x347: {  	s23 =	simm.s32 $0x2;
	s24 =	simm.s32 $0x950;
	[tilespmem:s20+$0xFFFFFFF0] =	vst v63;
	v6 =	vadd.f32 v62, v4;
	v4 =	vld [tilespmem:s22+$0x380]  }
.LBB2_12:
0x348: {  	v8 =	vld [tilespmem:s24+$0x0];
	v1 =	vadd.f32 v1, v7;
	s21 =	sadd.s32 $0x20, s21  }
0x349: {  	s23 =	sadd.s32 $0x2, s23;
	v7 =	vld [tilespmem:s21+$0x0];
	v2 =	vadd.f32 v2, v6  }
0x34a: {  	s22 =	sadd.s32 $0x20, s22;
	p0 =	slt.u32 s23, $0x6;
	v6 =	vld [tilespmem:s21+$0xFFFFFFF0];
	v1 =	vadd.f32 v3, v1  }
0x34b: {  	s20 =	sadd.s32 $0x20, s20;
	v3 =	vld [tilespmem:s22+$0xFFFFFC10];
	v2 =	vadd.f32 v5, v2  }
0x34c: {  	v5 =	vld [tilespmem:s24+$0xFFFFFFF0];
	[tilespmem:s20+$0x0] =	vst v1  }
0x34d: {  	v1 =	vld [tilespmem:s22+$0xFFFFFC90];
	v2 =	vadd.f32 v4, v2  }
0x34e: {  	v4 =	vld [tilespmem:s22+$0xFFFFFC00];
	v7 =	vadd.f32 v7, v8  }
0x34f: {  	v8 =	vld [tilespmem:s22+$0xFFFFFD10];
	[tilespmem:s20+$0xFFFFFFF0] =	vst v2  }
0x350: {  	v2 =	vld [tilespmem:s22+$0xFFFFFC80];
	v3 =	vadd.f32 v3, v7  }
0x351: {  	v5 =	vadd.f32 v6, v5;
	v6 =	vld [tilespmem:s22+$0xFFFFFD90]  }
0x352: {  	v7 =	vld [tilespmem:s22+$0xFFFFFD00];
	v1 =	vadd.f32 v1, v3  }
0x353: {  	v3 =	vadd.f32 v4, v5;
	v4 =	vld [tilespmem:s22+$0xFFFFFE10]  }
0x354: {  	v5 =	vld [tilespmem:s22+$0xFFFFFD80];
	v1 =	vadd.f32 v8, v1  }
0x355: {  	v2 =	vadd.f32 v2, v3;
	v3 =	vld [tilespmem:s22+$0xFFFFFE90]  }
0x356: {  	v8 =	vld [tilespmem:s22+$0xFFFFFE00];
	v1 =	vadd.f32 v6, v1  }
0x357: {  	v2 =	vadd.f32 v7, v2;
	v6 =	vld [tilespmem:s22+$0xFFFFFF10]  }
0x358: {  	v7 =	vld [tilespmem:s22+$0xFFFFFE80];
	v1 =	vadd.f32 v4, v1  }
0x359: {  	v2 =	vadd.f32 v5, v2;
	v4 =	vld [tilespmem:s22+$0xFFFFFF90]  }
0x35a: {  	v5 =	vld [tilespmem:s22+$0xFFFFFF00];
	v1 =	vadd.f32 v3, v1  }
0x35b: {  	v2 =	vadd.f32 v8, v2;
	v3 =	vld [tilespmem:s22+$0x10]  }
0x35c: {  	v8 =	vld [tilespmem:s22+$0xFFFFFF80];
	v1 =	vadd.f32 v6, v1  }
0x35d: {  	v2 =	vadd.f32 v7, v2;
	v6 =	vld [tilespmem:s22+$0x90]  }
0x35e: {  	v7 =	vld [tilespmem:s22+$0x0];
	v1 =	vadd.f32 v4, v1  }
0x35f: {  	v2 =	vadd.f32 v5, v2;
	v4 =	vld [tilespmem:s22+$0x110]  }
0x360: {  	v5 =	vld [tilespmem:s22+$0x80];
	v1 =	vadd.f32 v3, v1  }
0x361: {  	v2 =	vadd.f32 v8, v2;
	v3 =	vld [tilespmem:s22+$0x190]  }
0x362: {  	v8 =	vld [tilespmem:s22+$0x100];
	v1 =	vadd.f32 v6, v1  }
0x363: {  	v2 =	vadd.f32 v7, v2;
	v6 =	vld [tilespmem:s22+$0x210]  }
0x364: {  	v7 =	vld [tilespmem:s22+$0x180];
	v1 =	vadd.f32 v4, v1  }
0x365: {  	v2 =	vadd.f32 v5, v2;
	v4 =	vld [tilespmem:s22+$0x290]  }
0x366: {  	v9 =	vld [tilespmem:s22+$0x200];
	v3 =	vadd.f32 v3, v1  }
.Ltmp5:
0x367: {  	v5 =	vadd.f32 v8, v2;
	v1 =	vld [tilespmem:s22+$0x310];
	(pc) =	sbr.rel @p0 .LBB2_12-.Ltmp5, $4  }
0x368: {  	v2 =	vld [tilespmem:s22+$0x280];
	v6 =	vadd.f32 v6, v3  }
0x369: {  	v8 =	vadd.f32 v7, v5;
	v3 =	vld [tilespmem:s22+$0x390]  }
0x36a: {  	v5 =	vld [tilespmem:s22+$0x300];
	v7 =	vadd.f32 v4, v6  }
0x36b: {  	s24 =	sadd.s32 $0x20, s24;
	v6 =	vadd.f32 v9, v8;
	v4 =	vld [tilespmem:s22+$0x380]  }
0x36c: {  	_ = 	snop  }
0x36d: {  	v2 =	vadd.f32 v2, v6  }
0x36e: {  	v1 =	vadd.f32 v1, v7  }
0x36f: {  	v2 =	vadd.f32 v5, v2  }
0x370: {  	v1 =	vadd.f32 v3, v1  }
0x371: {  	s20 =	sadd.s32 $0x20, s20;
	v2 =	vadd.f32 v4, v2  }
0x372: {  	[tilespmem:s20+$0x0] =	vst v1  }
0x373: {  	[tilespmem:s20+$0xFFFFFFF0] =	vst v2  }
0x374: {  	_ =	swait.ge [sflag:s30], $0x4000  }
0x375: {  	[sflag:s30] =	ssyncset.done $0x0  }
0x376: {  	[sflag:s30] =	ssyncadd.s32 $0xFFFFC000  }
0x377: {  	_ =	swait.ge [sflag:s30], $0x4000  }
0x378: {  	[sflag:s30] =	ssyncset.done $0x0  }
0x379: {  	s21 =	simm.s32 $0x4D00;
	[sflag:s30] =	ssyncadd.s32 $0xFFFFC000  }
0x37a: {  	s22 =	simm.s32 $0xCD00;
	v4 =	vld [tilespmem:s21+$0x80]  }
0x37b: {  	v5 =	vld [tilespmem:s22+$0x80]  }
0x37c: {  	v6 =	vld [tilespmem:s21+$0x90]  }
0x37d: {  	v7 =	vld [tilespmem:s22+$0x90]  }
0x37e: {  	v8 =	vld [tilespmem:s21+$0xA0]  }
0x37f: {  	v9 =	vld [tilespmem:s22+$0xA0]  }
0x380: {  	v10 =	vld [tilespmem:s21+$0xB0]  }
0x381: {  	v2 =	vld [tilespmem:s22+$0xB0]  }
0x382: {  	v11 =	vld [tilespmem:s21+$0xC0]  }
0x383: {  	v3 =	vld [tilespmem:s22+$0xC0]  }
0x384: {  	v12 =	vld [tilespmem:s21+$0xD0]  }
0x385: {  	v14 =	vld [tilespmem:s22+$0xD0]  }
0x386: {  	v13 =	vld [tilespmem:s21+$0xE0]  }
0x387: {  	v15 =	vld [tilespmem:s22+$0xE0]  }
0x388: {  	v16 =	vld [tilespmem:s21+$0xF0]  }
0x389: {  	s23 =	simm.s32 $0x0;
	s28 =	simm.s32 $0x4;
	v17 =	vld [tilespmem:s22+$0xF0]  }
.LBB2_14:
0x38a: {  	p0 =	slt.u32 s28, $0x7C;
	v1 =	vld [tilespmem:s22+$0xFFFFFF00]  }
0x38b: {  	v4 =	vmul.f32 v5, v4;
	v5 =	vmul.f32 v7, v6;
	v18 =	vld [tilespmem:s21+$0xFFFFFF10]  }
0x38c: {  	v7 =	vmul.f32 v9, v8;
	v2 =	vmul.f32 v2, v10;
	v6 =	vld [tilespmem:s22+$0xFFFFFF10]  }
0x38d: {  	v3 =	vmul.f32 v3, v11;
	v9 =	vmul.f32 v14, v12;
	v8 =	vld [tilespmem:s21+$0xFFFFFF20]  }
0x38e: {  	v11 =	vmul.f32 v15, v13;
	v10 =	vld [tilespmem:s22+$0xFFFFFF20];
	v12 =	vmul.f32 v17, v16  }
0x38f: {  	v4 =	vadd.f32 v5, v4;
	v5 =	vadd.f32 v2, v7;
	v13 =	vld [tilespmem:s21+$0xFFFFFF30]  }
0x390: {  	s20 =	sadd.s32 $0x3, s23;
	v3 =	vadd.f32 v9, v3;
	v7 =	vld [tilespmem:s22+$0xFFFFFF30];
	v9 =	vadd.f32 v12, v11  }
0x391: {  	v11 =	vor.u32 s20, v0;
	v2 =	vmul.f32 v6, v18;
	v6 =	vld [tilespmem:s21+$0xFFFFFF40]  }
0x392: {  	v4 =	vadd.f32 v5, v4;
	v12 =	vld [tilespmem:s22+$0xFFFFFF40];
	v3 =	vadd.f32 v9, v3  }
0x393: {  	v5 =	vmul.f32 v10, v8;
	v8 =	vld [tilespmem:s21+$0xFFFFFF50]  }
0x394: {  	v9 =	vld [tilespmem:s22+$0xFFFFFF50];
	v3 =	vadd.f32 v3, v4  }
0x395: {  	s25 =	simm.s32 $0xB90;
	s24 =	simm.s32 $0x990;
	v4 =	vmul.f32 v7, v13;
	v7 =	vld [tilespmem:s21+$0xFFFFFF60]  }
0x396: {  	s20 =	simm.s32 $0x11590;
	v10 =	vld [tilespmem:s22+$0xFFFFFF60];
	[tilespmem:v11+s4+$0x0] =	vst.idx.msk $0xffff, v3  }
0x397: {  	v6 =	vmul.f32 v12, v6;
	v11 =	vld [tilespmem:s21+$0xFFFFFF70];
	v3 =	vadd.f32 v4, v5  }
0x398: {  	v4 =	vld [tilespmem:s22+$0xFFFFFF70]  }
0x399: {  	v5 =	vmul.f32 v9, v8;
	v8 =	vld [tilespmem:s21+$0xFFFFFF80]  }
0x39a: {  	v9 =	vld [tilespmem:s22+$0xFFFFFF80]  }
0x39b: {  	v7 =	vmul.f32 v10, v7;
	v5 =	vadd.f32 v5, v6;
	v6 =	vld [tilespmem:s21+$0xFFFFFF90]  }
0x39c: {  	v10 =	vld [tilespmem:s22+$0xFFFFFF90]  }
0x39d: {  	v4 =	vmul.f32 v4, v11;
	v11 =	vld [tilespmem:s21+$0xFFFFFFA0]  }
0x39e: {  	v12 =	vld [tilespmem:s22+$0xFFFFFFA0]  }
0x39f: {  	v4 =	vadd.f32 v4, v7;
	v7 =	vmul.f32 v9, v8;
	v8 =	vld [tilespmem:s21+$0xFFFFFFB0]  }
0x3a0: {  	v9 =	vld [tilespmem:s22+$0xFFFFFFB0]  }
0x3a1: {  	v13 =	vadd.f32 v4, v5;
	v4 =	vmul.f32 v10, v6;
	v5 =	vld [tilespmem:s21+$0xFFFFFFC0]  }
0x3a2: {  	v6 =	vld [tilespmem:s22+$0xFFFFFFC0]  }
0x3a3: {  	v10 =	vmul.f32 v12, v11;
	v11 =	vld [tilespmem:s21+$0xFFFFFFD0];
	v4 =	vadd.f32 v4, v7  }
0x3a4: {  	v7 =	vld [tilespmem:s22+$0xFFFFFFD0]  }
0x3a5: {  	v8 =	vmul.f32 v9, v8;
	v9 =	vld [tilespmem:s21+$0xFFFFFFE0]  }
0x3a6: {  	v12 =	vld [tilespmem:s22+$0xFFFFFFE0]  }
0x3a7: {  	v5 =	vmul.f32 v6, v5;
	v6 =	vld [tilespmem:s21+$0xFFFFFFF0];
	v8 =	vadd.f32 v8, v10  }
0x3a8: {  	v10 =	vld [tilespmem:s22+$0xFFFFFFF0]  }
0x3a9: {  	v7 =	vmul.f32 v7, v11;
	v4 =	vadd.f32 v8, v4;
	v8 =	vld [tilespmem:s21+$0x0]  }
0x3aa: {  	v11 =	vld [tilespmem:s22+$0x0]  }
0x3ab: {  	s29 =	sadd.s32 $0x1, s23;
	v9 =	vmul.f32 v12, v9;
	v5 =	vadd.f32 v7, v5;
	v7 =	vld [tilespmem:s21+$0x10]  }
0x3ac: {  	v12 =	vmov s29;
	v14 =	vld [tilespmem:s22+$0x10]  }
0x3ad: {  	v6 =	vmul.f32 v10, v6;
	v10 =	vand.u32 $0x7D, v12;
	v12 =	vld [tilespmem:s21+$0x20]  }
0x3ae: {  	v10 =	vbroadcast v10, $0x0;
	v15 =	vld [tilespmem:s22+$0x20]  }
0x3af: {  	v6 =	vadd.f32 v6, v9;
	v8 =	vmul.f32 v11, v8;
	v9 =	vld [tilespmem:s21+$0x30]  }
0x3b0: {  	v10 =	vor.u32 v0, v10;
	v11 =	vld [tilespmem:s22+$0x30]  }
0x3b1: {  	v5 =	vadd.f32 v6, v5;
	v6 =	vmul.f32 v14, v7;
	v7 =	vld [tilespmem:s21+$0x40]  }
0x3b2: {  	v14 =	vld [tilespmem:s22+$0x40]  }
0x3b3: {  	v4 =	vadd.f32 v5, v4;
	v5 =	vmul.f32 v15, v12;
	v12 =	vld [tilespmem:s21+$0x50];
	v6 =	vadd.f32 v6, v8  }
0x3b4: {  	v8 =	vld [tilespmem:s22+$0x50]  }
0x3b5: {  	[tilespmem:v10+s4+$0x0] =	vst.idx.msk $0xffff, v4;
	v4 =	vmul.f32 v11, v9;
	v9 =	vld [tilespmem:s21+$0x60]  }
0x3b6: {  	v10 =	vld [tilespmem:s22+$0x60]  }
0x3b7: {  	v7 =	vmul.f32 v14, v7;
	v11 =	vld [tilespmem:s21+$0x70];
	v4 =	vadd.f32 v4, v5  }
0x3b8: {  	v14 =	vld [tilespmem:s22+$0x70]  }
0x3b9: {  	v15 =	vld [tilespmem:s21+$0xFFFFFF00];
	v8 =	vmul.f32 v8, v12;
	v12 =	vadd.f32 v4, v6;
	s21 =	sadd.s32 $0x200, s21  }
0x3ba: {  	s22 =	sadd.s32 $0x200, s22;
	v4 =	vld [tilespmem:s21+$0x80]  }
0x3bb: {  	s29 =	sadd.s32 $0x2, s23;
	v5 =	vld [tilespmem:s22+$0x80];
	v10 =	vmul.f32 v10, v9;
	v16 =	vadd.f32 v8, v7  }
0x3bc: {  	v8 =	vmov s29;
	v6 =	vld [tilespmem:s21+$0x90]  }
0x3bd: {  	v9 =	vmov s23;
	s23 =	smov.u32 s28;
	v7 =	vld [tilespmem:s22+$0x90];
	v11 =	vmul.f32 v14, v11;
	v14 =	vand.u32 $0x7E, v8  }
0x3be: {  	v8 =	vld [tilespmem:s21+$0xA0];
	v1 =	vmul.f32 v1, v15;
	v15 =	vand.u32 $0x7C, v9;
	v14 =	vbroadcast v14, $0x0  }
0x3bf: {  	v9 =	vld [tilespmem:s22+$0xA0];
	v15 =	vbroadcast v15, $0x0;
	v11 =	vadd.f32 v11, v10  }
0x3c0: {  	v10 =	vld [tilespmem:s21+$0xB0];
	v1 =	vadd.f32 v2, v1;
	v17 =	vor.u32 v0, v14  }
0x3c1: {  	v2 =	vld [tilespmem:s22+$0xB0];
	v15 =	vor.u32 v0, v15;
	v14 =	vadd.f32 v11, v16  }
0x3c2: {  	v11 =	vld [tilespmem:s21+$0xC0];
	v1 =	vadd.f32 v3, v1  }
0x3c3: {  	v3 =	vld [tilespmem:s22+$0xC0];
	v16 =	vadd.f32 v14, v12  }
0x3c4: {  	v12 =	vld [tilespmem:s21+$0xD0];
	v1 =	vadd.f32 v13, v1  }
.Ltmp6:
0x3c5: {  	v14 =	vld [tilespmem:s22+$0xD0];
	[tilespmem:v17+s4+$0x0] =	vst.idx.msk $0xffff, v16;
	(pc) =	sbr.rel @p0 .LBB2_14-.Ltmp6, $4  }
0x3c6: {  	v13 =	vld [tilespmem:s21+$0xE0];
	[tilespmem:v15+s4+$0x0] =	vst.idx.msk $0xffff, v1  }
0x3c7: {  	v15 =	vld [tilespmem:s22+$0xE0]  }
0x3c8: {  	v16 =	vld [tilespmem:s21+$0xF0]  }
0x3c9: {  	s28 =	sadd.s32 $0x4, s28;
	v17 =	vld [tilespmem:s22+$0xF0]  }
0x3ca: {  	v1 =	vld [tilespmem:s22+$0xFFFFFF00]  }
0x3cb: {  	v18 =	vld [tilespmem:s21+$0xFFFFFF10]  }
0x3cc: {  	v19 =	vld [tilespmem:s22+$0xFFFFFF10]  }
0x3cd: {  	v20 =	vld [tilespmem:s21+$0xFFFFFF20]  }
0x3ce: {  	v21 =	vld [tilespmem:s22+$0xFFFFFF20]  }
0x3cf: {  	v22 =	vld [tilespmem:s21+$0xFFFFFF30]  }
0x3d0: {  	v23 =	vld [tilespmem:s22+$0xFFFFFF30]  }
0x3d1: {  	v24 =	vld [tilespmem:s21+$0xFFFFFF40]  }
0x3d2: {  	v25 =	vld [tilespmem:s22+$0xFFFFFF40]  }
0x3d3: {  	v26 =	vld [tilespmem:s21+$0xFFFFFF50]  }
0x3d4: {  	v27 =	vld [tilespmem:s22+$0xFFFFFF50]  }
0x3d5: {  	v28 =	vld [tilespmem:s21+$0xFFFFFF60]  }
0x3d6: {  	v29 =	vld [tilespmem:s22+$0xFFFFFF60]  }
0x3d7: {  	v30 =	vld [tilespmem:s21+$0xFFFFFF70]  }
0x3d8: {  	v31 =	vld [tilespmem:s22+$0xFFFFFF70]  }
0x3d9: {  	v32 =	vld [tilespmem:s21+$0xFFFFFF80]  }
0x3da: {  	v33 =	vld [tilespmem:s22+$0xFFFFFF80]  }
0x3db: {  	v34 =	vld [tilespmem:s21+$0xFFFFFF90]  }
0x3dc: {  	v35 =	vld [tilespmem:s22+$0xFFFFFF90]  }
0x3dd: {  	v36 =	vld [tilespmem:s21+$0xFFFFFFA0]  }
0x3de: {  	v37 =	vld [tilespmem:s22+$0xFFFFFFA0]  }
0x3df: {  	v38 =	vld [tilespmem:s21+$0xFFFFFFB0]  }
0x3e0: {  	v39 =	vld [tilespmem:s22+$0xFFFFFFB0]  }
0x3e1: {  	v40 =	vld [tilespmem:s21+$0xFFFFFFC0]  }
0x3e2: {  	v41 =	vld [tilespmem:s22+$0xFFFFFFC0]  }
0x3e3: {  	v42 =	vld [tilespmem:s21+$0xFFFFFFD0]  }
0x3e4: {  	v43 =	vld [tilespmem:s22+$0xFFFFFFD0]  }
0x3e5: {  	v44 =	vld [tilespmem:s21+$0xFFFFFFE0]  }
0x3e6: {  	v45 =	vld [tilespmem:s22+$0xFFFFFFE0]  }
0x3e7: {  	v46 =	vld [tilespmem:s21+$0xFFFFFFF0]  }
0x3e8: {  	v47 =	vld [tilespmem:s22+$0xFFFFFFF0]  }
0x3e9: {  	v4 =	vmul.f32 v5, v4;
	v5 =	vmul.f32 v7, v6;
	v6 =	vld [tilespmem:s21+$0x0]  }
0x3ea: {  	v7 =	vmul.f32 v9, v8;
	v8 =	vld [tilespmem:s22+$0x0]  }
0x3eb: {  	v2 =	vmul.f32 v2, v10;
	v10 =	vld [tilespmem:s21+$0x10]  }
0x3ec: {  	v48 =	vld [tilespmem:s22+$0x20]  }
0x3ed: {  	v3 =	vmul.f32 v3, v11;
	v62 =	vmul.f32 v14, v12;
	v50 =	vld [tilespmem:s21+$0x30]  }
0x3ee: {  	v52 =	vld [tilespmem:s22+$0x30];
	v63 =	vmul.f32 v15, v13;
	v4 =	vadd.f32 v5, v4;
	v2 =	vadd.f32 v2, v7  }
0x3ef: {  	v59 =	vld [tilespmem:s21+$0x50];
	v17 =	vmul.f32 v17, v16;
	v9 =	vmul.f32 v19, v18  }
0x3f0: {  	v13 =	vld [tilespmem:s22+$0x10];
	v2 =	vadd.f32 v2, v4;
	v4 =	vmul.f32 v21, v20;
	v49 =	vmul.f32 v23, v22  }
0x3f1: {  	v5 =	vld [tilespmem:s21+$0x20];
	v51 =	vmul.f32 v27, v26;
	v53 =	vmul.f32 v29, v28  }
0x3f2: {  	v3 =	vadd.f32 v62, v3;
	v62 =	vld [tilespmem:s22+$0x50];
	v54 =	vmul.f32 v31, v30;
	v56 =	vmul.f32 v35, v34  }
0x3f3: {  	v55 =	vld [tilespmem:s21+$0x40];
	s28 =	sadd.s32 $0x3, s23;
	v61 =	vmul.f32 v37, v36;
	v35 =	vmul.f32 v43, v42  }
0x3f4: {  	v57 =	vld [tilespmem:s22+$0x40];
	v58 =	vor.u32 s28, v0;
	v36 =	vmul.f32 v45, v44;
	v6 =	vmul.f32 v8, v6  }
0x3f5: {  	v34 =	vld [tilespmem:s21+$0x60];
	v7 =	vadd.f32 v17, v63;
	v63 =	vmul.f32 v39, v38;
	v38 =	vmul.f32 v47, v46  }
0x3f6: {  	v37 =	vld [tilespmem:s22+$0x60];
	v4 =	vadd.f32 v49, v4;
	v60 =	vadd.f32 v54, v53;
	v8 =	vmul.f32 v13, v10  }
0x3f7: {  	v42 =	vld [tilespmem:s21+$0xFFFFFF00];
	v5 =	vmul.f32 v48, v5;
	v46 =	vmul.f32 v62, v59;
	v49 =	vmov s23  }
0x3f8: {  	v3 =	vadd.f32 v7, v3;
	v7 =	vmul.f32 v25, v24;
	v17 =	vadd.f32 v63, v61  }
0x3f9: {  	v44 =	vadd.f32 v38, v36;
	v6 =	vadd.f32 v8, v6;
	v8 =	vmul.f32 v57, v55  }
0x3fa: {  	s29 =	sadd.s32 $0x1, s23;
	v39 =	vld [tilespmem:s21+$0x70];
	v2 =	vadd.f32 v3, v2;
	v3 =	vmul.f32 v33, v32;
	v7 =	vadd.f32 v51, v7  }
0x3fb: {  	v32 =	vmul.f32 v41, v40;
	v33 =	vmov s29;
	v40 =	vld [tilespmem:s22+$0x70];
	v41 =	vmul.f32 v52, v50  }
0x3fc: {  	s22 =	sadd.s32 $0x2, s23;
	v47 =	vmul.f32 v37, v34;
	v1 =	vmul.f32 v1, v42;
	v50 =	vand.u32 $0x7C, v49  }
0x3fd: {  	v24 =	vand.u32 $0x7D, v33;
	v48 =	vmov s22;
	v8 =	vadd.f32 v46, v8  }
0x3fe: {  	v51 =	vbroadcast v50, $0x0;
	v3 =	vadd.f32 v56, v3;
	v43 =	vadd.f32 v35, v32  }
0x3ff: {  	v24 =	vbroadcast v24, $0x0;
	v5 =	vadd.f32 v41, v5;
	v1 =	vadd.f32 v9, v1  }
0x400: {  	v3 =	vadd.f32 v17, v3;
	v17 =	vand.u32 $0x7E, v48;
	v10 =	vmul.f32 v40, v39  }
0x401: {  	v45 =	vor.u32 v0, v24;
	v52 =	vadd.f32 v44, v43;
	v17 =	vbroadcast v17, $0x0  }
0x402: {  	v5 =	vadd.f32 v5, v6;
	v6 =	vor.u32 v0, v51;
	v10 =	vadd.f32 v10, v47  }
0x403: {  	v7 =	vadd.f32 v60, v7;
	v1 =	vadd.f32 v4, v1;
	v53 =	vor.u32 v0, v17  }
0x404: {  	v3 =	vadd.f32 v52, v3;
	v8 =	vadd.f32 v10, v8  }
0x405: {  	[tilespmem:v58+s4+$0x0] =	vst.idx.msk $0xffff, v2;
	v1 =	vadd.f32 v7, v1  }
0x406: {  	[tilespmem:v45+s4+$0x0] =	vst.idx.msk $0xffff, v3;
	v2 =	vadd.f32 v8, v5  }
0x407: {  	[tilespmem:v6+s4+$0x0] =	vst.idx.msk $0xffff, v1  }
0x408: {  	[tilespmem:v53+s4+$0x0] =	vst.idx.msk $0xffff, v2  }
0x409: {  	v1 =	vld [tilespmem:s24+$0x0]  }
0x40a: {  	v2 =	vld [tilespmem:s25+$0x0]  }
0x40b: {  	s28 =	simm.s32 $0x11000;
	v3 =	vld [tilespmem:s25+$0xFFFFFFF0]  }
0x40c: {  	v4 =	vld [tilespmem:s28+$0xFFFFFC10]  }
0x40d: {  	v5 =	vld [tilespmem:s24+$0xFFFFFFF0]  }
0x40e: {  	v6 =	vld [tilespmem:s28+$0xFFFFFC90]  }
0x40f: {  	v7 =	vld [tilespmem:s28+$0xFFFFFC00]  }
0x410: {  	v8 =	vld [tilespmem:s28+$0xFFFFFD10]  }
0x411: {  	v9 =	vld [tilespmem:s28+$0xFFFFFC80]  }
0x412: {  	v10 =	vld [tilespmem:s28+$0xFFFFFD90]  }
0x413: {  	v54 =	vld [tilespmem:s28+$0xFFFFFD00]  }
0x414: {  	v12 =	vld [tilespmem:s28+$0xFFFFFE10]  }
0x415: {  	v55 =	vld [tilespmem:s28+$0xFFFFFD80]  }
0x416: {  	v56 =	vld [tilespmem:s28+$0xFFFFFE90]  }
0x417: {  	v57 =	vld [tilespmem:s28+$0xFFFFFE00]  }
0x418: {  	v16 =	vld [tilespmem:s28+$0xFFFFFF10]  }
0x419: {  	v58 =	vld [tilespmem:s28+$0xFFFFFE80]  }
0x41a: {  	v59 =	vld [tilespmem:s28+$0xFFFFFF90]  }
0x41b: {  	v60 =	vld [tilespmem:s28+$0xFFFFFF00]  }
0x41c: {  	v61 =	vld [tilespmem:s28+$0x10]  }
0x41d: {  	v62 =	vld [tilespmem:s28+$0xFFFFFF80]  }
0x41e: {  	v22 =	vld [tilespmem:s28+$0x90]  }
0x41f: {  	v63 =	vld [tilespmem:s28+$0x0]  }
0x420: {  	v40 =	vld [tilespmem:s28+$0x110]  }
0x421: {  	v41 =	vld [tilespmem:s28+$0x80]  }
0x422: {  	v42 =	vld [tilespmem:s28+$0x190]  }
0x423: {  	v43 =	vld [tilespmem:s28+$0x100]  }
0x424: {  	v44 =	vld [tilespmem:s28+$0x210]  }
0x425: {  	v45 =	vld [tilespmem:s28+$0x180]  }
0x426: {  	v46 =	vld [tilespmem:s28+$0x290]  }
0x427: {  	v47 =	vld [tilespmem:s28+$0x200]  }
0x428: {  	v48 =	vld [tilespmem:s28+$0x310]  }
0x429: {  	v49 =	vld [tilespmem:s28+$0x280]  }
0x42a: {  	v50 =	vld [tilespmem:s28+$0x390]  }
0x42b: {  	v51 =	vld [tilespmem:s28+$0x300]  }
0x42c: {  	s29 =	simm.s32 $0x9B0;
	v52 =	vld [tilespmem:s28+$0x380];
	v1 =	vadd.f32 v2, v1  }
0x42d: {  	s21 =	simm.s32 $0xBB0;
	v2 =	vadd.f32 v3, v5;
	v3 =	vld [tilespmem:s29+$0x0]  }
0x42e: {  	v5 =	vld [tilespmem:s21+$0x0];
	v1 =	vadd.f32 v4, v1  }
0x42f: {  	s22 =	simm.s32 $0x11020;
	v2 =	vadd.f32 v7, v2;
	v4 =	vld [tilespmem:s21+$0xFFFFFFF0]  }
0x430: {  	v7 =	vld [tilespmem:s22+$0xFFFFFC10];
	v1 =	vadd.f32 v6, v1  }
0x431: {  	v2 =	vadd.f32 v9, v2;
	v6 =	vld [tilespmem:s29+$0xFFFFFFF0]  }
0x432: {  	v53 =	vld [tilespmem:s22+$0xFFFFFC90];
	v1 =	vadd.f32 v8, v1  }
0x433: {  	v3 =	vadd.f32 v5, v3;
	v2 =	vadd.f32 v54, v2;
	v8 =	vld [tilespmem:s22+$0xFFFFFC00]  }
0x434: {  	v5 =	vld [tilespmem:s22+$0xFFFFFD10];
	v1 =	vadd.f32 v10, v1  }
0x435: {  	v54 =	vld [tilespmem:s22+$0xFFFFFC80];
	v3 =	vadd.f32 v7, v3;
	v2 =	vadd.f32 v55, v2  }
0x436: {  	v4 =	vadd.f32 v4, v6;
	v6 =	vld [tilespmem:s22+$0xFFFFFD90];
	v1 =	vadd.f32 v12, v1  }
0x437: {  	v7 =	vld [tilespmem:s22+$0xFFFFFD00];
	v3 =	vadd.f32 v53, v3;
	v2 =	vadd.f32 v57, v2  }
0x438: {  	v4 =	vadd.f32 v8, v4;
	v8 =	vld [tilespmem:s22+$0xFFFFFE10];
	v1 =	vadd.f32 v56, v1  }
0x439: {  	v55 =	vld [tilespmem:s22+$0xFFFFFD80];
	v3 =	vadd.f32 v5, v3;
	v2 =	vadd.f32 v58, v2  }
0x43a: {  	v5 =	vld [tilespmem:s22+$0xFFFFFE90];
	v4 =	vadd.f32 v54, v4;
	v1 =	vadd.f32 v16, v1  }
0x43b: {  	v56 =	vld [tilespmem:s22+$0xFFFFFE00];
	v2 =	vadd.f32 v60, v2;
	v3 =	vadd.f32 v6, v3  }
0x43c: {  	v6 =	vld [tilespmem:s22+$0xFFFFFF10];
	v4 =	vadd.f32 v7, v4;
	v1 =	vadd.f32 v59, v1  }
0x43d: {  	v7 =	vld [tilespmem:s22+$0xFFFFFE80];
	v2 =	vadd.f32 v62, v2;
	v3 =	vadd.f32 v8, v3  }
0x43e: {  	v8 =	vld [tilespmem:s22+$0xFFFFFF90];
	v4 =	vadd.f32 v55, v4;
	v1 =	vadd.f32 v61, v1  }
0x43f: {  	v57 =	vld [tilespmem:s22+$0xFFFFFF00];
	v2 =	vadd.f32 v63, v2;
	v3 =	vadd.f32 v5, v3  }
0x440: {  	v5 =	vld [tilespmem:s22+$0x10];
	v4 =	vadd.f32 v56, v4;
	v1 =	vadd.f32 v22, v1  }
0x441: {  	v58 =	vld [tilespmem:s22+$0xFFFFFF80];
	v2 =	vadd.f32 v41, v2;
	v3 =	vadd.f32 v6, v3  }
0x442: {  	v6 =	vld [tilespmem:s22+$0x90];
	v4 =	vadd.f32 v7, v4;
	v1 =	vadd.f32 v40, v1  }
0x443: {  	v7 =	vld [tilespmem:s22+$0x0];
	v2 =	vadd.f32 v43, v2;
	v3 =	vadd.f32 v8, v3  }
0x444: {  	v8 =	vld [tilespmem:s22+$0x110];
	v4 =	vadd.f32 v57, v4;
	v1 =	vadd.f32 v42, v1  }
0x445: {  	v59 =	vld [tilespmem:s22+$0x80];
	v2 =	vadd.f32 v45, v2;
	v3 =	vadd.f32 v5, v3  }
0x446: {  	v5 =	vld [tilespmem:s22+$0x190];
	v4 =	vadd.f32 v58, v4;
	v1 =	vadd.f32 v44, v1  }
0x447: {  	v60 =	vld [tilespmem:s22+$0x100];
	v2 =	vadd.f32 v47, v2;
	v3 =	vadd.f32 v6, v3  }
0x448: {  	v6 =	vld [tilespmem:s22+$0x210];
	v4 =	vadd.f32 v7, v4;
	v1 =	vadd.f32 v46, v1  }
0x449: {  	v7 =	vld [tilespmem:s22+$0x180];
	v2 =	vadd.f32 v49, v2;
	v3 =	vadd.f32 v8, v3  }
0x44a: {  	v8 =	vld [tilespmem:s22+$0x290];
	v4 =	vadd.f32 v59, v4;
	v61 =	vadd.f32 v48, v1  }
0x44b: {  	v62 =	vld [tilespmem:s22+$0x200];
	v2 =	vadd.f32 v51, v2;
	v3 =	vadd.f32 v5, v3  }
0x44c: {  	v1 =	vld [tilespmem:s22+$0x310];
	v4 =	vadd.f32 v60, v4;
	v5 =	vadd.f32 v50, v61  }
0x44d: {  	v63 =	vadd.f32 v52, v2;
	v2 =	vld [tilespmem:s22+$0x280];
	v6 =	vadd.f32 v6, v3  }
0x44e: {  	v3 =	vld [tilespmem:s22+$0x390];
	v4 =	vadd.f32 v7, v4  }
0x44f: {  	[tilespmem:s20+$0x0] =	vst v5;
	v5 =	vld [tilespmem:s22+$0x300];
	v7 =	vadd.f32 v8, v6  }
0x450: {  	s23 =	simm.s32 $0x2;
	s24 =	simm.s32 $0x9D0;
	[tilespmem:s20+$0xFFFFFFF0] =	vst v63;
	v6 =	vadd.f32 v62, v4;
	v4 =	vld [tilespmem:s22+$0x380]  }
.LBB2_16:
0x451: {  	v8 =	vld [tilespmem:s24+$0x0];
	v1 =	vadd.f32 v1, v7;
	s21 =	sadd.s32 $0x20, s21  }
0x452: {  	s23 =	sadd.s32 $0x2, s23;
	v7 =	vld [tilespmem:s21+$0x0];
	v2 =	vadd.f32 v2, v6  }
0x453: {  	s22 =	sadd.s32 $0x20, s22;
	p0 =	slt.u32 s23, $0x6;
	v6 =	vld [tilespmem:s21+$0xFFFFFFF0];
	v1 =	vadd.f32 v3, v1  }
0x454: {  	s20 =	sadd.s32 $0x20, s20;
	v3 =	vld [tilespmem:s22+$0xFFFFFC10];
	v2 =	vadd.f32 v5, v2  }
0x455: {  	v5 =	vld [tilespmem:s24+$0xFFFFFFF0];
	[tilespmem:s20+$0x0] =	vst v1  }
0x456: {  	v1 =	vld [tilespmem:s22+$0xFFFFFC90];
	v2 =	vadd.f32 v4, v2  }
0x457: {  	v4 =	vld [tilespmem:s22+$0xFFFFFC00];
	v7 =	vadd.f32 v7, v8  }
0x458: {  	v8 =	vld [tilespmem:s22+$0xFFFFFD10];
	[tilespmem:s20+$0xFFFFFFF0] =	vst v2  }
0x459: {  	v2 =	vld [tilespmem:s22+$0xFFFFFC80];
	v3 =	vadd.f32 v3, v7  }
0x45a: {  	v5 =	vadd.f32 v6, v5;
	v6 =	vld [tilespmem:s22+$0xFFFFFD90]  }
0x45b: {  	v7 =	vld [tilespmem:s22+$0xFFFFFD00];
	v1 =	vadd.f32 v1, v3  }
0x45c: {  	v3 =	vadd.f32 v4, v5;
	v4 =	vld [tilespmem:s22+$0xFFFFFE10]  }
0x45d: {  	v5 =	vld [tilespmem:s22+$0xFFFFFD80];
	v1 =	vadd.f32 v8, v1  }
0x45e: {  	v2 =	vadd.f32 v2, v3;
	v3 =	vld [tilespmem:s22+$0xFFFFFE90]  }
0x45f: {  	v8 =	vld [tilespmem:s22+$0xFFFFFE00];
	v1 =	vadd.f32 v6, v1  }
0x460: {  	v2 =	vadd.f32 v7, v2;
	v6 =	vld [tilespmem:s22+$0xFFFFFF10]  }
0x461: {  	v7 =	vld [tilespmem:s22+$0xFFFFFE80];
	v1 =	vadd.f32 v4, v1  }
0x462: {  	v2 =	vadd.f32 v5, v2;
	v4 =	vld [tilespmem:s22+$0xFFFFFF90]  }
0x463: {  	v5 =	vld [tilespmem:s22+$0xFFFFFF00];
	v1 =	vadd.f32 v3, v1  }
0x464: {  	v2 =	vadd.f32 v8, v2;
	v3 =	vld [tilespmem:s22+$0x10]  }
0x465: {  	v8 =	vld [tilespmem:s22+$0xFFFFFF80];
	v1 =	vadd.f32 v6, v1  }
0x466: {  	v2 =	vadd.f32 v7, v2;
	v6 =	vld [tilespmem:s22+$0x90]  }
0x467: {  	v7 =	vld [tilespmem:s22+$0x0];
	v1 =	vadd.f32 v4, v1  }
0x468: {  	v2 =	vadd.f32 v5, v2;
	v4 =	vld [tilespmem:s22+$0x110]  }
0x469: {  	v5 =	vld [tilespmem:s22+$0x80];
	v1 =	vadd.f32 v3, v1  }
0x46a: {  	v2 =	vadd.f32 v8, v2;
	v3 =	vld [tilespmem:s22+$0x190]  }
0x46b: {  	v8 =	vld [tilespmem:s22+$0x100];
	v1 =	vadd.f32 v6, v1  }
0x46c: {  	v2 =	vadd.f32 v7, v2;
	v6 =	vld [tilespmem:s22+$0x210]  }
0x46d: {  	v7 =	vld [tilespmem:s22+$0x180];
	v1 =	vadd.f32 v4, v1  }
0x46e: {  	v2 =	vadd.f32 v5, v2;
	v4 =	vld [tilespmem:s22+$0x290]  }
0x46f: {  	v9 =	vld [tilespmem:s22+$0x200];
	v3 =	vadd.f32 v3, v1  }
.Ltmp7:
0x470: {  	v5 =	vadd.f32 v8, v2;
	v1 =	vld [tilespmem:s22+$0x310];
	(pc) =	sbr.rel @p0 .LBB2_16-.Ltmp7, $4  }
0x471: {  	v2 =	vld [tilespmem:s22+$0x280];
	v6 =	vadd.f32 v6, v3  }
0x472: {  	v8 =	vadd.f32 v7, v5;
	v3 =	vld [tilespmem:s22+$0x390]  }
0x473: {  	v5 =	vld [tilespmem:s22+$0x300];
	v7 =	vadd.f32 v4, v6  }
0x474: {  	s24 =	sadd.s32 $0x20, s24;
	v6 =	vadd.f32 v9, v8;
	v4 =	vld [tilespmem:s22+$0x380]  }
0x475: {  	_ = 	snop  }
0x476: {  	v2 =	vadd.f32 v2, v6  }
0x477: {  	v1 =	vadd.f32 v1, v7  }
0x478: {  	v2 =	vadd.f32 v5, v2  }
0x479: {  	v1 =	vadd.f32 v3, v1  }
0x47a: {  	s20 =	sadd.s32 $0x20, s20;
	s19 =	sadd.s32 $0x1, s19;
	v2 =	vadd.f32 v4, v2  }
0x47b: {  	p0 =	sne.s32 s19, s16;
	[tilespmem:s20+$0x0] =	vst v1  }
.Ltmp8:
0x47c: {  	s25 =	simm.s32 $0x11400;
	[tilespmem:s20+$0xFFFFFFF0] =	vst v2;
	(pc) =	sbr.rel @p0 .LBB2_1-.Ltmp8, $4  }
0x47d: {  	[hbm4b:s15+s6] =	stream.linear.scatter [tilespmem:s25], [sflag:$0x4], $0x200, $0x38;
	[tilespmem:$0x11600] =	vst v63  }
0x47e: {  	_ =	swait.ge [sflag:s31], $0x200  }
0x47f: {  	s28 =	simm.s32 $0x300;
	[sflag:s31] =	ssyncset.done $0x0  }
0x480: {  	s29 =	simm.s32 $0xC00;
	s25 =	simm.s32 $0x100;
	[sflag:s31] =	ssyncadd.s32 $0xFFFFFE00  }
0x481: {  	_ =	sfence.sel $0x180000  }
0x482: {  	[bflag:$0x0] =	sbarrier.arrive $0xFFFF  }
0x483: {  	_ =	strace $0x90000047  }
0x484: {  	s0 =	stileid.u32;
	[bflag:$0x2] =	sbarrier.arrive $0xFFFF  }
0x485: {  	p0 =	sne.s32 s0, $0x0;
	s0 =	rddreg [dreg:$0x7]  }
0x486: {  	s0 =	sadd.s32 @!p0 $0x100000, s0  }
0x487: {  	[sflag:s0] =	ssyncadd.tile.s32 @!p0 $0x1;
	_ =	shalt  }
.Lfunc_end2:
_tile_overlayer_lowered:
.L_overlay_start_2:
0x488: {  	(tag) =	ssettag $0x2  }
0x489: {  	s0 =	rddreg [dreg:$0x0];
	s2 =	stileid.u32  }
0x48a: {  	s1 =	rddreg [dreg:$0x1];
	p0 =	sne.s32 s2, $0x0  }
0x48b: {  	s3 =	rddreg [dreg:$0x2];
	[bflag:$0x3] =	sbarrier.arrive $0xFFFF;
	s2 =	simm.s32 @!p0 $0x1C04  }
0x48c: {  	[timem:s3], [sflag:s2] =	dma.local @!p0 [hbm:s0], s1  }
0x48d: {  	s0 =	simm.s32 @!p0 $0x4  }
0x48e: {  	_ =	swait.ge @!p0 [sflag:s0], s1  }
0x48f: {  	s1 =	ssub.s32 @!p0 $0x0, s1;
	[sflag:s0] =	ssyncset.done @!p0 $0x0  }
0x490: {  	[sflag:s0] =	ssyncadd.s32 @!p0 s1  }
0x491: {  	[bflag:$0x3] =	sbarrier.arrive $0xFFFF  }
0x492: {  	_ =	shalt  }

</sc_bundles>
